<compile_context>
chip_gen: v7x
topology: tpu7x:2x2x1
jax: 0.10.2.dev20260603
libtpu: 0.0.44.dev20260713+nightly
codegen_flags: <defaults>
</compile_context>

<pallas_src>
import functools

import jax
import jax.numpy as jnp
import numpy as np
from jax import lax
from jax.experimental import pallas as pl
from jax.experimental.pallas import tpu as pltpu
from jax.experimental.pallas import tpu_sc as plsc

_HEADS = 12


def _col(ref, e):
    m = ref[...]
    lane = lax.broadcasted_iota(jnp.int32, m.shape, 1)
    return jnp.sum(jnp.where(lane == e, m, 0.0), axis=1, keepdims=True)


def _dispatch_kernel(nexp, t_tile, s_slots, xt_ref, gw_ref, gb_ref,
                     probs_ref, dstg_ref, tb_ref, offt_ref, endt_ref,
                     rend_ref):
    n = xt_ref.shape[1]
    nb = 2 * nexp
    f32, bf16, i32 = jnp.float32, jnp.bfloat16, jnp.int32

    lt = jnp.dot(gw_ref[...], xt_ref[...], preferred_element_type=f32)
    lt = lt + gb_ref[...]
    eidx = lax.broadcasted_iota(i32, lt.shape, 0)
    m1 = jnp.max(lt, axis=0, keepdims=True)
    idx1 = jnp.min(jnp.where(lt >= m1, eidx, nexp), axis=0, keepdims=True)
    sel1 = eidx == idx1
    lt2 = jnp.where(sel1, -1e30, lt)
    m2 = jnp.max(lt2, axis=0, keepdims=True)
    idx2 = jnp.min(jnp.where(lt2 >= m2, eidx, nexp), axis=0, keepdims=True)
    z = jnp.exp(m2 - m1)
    p1 = 1.0 / (1.0 + z)
    p2 = z / (1.0 + z)
    probs_ref[...] = jnp.concatenate([p1, p2], axis=0).T

    b0 = 2 * idx1
    b1 = 2 * idx2 + 1
    riota = lax.broadcasted_iota(i32, (nb, n), 0)
    sel0b = riota == b0
    sel1b = riota == b1
    m16 = (sel0b | sel1b).astype(bf16)
    ri = lax.broadcasted_iota(i32, (n, n), 0)
    ci = lax.broadcasted_iota(i32, (n, n), 1)
    ltri = (ri <= ci).astype(bf16)
    cum = jnp.dot(m16, ltri, preferred_element_type=f32)
    counts = jnp.sum(m16.astype(f32), axis=1, keepdims=True)
    pc = jnp.floor((counts + (t_tile - 1)) * (1.0 / t_tile)) * t_tile
    bi = lax.broadcasted_iota(i32, (nb, nb), 0)
    bj = lax.broadcasted_iota(i32, (nb, nb), 1)
    slt = (bj < bi).astype(bf16)
    offs = jnp.dot(slt, pc.astype(bf16), preferred_element_type=f32)
    rank0 = jnp.sum(jnp.where(sel0b, cum - 1.0, 0.0), axis=0, keepdims=True)
    rank1 = jnp.sum(jnp.where(sel1b, cum - 1.0, 0.0), axis=0, keepdims=True)
    o0 = jnp.sum(jnp.where(sel0b, offs, 0.0), axis=0, keepdims=True)
    o1 = jnp.sum(jnp.where(sel1b, offs, 0.0), axis=0, keepdims=True)
    dst0 = o0 + rank0
    dst1 = o1 + rank1
    dstg_ref[...] = jnp.concatenate([dst0, dst1], axis=1).astype(i32)

    nt = s_slots // t_tile
    offt_f = offs * (1.0 / t_tile)
    ntb = pc * (1.0 / t_tile)
    ti = lax.broadcasted_iota(i32, (nb, nt), 1).astype(f32)
    tb = jnp.sum((offt_f <= ti).astype(f32), axis=0, keepdims=True) - 1.0
    used = jnp.sum(ntb, axis=0, keepdims=True)
    ti1 = lax.broadcasted_iota(i32, (1, nt), 1).astype(f32)
    tb = jnp.where(ti1 < used, tb, -1.0)
    tb_ref[...] = tb.astype(i32)
    offt_ref[...] = offt_f.T.astype(i32)
    endt_ref[...] = (offt_f + ntb).T.astype(i32)
    rend_ref[...] = (offs + counts).T.astype(i32)


def _gqkv_kernel(tb_ref, xs_ref, g_ref, b_ref, wt_ref, inb_ref,
                 q_ref, k_ref, v_ref):
    @pl.when(tb_ref[pl.program_id(0)] >= 0)
    def _():
        xs = xs_ref[...]
        mu = jnp.mean(xs, axis=-1, keepdims=True)
        va = jnp.mean((xs - mu) ** 2, axis=-1, keepdims=True)
        h = (xs - mu) * lax.rsqrt(va + 1e-5) * g_ref[0] + b_ref[0]
        acc = jnp.dot(h.astype(jnp.bfloat16), wt_ref[0],
                      preferred_element_type=jnp.float32)
        qkv = (acc + inb_ref[0]).astype(jnp.bfloat16)
        e = qkv.shape[1] // 3
        q_ref[...] = qkv[:, :e]
        k_ref[...] = qkv[:, e:2 * e]
        v_ref[...] = qkv[:, 2 * e:]


def _attn_block(head_dim, t_tile, b, t0, t1, rend, q2, k_ref, v_ref):
    f32, bf16 = jnp.float32, jnp.bfloat16
    tq, chw = q2.shape
    nh = chw // head_dim
    scale = 1.0 / float(np.sqrt(head_dim))
    kvt = 2 * t_tile
    rowi = lax.broadcasted_iota(jnp.int32, (kvt, 1), 0)
    coli = lax.broadcasted_iota(jnp.int32, (1, kvt), 1)
    niter = (t1 - t0 + 1) // 2

    def body(i, car):
        base = t0 * t_tile + i * kvt
        kt = k_ref[pl.ds(base, kvt), :]
        vt = v_ref[pl.ds(base, kvt), :]
        vt = jnp.where(base + rowi < rend, vt, jnp.bfloat16(0.0))
        vc = base + coli < rend
        new = []
        for hh in range(nh):
            sl = slice(hh * head_dim, (hh + 1) * head_dim)
            m_o, l_o, a_o = car[hh]
            s = lax.dot_general(q2[:, sl], kt[:, sl], (((1,), (1,)), ((), ())),
                                preferred_element_type=f32) * scale
            s = jnp.where(vc, s, -1e30)
            m_n = jnp.maximum(m_o, jnp.max(s, axis=-1, keepdims=True))
            corr = jnp.exp(m_o - m_n)
            p = jnp.exp(s - m_n)
            l_n = l_o * corr + jnp.sum(p, axis=-1, keepdims=True)
            a_n = a_o * corr + jnp.dot(p.astype(bf16), vt[:, sl],
                                       preferred_element_type=f32)
            new.append((m_n, l_n, a_n))
        return tuple(new)

    init = tuple((jnp.full((tq, 1), -1e30, f32), jnp.zeros((tq, 1), f32),
                  jnp.zeros((tq, head_dim), f32)) for _ in range(nh))
    fin = lax.fori_loop(0, niter, body, init)
    outs = [a / jnp.where(l == 0.0, 1.0, l) for (_, l, a) in fin]
    return jnp.concatenate(outs, axis=-1).astype(bf16)


def _gblock_kernel(head_dim, t_tile, tb_ref, offt_ref, endt_ref, rend_ref,
                   q_ref, k_hbm, v_hbm, xs_ref, owt_ref, ob_ref, g2_ref,
                   b2ln_ref, w1t_ref, b1_ref, w2t_ref, b2_ref, ys_ref,
                   k_scr, v_scr, sem):
    t = pl.program_id(0)

    @pl.when(t == 0)
    def _load_kv():
        pltpu.async_copy(k_hbm, k_scr, sem).wait()
        pltpu.async_copy(v_hbm, v_scr, sem).wait()

    b = tb_ref[t]

    @pl.when(b >= 0)
    def _():
        ao = _attn_block(head_dim, t_tile, b, offt_ref[b], endt_ref[b],
                         rend_ref[b], q_ref[...], k_scr, v_scr)
        o = jnp.dot(ao, owt_ref[0], preferred_element_type=jnp.float32)
        o = o + ob_ref[0]
        x1 = xs_ref[...] + o
        mu = jnp.mean(x1, axis=-1, keepdims=True)
        va = jnp.mean((x1 - mu) ** 2, axis=-1, keepdims=True)
        h2 = (x1 - mu) * lax.rsqrt(va + 1e-5) * g2_ref[0] + b2ln_ref[0]
        tt = jnp.dot(h2.astype(jnp.bfloat16), w1t_ref[0],
                     preferred_element_type=jnp.float32)
        tt = (tt + b1_ref[0]).astype(jnp.bfloat16)
        tt = tt * jnp.bfloat16(0.5) * (jnp.bfloat16(1.0) + lax.erf(
            tt * jnp.bfloat16(1.0 / np.sqrt(2.0))))
        mlp = jnp.dot(tt, w2t_ref[0], preferred_element_type=jnp.float32)
        ys_ref[...] = x1 + mlp + b2_ref[0]


def _combine_kernel(y0_ref, y1_ref, p_ref, out_ref):
    out_ref[...] = (_col(p_ref, 0) * y0_ref[...]
                    + _col(p_ref, 1) * y1_ref[...])


def _sc_scatter_x(xf, dstg, s_slots):
    n, d = xf.shape
    nwork, rpw = dstg.shape
    info = plsc.get_sparse_core_info()
    nc = info.num_cores
    mesh = plsc.VectorSubcoreMesh(core_axis_name="c", subcore_axis_name="s")

    @functools.partial(
        pl.kernel, mesh=mesh,
        out_type=jax.ShapeDtypeStruct((s_slots, d), xf.dtype),
        scratch_types=[
            pltpu.VMEM((rpw,), jnp.int32),
            pltpu.VMEM((rpw, d), xf.dtype),
            pltpu.SemaphoreType.DMA,
        ],
    )
    def k(x_hbm, idx_hbm, out_hbm, idx_v, rows_v, sem):
        wid = lax.axis_index("s") * nc + lax.axis_index("c")
        pltpu.sync_copy(idx_hbm.at[wid], idx_v)
        src = lax.rem(wid * rpw, n)
        pltpu.sync_copy(x_hbm.at[pl.ds(src, rpw)], rows_v)
        pltpu.async_copy(rows_v, out_hbm.at[idx_v], sem).wait()

    return k(xf, dstg)


def _sc_gather_y(ys, dstg):
    _, d = ys.shape
    nwork, rpw = dstg.shape
    info = plsc.get_sparse_core_info()
    nc = info.num_cores
    mesh = plsc.VectorSubcoreMesh(core_axis_name="c", subcore_axis_name="s")

    @functools.partial(
        pl.kernel, mesh=mesh,
        out_type=jax.ShapeDtypeStruct((nwork * rpw, d), ys.dtype),
        scratch_types=[
            pltpu.VMEM((rpw,), jnp.int32),
            pltpu.VMEM((rpw, d), ys.dtype),
            pltpu.SemaphoreType.DMA,
        ],
    )
    def k(ys_hbm, idx_hbm, out_hbm, idx_v, rows_v, sem):
        wid = lax.axis_index("s") * nc + lax.axis_index("c")
        pltpu.sync_copy(idx_hbm.at[wid], idx_v)
        pltpu.async_copy(ys_hbm.at[idx_v], rows_v, sem).wait()
        pltpu.sync_copy(rows_v, out_hbm.at[pl.ds(wid * rpw, rpw)])

    return k(ys, dstg)


def kernel(x, gate_w, gate_b, ln1g, ln1b, inw, inb, outw, outb,
           ln2g, ln2b, w1, b1, w2, b2):
    bsz, n, emb = x.shape
    nexp, three_e, _ = inw.shape
    hid = w1.shape[1]
    heads = _HEADS
    hd = emb // heads
    nb = 2 * nexp
    f32, bf16, i32 = jnp.float32, jnp.bfloat16, jnp.int32

    tt = 256 if n % 256 == 0 else 8
    s_slots = ((2 * n + nb * (tt - 1) + tt - 1) // tt) * tt + tt
    nt = s_slots // tt

    xf = x.reshape(n, emb)
    xt = jnp.swapaxes(xf, 0, 1)
    inwt = jnp.swapaxes(inw, 1, 2).astype(bf16)
    outwt = jnp.swapaxes(outw, 1, 2).astype(bf16)
    w1t = jnp.swapaxes(w1, 1, 2).astype(bf16)
    w2t = jnp.swapaxes(w2, 1, 2).astype(bf16)
    ln1g3 = ln1g.reshape(nexp, 1, emb)
    ln1b3 = ln1b.reshape(nexp, 1, emb)
    inb3 = inb.reshape(nexp, 1, three_e)
    outb3 = outb.reshape(nexp, 1, emb)
    ln2g3 = ln2g.reshape(nexp, 1, emb)
    ln2b3 = ln2b.reshape(nexp, 1, emb)
    b13 = b1.reshape(nexp, 1, hid)
    b23 = b2.reshape(nexp, 1, emb)
    gb2 = gate_b.reshape(nexp, 1)

    probs2, dstg, tb2, offt2, endt2, rend2 = pl.pallas_call(
        functools.partial(_dispatch_kernel, nexp, tt, s_slots),
        out_shape=[
            jax.ShapeDtypeStruct((n, 2), f32),
            jax.ShapeDtypeStruct((1, 2 * n), i32),
            jax.ShapeDtypeStruct((1, nt), i32),
            jax.ShapeDtypeStruct((1, nb), i32),
            jax.ShapeDtypeStruct((1, nb), i32),
            jax.ShapeDtypeStruct((1, nb), i32),
        ],
    )(xt, gate_w, gb2)
    tb = tb2.reshape(nt)
    offt = offt2.reshape(nb)
    endt = endt2.reshape(nb)
    rend = rend2.reshape(nb)

    nwork = 32
    dstg2 = dstg.reshape(nwork, (2 * n) // nwork)
    xs = _sc_scatter_x(xf, dstg2, s_slots)

    qkvs = pl.pallas_call(
        _gqkv_kernel,
        grid_spec=pltpu.PrefetchScalarGridSpec(
            num_scalar_prefetch=1,
            grid=(nt,),
            in_specs=[
                pl.BlockSpec((tt, emb), lambda t, tb: (t, 0)),
                pl.BlockSpec((1, 1, emb), lambda t, tb: (jnp.maximum(tb[t], 0) // 2, 0, 0)),
                pl.BlockSpec((1, 1, emb), lambda t, tb: (jnp.maximum(tb[t], 0) // 2, 0, 0)),
                pl.BlockSpec((1, emb, three_e), lambda t, tb: (jnp.maximum(tb[t], 0) // 2, 0, 0)),
                pl.BlockSpec((1, 1, three_e), lambda t, tb: (jnp.maximum(tb[t], 0) // 2, 0, 0)),
            ],
            out_specs=[
                pl.BlockSpec((tt, emb), lambda t, tb: (t, 0)),
                pl.BlockSpec((tt, emb), lambda t, tb: (t, 0)),
                pl.BlockSpec((tt, emb), lambda t, tb: (t, 0)),
            ],
        ),
        out_shape=[
            jax.ShapeDtypeStruct((s_slots, emb), bf16),
            jax.ShapeDtypeStruct((s_slots, emb), bf16),
            jax.ShapeDtypeStruct((s_slots, emb), bf16),
        ],
    )(tb, xs, ln1g3, ln1b3, inwt, inb3)
    qs, ks, vs = qkvs

    ys = pl.pallas_call(
        functools.partial(_gblock_kernel, hd, tt),
        grid_spec=pltpu.PrefetchScalarGridSpec(
            num_scalar_prefetch=4,
            grid=(nt,),
            in_specs=[
                pl.BlockSpec((tt, emb), lambda t, *_: (t, 0)),
                pl.BlockSpec(memory_space=pl.ANY),
                pl.BlockSpec(memory_space=pl.ANY),
                pl.BlockSpec((tt, emb), lambda t, *_: (t, 0)),
                pl.BlockSpec((1, emb, emb), lambda t, tb, *_: (jnp.maximum(tb[t], 0) // 2, 0, 0)),
                pl.BlockSpec((1, 1, emb), lambda t, tb, *_: (jnp.maximum(tb[t], 0) // 2, 0, 0)),
                pl.BlockSpec((1, 1, emb), lambda t, tb, *_: (jnp.maximum(tb[t], 0) // 2, 0, 0)),
                pl.BlockSpec((1, 1, emb), lambda t, tb, *_: (jnp.maximum(tb[t], 0) // 2, 0, 0)),
                pl.BlockSpec((1, emb, hid), lambda t, tb, *_: (jnp.maximum(tb[t], 0) // 2, 0, 0)),
                pl.BlockSpec((1, 1, hid), lambda t, tb, *_: (jnp.maximum(tb[t], 0) // 2, 0, 0)),
                pl.BlockSpec((1, hid, emb), lambda t, tb, *_: (jnp.maximum(tb[t], 0) // 2, 0, 0)),
                pl.BlockSpec((1, 1, emb), lambda t, tb, *_: (jnp.maximum(tb[t], 0) // 2, 0, 0)),
            ],
            out_specs=pl.BlockSpec((tt, emb), lambda t, *_: (t, 0)),
            scratch_shapes=[
                pltpu.VMEM((s_slots, emb), bf16),
                pltpu.VMEM((s_slots, emb), bf16),
                pltpu.SemaphoreType.DMA,
            ],
        ),
        out_shape=jax.ShapeDtypeStruct((s_slots, emb), f32),
        compiler_params=pltpu.CompilerParams(
            vmem_limit_bytes=64 * 1024 * 1024),
    )(tb, offt, endt, rend, qs, ks, vs, xs, outwt, outb3, ln2g3, ln2b3,
      w1t, b13, w2t, b23)

    yg = _sc_gather_y(ys, dstg2)

    rt = min(1024, n)
    nrt = n // rt
    out = pl.pallas_call(
        _combine_kernel,
        grid=(nrt,),
        in_specs=[
            pl.BlockSpec((rt, emb), lambda t: (t, 0)),
            pl.BlockSpec((rt, emb), lambda t: (t + nrt, 0)),
            pl.BlockSpec((rt, 2), lambda t: (t, 0)),
        ],
        out_specs=pl.BlockSpec((rt, emb), lambda t: (t, 0)),
        out_shape=jax.ShapeDtypeStruct((n, emb), f32),
    )(yg, yg, probs2)

    return out.reshape(bsz, n, emb)

# --- scband reference (transcript-rebuilt; emitter-appended) ---
"""Pipeline reference for scband-mo-e-80556406603831 (READ-ONLY COPY).

The authoritative reference and input builder live on the scoring server;
editing this copy changes nothing except your own understanding.
"""

import jax, jax.numpy as jnp
import numpy as np

EMB = 768
HEADS = 12
NEXP = 8
TOPK = 2
HID = 3072
B = 1
N = 2048
HEAD_DIM = EMB // HEADS


def _layer_norm(x, g, b):
    m = jnp.mean(x, axis=-1, keepdims=True)
    v = jnp.var(x, axis=-1, keepdims=True)
    return (x - m) / jnp.sqrt(v + 1e-5) * g + b


def _expert(t, mask, ln1g, ln1b, inw, inb, outw, outb, ln2g, ln2b, w1, b1, w2, b2):
    # Faithful to torch: the selected tokens form an unbatched sequence for
    # nn.MultiheadAttention; here expressed as masked attention over the full
    # sequence (softmax attention is invariant to excluded keys). Dropout is
    # identity (eval mode).
    h = _layer_norm(t, ln1g, ln1b)
    L = h.shape[0]
    qkv = h @ inw.T + inb
    q, k, v = jnp.split(qkv, 3, axis=-1)
    q = q.reshape(L, HEADS, HEAD_DIM).transpose(1, 0, 2)
    k = k.reshape(L, HEADS, HEAD_DIM).transpose(1, 0, 2)
    v = v.reshape(L, HEADS, HEAD_DIM).transpose(1, 0, 2)
    scores = (q @ k.transpose(0, 2, 1)) / float(np.sqrt(HEAD_DIM))
    masked = jnp.where(mask[None, None, :], scores, -jnp.inf)
    m = jnp.max(masked, axis=-1, keepdims=True)
    m = jnp.where(jnp.isfinite(m), m, 0.0)
    ex = jnp.where(mask[None, None, :], jnp.exp(masked - m), 0.0)
    denom = jnp.sum(ex, axis=-1, keepdims=True)
    a = ex / jnp.where(denom == 0.0, 1.0, denom)
    o = (a @ v).transpose(1, 0, 2).reshape(L, EMB)
    o = o @ outw.T + outb
    x1 = t + o
    h2 = _layer_norm(x1, ln2g, ln2b)
    h2 = jax.nn.gelu(h2 @ w1.T + b1, approximate=False) @ w2.T + b2
    return x1 + h2


def setup_inputs(seed: int = 0):
    key = jax.random.key(seed)
    ks = jax.random.split(key, 8)
    s = 0.02
    return {
        "x": jax.random.normal(ks[0], (B, N, EMB), dtype=jnp.float32),
        "gate_w": jax.random.normal(ks[1], (NEXP, EMB), dtype=jnp.float32) * s,
        "gate_b": jnp.zeros((NEXP,), dtype=jnp.float32),
        "ln1g": jnp.ones((NEXP, EMB), dtype=jnp.float32),
        "ln1b": jnp.zeros((NEXP, EMB), dtype=jnp.float32),
        "inw": jax.random.normal(ks[2], (NEXP, 3 * EMB, EMB), dtype=jnp.float32) * s,
        "inb": jnp.zeros((NEXP, 3 * EMB), dtype=jnp.float32),
        "outw": jax.random.normal(ks[3], (NEXP, EMB, EMB), dtype=jnp.float32) * s,
        "outb": jnp.zeros((NEXP, EMB), dtype=jnp.float32),
        "ln2g": jnp.ones((NEXP, EMB), dtype=jnp.float32),
        "ln2b": jnp.zeros((NEXP, EMB), dtype=jnp.float32),
        "w1": jax.random.normal(ks[4], (NEXP, HID, EMB), dtype=jnp.float32) * s,
        "b1": jnp.zeros((NEXP, HID), dtype=jnp.float32),
        "w2": jax.random.normal(ks[5], (NEXP, EMB, HID), dtype=jnp.float32) * s,
        "b2": jnp.zeros((NEXP, EMB), dtype=jnp.float32),
    }


def reference(x, gate_w, gate_b, ln1g, ln1b, inw, inb, outw, outb, ln2g, ln2b, w1, b1, w2, b2):
    Bx, Nx, E = x.shape
    xf = x.reshape(-1, E)
    logits = xf @ gate_w.T + gate_b
    topk_val, topk_idx = jax.lax.top_k(logits, TOPK)
    probs = jax.nn.softmax(topk_val, axis=-1)
    out = jnp.zeros_like(xf)
    for k in range(TOPK):
        for e in range(NEXP):
            sel = topk_idx[:, k] == e
            to = _expert(xf, sel, ln1g[e], ln1b[e], inw[e], inb[e], outw[e], outb[e],
                         ln2g[e], ln2b[e], w1[e], b1[e], w2[e], b2[e])
            wgt = probs[:, k][:, None]
            out = out + jnp.where(sel[:, None], to * wgt, 0.0)
    return out.reshape(Bx, Nx, E)

if __name__ == "__main__":
    import jax
    _d = setup_inputs()
    print(jax.jit(kernel)(*tuple(_d.values())))

</pallas_src>

<mosaic_0001>
#map = affine_map<(d0, d1) -> (0, 0)>
module attributes {stable_mosaic.version = 14 : i64} {
  func.func @k(%arg0: i32, %arg1: i32, %arg2: memref<8448x768xf32, #tpu.memory_space<hbm>>, %arg3: memref<32x128xi32, #tpu.memory_space<hbm>>, %arg4: memref<4096x768xf32, #tpu.memory_space<hbm>>, %arg5: memref<128xi32, #tpu.memory_space<vmem>>, %arg6: memref<128x768xf32, #tpu.memory_space<vmem>>, %arg7: memref<!tpu.dma_semaphore, #tpu.memory_space<semaphore_mem>>) attributes {dimension_semantics = [#tpu.dimension_semantics<core_parallel>, #tpu.dimension_semantics<subcore_parallel>], iteration_bounds = array<i64: 2, 16>, scalar_prefetch = 0 : i64, scratch_operands = 3 : i64, tpu.core_type = #tpu.core_type<sc_vector_subcore>, window_params = [{transform_indices = #map}, {transform_indices = #map}, {transform_indices = #map}]} {
    %mul3A = arith.constant 2 : i32
    %mul3A_0 = arith.muli %arg1, %mul3A : i32
    %add3A = arith.addi %mul3A_0, %arg0 : i32
    "tpu.region"() ({
      %run_scoped3A = tpu.sem_alloc : memref<!tpu.dma_semaphore, #tpu.memory_space<semaphore_mem>>
      %dma_start3A_7 = arith.constant 0 : i32
      %dma_start3A_8 = tpu.memref_slice %arg3[%add3A, %dma_start3A_7] : memref<32x128xi32, #tpu.memory_space<hbm>> -> memref<1x128xi32, #tpu.memory_space<hbm>>
      %dma_start3A_9 = tpu.memref_squeeze %dma_start3A_8 : memref<1x128xi32, #tpu.memory_space<hbm>> -> memref<128xi32, #tpu.memory_space<hbm>>
      %dma_start3A_10 = arith.constant 0 : i32
      %dma_start3A_11 = tpu.memref_slice %arg3[%add3A, %dma_start3A_10] : memref<32x128xi32, #tpu.memory_space<hbm>> -> memref<1x128xi32, #tpu.memory_space<hbm>>
      %dma_start3A_12 = tpu.memref_squeeze %dma_start3A_11 : memref<1x128xi32, #tpu.memory_space<hbm>> -> memref<128xi32, #tpu.memory_space<hbm>>
      tpu.enqueue_dma source(%dma_start3A_12 : memref<128xi32, #tpu.memory_space<hbm>>) target(%arg5 : memref<128xi32, #tpu.memory_space<vmem>>) target_semaphore(%run_scoped3A : memref<!tpu.dma_semaphore, #tpu.memory_space<semaphore_mem>>)
      %dma_wait3A_13 = arith.constant 0 : i32
      %dma_wait3A_14 = tpu.memref_slice %arg3[%add3A, %dma_wait3A_13] : memref<32x128xi32, #tpu.memory_space<hbm>> -> memref<1x128xi32, #tpu.memory_space<hbm>>
      %dma_wait3A_15 = tpu.memref_squeeze %dma_wait3A_14 : memref<1x128xi32, #tpu.memory_space<hbm>> -> memref<128xi32, #tpu.memory_space<hbm>>
      %dma_wait3A_16 = arith.constant 0 : i32
      %dma_wait3A_17 = tpu.memref_slice %arg3[%add3A, %dma_wait3A_16] : memref<32x128xi32, #tpu.memory_space<hbm>> -> memref<1x128xi32, #tpu.memory_space<hbm>>
      %dma_wait3A_18 = tpu.memref_squeeze %dma_wait3A_17 : memref<1x128xi32, #tpu.memory_space<hbm>> -> memref<128xi32, #tpu.memory_space<hbm>>
      tpu.wait_dma2 semaphore(%run_scoped3A : memref<!tpu.dma_semaphore, #tpu.memory_space<semaphore_mem>>) src(%dma_wait3A_18 : memref<128xi32, #tpu.memory_space<hbm>>) dst(%arg5 : memref<128xi32, #tpu.memory_space<vmem>>)
      tpu.yield
    }) : () -> ()
    %dma_start3A = arith.constant 0 : i32
    %dma_start3A_1 = arith.constant 0 : i32
    %dma_start3A_2 = tpu.memref_slice %arg2[%dma_start3A, %dma_start3A_1] : memref<8448x768xf32, #tpu.memory_space<hbm>> -> memref<8448x768xf32, #tpu.memory_space<hbm>>
    tpu.enqueue_indirect_dma source(%dma_start3A_2 : memref<8448x768xf32, #tpu.memory_space<hbm>>) target(%arg6 : memref<128x768xf32, #tpu.memory_space<vmem>>) offsets(%arg5 : memref<128xi32, #tpu.memory_space<vmem>>) semaphore(%arg7 : memref<!tpu.dma_semaphore, #tpu.memory_space<semaphore_mem>>)
    %dma_wait3A = arith.constant 0 : i32
    %dma_wait3A_3 = arith.constant 0 : i32
    %dma_wait3A_4 = tpu.memref_slice %arg2[%dma_wait3A, %dma_wait3A_3] : memref<8448x768xf32, #tpu.memory_space<hbm>> -> memref<8448x768xf32, #tpu.memory_space<hbm>>
    tpu.wait_indirect_dma semaphore(%arg7 : memref<!tpu.dma_semaphore, #tpu.memory_space<semaphore_mem>>) src(%dma_wait3A_4 : memref<8448x768xf32, #tpu.memory_space<hbm>>) dst(%arg6 : memref<128x768xf32, #tpu.memory_space<vmem>>)
    %mul3A_5 = arith.constant 128 : i32
    %mul3A_6 = arith.muli %add3A, %mul3A_5 : i32
    "tpu.region"() ({
      %run_scoped3A = tpu.sem_alloc : memref<!tpu.dma_semaphore, #tpu.memory_space<semaphore_mem>>
      %dma_start3A_7 = arith.constant 0 : i32
      %dma_start3A_8 = tpu.memref_slice %arg4[%mul3A_6, %dma_start3A_7] : memref<4096x768xf32, #tpu.memory_space<hbm>> -> memref<128x768xf32, #tpu.memory_space<hbm>>
      %dma_start3A_9 = arith.constant 0 : i32
      %dma_start3A_10 = tpu.memref_slice %arg4[%mul3A_6, %dma_start3A_9] : memref<4096x768xf32, #tpu.memory_space<hbm>> -> memref<128x768xf32, #tpu.memory_space<hbm>>
      tpu.enqueue_dma source(%arg6 : memref<128x768xf32, #tpu.memory_space<vmem>>) target(%dma_start3A_10 : memref<128x768xf32, #tpu.memory_space<hbm>>) target_semaphore(%run_scoped3A : memref<!tpu.dma_semaphore, #tpu.memory_space<semaphore_mem>>)
      %dma_wait3A_11 = arith.constant 0 : i32
      %dma_wait3A_12 = tpu.memref_slice %arg4[%mul3A_6, %dma_wait3A_11] : memref<4096x768xf32, #tpu.memory_space<hbm>> -> memref<128x768xf32, #tpu.memory_space<hbm>>
      %dma_wait3A_13 = arith.constant 0 : i32
      %dma_wait3A_14 = tpu.memref_slice %arg4[%mul3A_6, %dma_wait3A_13] : memref<4096x768xf32, #tpu.memory_space<hbm>> -> memref<128x768xf32, #tpu.memory_space<hbm>>
      tpu.wait_dma2 semaphore(%run_scoped3A : memref<!tpu.dma_semaphore, #tpu.memory_space<semaphore_mem>>) src(%arg6 : memref<128x768xf32, #tpu.memory_space<vmem>>) dst(%dma_wait3A_14 : memref<128x768xf32, #tpu.memory_space<hbm>>)
      tpu.yield
    }) : () -> ()
    return
  }
}

#map = affine_map<(d0, d1) -> (0, 0)>
module attributes {stable_mosaic.version = 14 : i64} {
  func.func @k(%arg0: i32, %arg1: i32, %arg2: memref<2048x768xf32, #tpu.memory_space<hbm>>, %arg3: memref<32x128xi32, #tpu.memory_space<hbm>>, %arg4: memref<8448x768xf32, #tpu.memory_space<hbm>>, %arg5: memref<128xi32, #tpu.memory_space<vmem>>, %arg6: memref<128x768xf32, #tpu.memory_space<vmem>>, %arg7: memref<!tpu.dma_semaphore, #tpu.memory_space<semaphore_mem>>) attributes {dimension_semantics = [#tpu.dimension_semantics<core_parallel>, #tpu.dimension_semantics<subcore_parallel>], iteration_bounds = array<i64: 2, 16>, scalar_prefetch = 0 : i64, scratch_operands = 3 : i64, tpu.core_type = #tpu.core_type<sc_vector_subcore>, window_params = [{transform_indices = #map}, {transform_indices = #map}, {transform_indices = #map}]} {
    %mul3A = arith.constant 2 : i32
    %mul3A_0 = arith.muli %arg1, %mul3A : i32
    %add3A = arith.addi %mul3A_0, %arg0 : i32
    "tpu.region"() ({
      %run_scoped3A = tpu.sem_alloc : memref<!tpu.dma_semaphore, #tpu.memory_space<semaphore_mem>>
      %dma_start3A_8 = arith.constant 0 : i32
      %dma_start3A_9 = tpu.memref_slice %arg3[%add3A, %dma_start3A_8] : memref<32x128xi32, #tpu.memory_space<hbm>> -> memref<1x128xi32, #tpu.memory_space<hbm>>
      %dma_start3A_10 = tpu.memref_squeeze %dma_start3A_9 : memref<1x128xi32, #tpu.memory_space<hbm>> -> memref<128xi32, #tpu.memory_space<hbm>>
      %dma_start3A_11 = arith.constant 0 : i32
      %dma_start3A_12 = tpu.memref_slice %arg3[%add3A, %dma_start3A_11] : memref<32x128xi32, #tpu.memory_space<hbm>> -> memref<1x128xi32, #tpu.memory_space<hbm>>
      %dma_start3A_13 = tpu.memref_squeeze %dma_start3A_12 : memref<1x128xi32, #tpu.memory_space<hbm>> -> memref<128xi32, #tpu.memory_space<hbm>>
      tpu.enqueue_dma source(%dma_start3A_13 : memref<128xi32, #tpu.memory_space<hbm>>) target(%arg5 : memref<128xi32, #tpu.memory_space<vmem>>) target_semaphore(%run_scoped3A : memref<!tpu.dma_semaphore, #tpu.memory_space<semaphore_mem>>)
      %dma_wait3A_14 = arith.constant 0 : i32
      %dma_wait3A_15 = tpu.memref_slice %arg3[%add3A, %dma_wait3A_14] : memref<32x128xi32, #tpu.memory_space<hbm>> -> memref<1x128xi32, #tpu.memory_space<hbm>>
      %dma_wait3A_16 = tpu.memref_squeeze %dma_wait3A_15 : memref<1x128xi32, #tpu.memory_space<hbm>> -> memref<128xi32, #tpu.memory_space<hbm>>
      %dma_wait3A_17 = arith.constant 0 : i32
      %dma_wait3A_18 = tpu.memref_slice %arg3[%add3A, %dma_wait3A_17] : memref<32x128xi32, #tpu.memory_space<hbm>> -> memref<1x128xi32, #tpu.memory_space<hbm>>
      %dma_wait3A_19 = tpu.memref_squeeze %dma_wait3A_18 : memref<1x128xi32, #tpu.memory_space<hbm>> -> memref<128xi32, #tpu.memory_space<hbm>>
      tpu.wait_dma2 semaphore(%run_scoped3A : memref<!tpu.dma_semaphore, #tpu.memory_space<semaphore_mem>>) src(%dma_wait3A_19 : memref<128xi32, #tpu.memory_space<hbm>>) dst(%arg5 : memref<128xi32, #tpu.memory_space<vmem>>)
      tpu.yield
    }) : () -> ()
    %mul3A_1 = arith.constant 128 : i32
    %mul3A_2 = arith.muli %add3A, %mul3A_1 : i32
    %rem3A = arith.constant 2048 : i32
    %rem3A_3 = arith.remsi %mul3A_2, %rem3A : i32
    "tpu.region"() ({
      %run_scoped3A = tpu.sem_alloc : memref<!tpu.dma_semaphore, #tpu.memory_space<semaphore_mem>>
      %dma_start3A_8 = arith.constant 0 : i32
      %dma_start3A_9 = tpu.memref_slice %arg2[%rem3A_3, %dma_start3A_8] : memref<2048x768xf32, #tpu.memory_space<hbm>> -> memref<128x768xf32, #tpu.memory_space<hbm>>
      %dma_start3A_10 = arith.constant 0 : i32
      %dma_start3A_11 = tpu.memref_slice %arg2[%rem3A_3, %dma_start3A_10] : memref<2048x768xf32, #tpu.memory_space<hbm>> -> memref<128x768xf32, #tpu.memory_space<hbm>>
      tpu.enqueue_dma source(%dma_start3A_11 : memref<128x768xf32, #tpu.memory_space<hbm>>) target(%arg6 : memref<128x768xf32, #tpu.memory_space<vmem>>) target_semaphore(%run_scoped3A : memref<!tpu.dma_semaphore, #tpu.memory_space<semaphore_mem>>)
      %dma_wait3A_12 = arith.constant 0 : i32
      %dma_wait3A_13 = tpu.memref_slice %arg2[%rem3A_3, %dma_wait3A_12] : memref<2048x768xf32, #tpu.memory_space<hbm>> -> memref<128x768xf32, #tpu.memory_space<hbm>>
      %dma_wait3A_14 = arith.constant 0 : i32
      %dma_wait3A_15 = tpu.memref_slice %arg2[%rem3A_3, %dma_wait3A_14] : memref<2048x768xf32, #tpu.memory_space<hbm>> -> memref<128x768xf32, #tpu.memory_space<hbm>>
      tpu.wait_dma2 semaphore(%run_scoped3A : memref<!tpu.dma_semaphore, #tpu.memory_space<semaphore_mem>>) src(%dma_wait3A_15 : memref<128x768xf32, #tpu.memory_space<hbm>>) dst(%arg6 : memref<128x768xf32, #tpu.memory_space<vmem>>)
      tpu.yield
    }) : () -> ()
    %dma_start3A = arith.constant 0 : i32
    %dma_start3A_4 = arith.constant 0 : i32
    %dma_start3A_5 = tpu.memref_slice %arg4[%dma_start3A, %dma_start3A_4] : memref<8448x768xf32, #tpu.memory_space<hbm>> -> memref<8448x768xf32, #tpu.memory_space<hbm>>
    tpu.enqueue_indirect_dma source(%arg6 : memref<128x768xf32, #tpu.memory_space<vmem>>) target(%dma_start3A_5 : memref<8448x768xf32, #tpu.memory_space<hbm>>) offsets(%arg5 : memref<128xi32, #tpu.memory_space<vmem>>) semaphore(%arg7 : memref<!tpu.dma_semaphore, #tpu.memory_space<semaphore_mem>>)
    %dma_wait3A = arith.constant 0 : i32
    %dma_wait3A_6 = arith.constant 0 : i32
    %dma_wait3A_7 = tpu.memref_slice %arg4[%dma_wait3A, %dma_wait3A_6] : memref<8448x768xf32, #tpu.memory_space<hbm>> -> memref<8448x768xf32, #tpu.memory_space<hbm>>
    tpu.wait_indirect_dma semaphore(%arg7 : memref<!tpu.dma_semaphore, #tpu.memory_space<semaphore_mem>>) src(%arg6 : memref<128x768xf32, #tpu.memory_space<vmem>>) dst(%dma_wait3A_7 : memref<8448x768xf32, #tpu.memory_space<hbm>>)
    return
  }
}

module attributes {stable_mosaic.version = 14 : i64} {
  func.func @_dispatch_kernel(%arg0: memref<768x2048xf32, #tpu.memory_space<vmem>>, %arg1: memref<8x768xf32, #tpu.memory_space<vmem>>, %arg2: memref<8x1xf32, #tpu.memory_space<vmem>>, %arg3: memref<2048x2xf32, #tpu.memory_space<vmem>>, %arg4: memref<1x4096xi32, #tpu.memory_space<vmem>>, %arg5: memref<1x33xi32, #tpu.memory_space<vmem>>, %arg6: memref<1x16xi32, #tpu.memory_space<vmem>>, %arg7: memref<1x16xi32, #tpu.memory_space<vmem>>, %arg8: memref<1x16xi32, #tpu.memory_space<vmem>>) attributes {dimension_semantics = [], scalar_prefetch = 0 : i64, scratch_operands = 0 : i64, tpu.core_type = #tpu.core_type<tc>} {
    %get3A = arith.constant 0 : index
    %get3A_0 = arith.constant 0 : index
    %get3A_1 = vector.load %arg1[%get3A, %get3A_0] : memref<8x768xf32, #tpu.memory_space<vmem>>, vector<8x768xf32>
    %get3A_2 = arith.constant 0 : index
    %get3A_3 = arith.constant 0 : index
    %get3A_4 = vector.load %arg0[%get3A_2, %get3A_3] : memref<768x2048xf32, #tpu.memory_space<vmem>>, vector<768x2048xf32>
    %dot_general3A = arith.constant dense<0.000000e+00> : vector<8x2048xf32>
    %dot_general3A_5 = tpu.matmul %get3A_1, %get3A_4, %dot_general3A {dimension_numbers = #tpu.dot_dimension_numbers<[1], [0], [0], [1], [0, 0, 1, 1], [], []>, transpose_lhs_hint = false} : vector<8x768xf32>, vector<768x2048xf32>, vector<8x2048xf32> -> vector<8x2048xf32>
    %get3A_6 = arith.constant 0 : index
    %get3A_7 = arith.constant 0 : index
    %get3A_8 = vector.load %arg2[%get3A_6, %get3A_7] : memref<8x1xf32, #tpu.memory_space<vmem>>, vector<8x1xf32>
    %add3A = vector.broadcast %get3A_8 : vector<8x1xf32> to vector<8x2048xf32>
    %add3A_9 = arith.addf %dot_general3A_5, %add3A : vector<8x2048xf32>
    %iota3A = tpu.iota {dimensions = array<i32: 0>} : vector<8x2048xi32>
    %reduce_max3A = arith.constant dense<0xFF800000> : vector<2048xf32>
    %reduce_max3A_10 = vector.multi_reduction <maximumf>, %add3A_9, %reduce_max3A [0] : vector<8x2048xf32> to vector<2048xf32>
    %broadcast_in_dim3A = vector.shape_cast %reduce_max3A_10 : vector<2048xf32> to vector<1x2048xf32>
    %ge3A = vector.broadcast %broadcast_in_dim3A : vector<1x2048xf32> to vector<8x2048xf32>
    %ge3A_11 = arith.cmpf oge, %add3A_9, %ge3A : vector<8x2048xf32>
    %jit3A = arith.constant 8 : i32
    %broadcast_in_dim3A_12 = vector.broadcast %jit3A : i32 to vector<8x2048xi32>
    %select_n3A = arith.select %ge3A_11, %iota3A, %broadcast_in_dim3A_12 : vector<8x2048xi1>, vector<8x2048xi32>
    %reduce_min3A = arith.constant dense<2147483647> : vector<2048xi32>
    %reduce_min3A_13 = vector.multi_reduction <minsi>, %select_n3A, %reduce_min3A [0] : vector<8x2048xi32> to vector<2048xi32>
    %broadcast_in_dim3A_14 = vector.shape_cast %reduce_min3A_13 : vector<2048xi32> to vector<1x2048xi32>
    %eq3A = vector.broadcast %broadcast_in_dim3A_14 : vector<1x2048xi32> to vector<8x2048xi32>
    %eq3A_15 = arith.cmpi eq, %iota3A, %eq3A : vector<8x2048xi32>
    %jit3A_16 = arith.constant -1.000000e+30 : f32
    %broadcast_in_dim3A_17 = vector.broadcast %jit3A_16 : f32 to vector<8x2048xf32>
    %select_n3A_18 = arith.select %eq3A_15, %broadcast_in_dim3A_17, %add3A_9 : vector<8x2048xi1>, vector<8x2048xf32>
    %reduce_max3A_19 = arith.constant dense<0xFF800000> : vector<2048xf32>
    %reduce_max3A_20 = vector.multi_reduction <maximumf>, %select_n3A_18, %reduce_max3A_19 [0] : vector<8x2048xf32> to vector<2048xf32>
    %broadcast_in_dim3A_21 = vector.shape_cast %reduce_max3A_20 : vector<2048xf32> to vector<1x2048xf32>
    %ge3A_22 = vector.broadcast %broadcast_in_dim3A_21 : vector<1x2048xf32> to vector<8x2048xf32>
    %ge3A_23 = arith.cmpf oge, %select_n3A_18, %ge3A_22 : vector<8x2048xf32>
    %jit3A_24 = arith.constant 8 : i32
    %broadcast_in_dim3A_25 = vector.broadcast %jit3A_24 : i32 to vector<8x2048xi32>
    %select_n3A_26 = arith.select %ge3A_23, %iota3A, %broadcast_in_dim3A_25 : vector<8x2048xi1>, vector<8x2048xi32>
    %reduce_min3A_27 = arith.constant dense<2147483647> : vector<2048xi32>
    %reduce_min3A_28 = vector.multi_reduction <minsi>, %select_n3A_26, %reduce_min3A_27 [0] : vector<8x2048xi32> to vector<2048xi32>
    %broadcast_in_dim3A_29 = vector.shape_cast %reduce_min3A_28 : vector<2048xi32> to vector<1x2048xi32>
    %sub3A = arith.subf %broadcast_in_dim3A_21, %broadcast_in_dim3A : vector<1x2048xf32>
    %exp3A = math.exp %sub3A : vector<1x2048xf32>
    %add3A_30 = arith.constant 1.000000e+00 : f32
    %add3A_31 = vector.broadcast %add3A_30 : f32 to vector<1x2048xf32>
    %add3A_32 = arith.addf %add3A_31, %exp3A : vector<1x2048xf32>
    %div3A = arith.constant 1.000000e+00 : f32
    %div3A_33 = vector.broadcast %div3A : f32 to vector<1x2048xf32>
    %div3A_34 = arith.divf %div3A_33, %add3A_32 : vector<1x2048xf32>
    %add3A_35 = arith.constant 1.000000e+00 : f32
    %add3A_36 = vector.broadcast %add3A_35 : f32 to vector<1x2048xf32>
    %add3A_37 = arith.addf %add3A_36, %exp3A : vector<1x2048xf32>
    %div3A_38 = arith.divf %exp3A, %add3A_37 : vector<1x2048xf32>
    %concatenate3A = tpu.concatenate %div3A_34, %div3A_38 in 0 : vector<1x2048xf32>, vector<1x2048xf32> -> vector<2x2048xf32>
    %transpose3A = tpu.transpose %concatenate3A, [1, 0] : vector<2x2048xf32> -> vector<2048x2xf32>
    %swap3A = arith.constant 0 : index
    %swap3A_39 = arith.constant 0 : index
    %swap3A_40 = vector.load %arg3[%swap3A, %swap3A_39] : memref<2048x2xf32, #tpu.memory_space<vmem>>, vector<2048x2xf32>
    tpu.vector_store %arg3[%swap3A, %swap3A_39], %transpose3A {strides = array<i32>} : memref<2048x2xf32, #tpu.memory_space<vmem>>, vector<2048x2xf32>,
    %mul3A = arith.constant 2 : i32
    %mul3A_41 = vector.broadcast %mul3A : i32 to vector<1x2048xi32>
    %mul3A_42 = arith.muli %mul3A_41, %broadcast_in_dim3A_14 : vector<1x2048xi32>
    %mul3A_43 = arith.constant 2 : i32
    %mul3A_44 = vector.broadcast %mul3A_43 : i32 to vector<1x2048xi32>
    %mul3A_45 = arith.muli %mul3A_44, %broadcast_in_dim3A_29 : vector<1x2048xi32>
    %add3A_46 = arith.constant 1 : i32
    %add3A_47 = vector.broadcast %add3A_46 : i32 to vector<1x2048xi32>
    %add3A_48 = arith.addi %mul3A_45, %add3A_47 : vector<1x2048xi32>
    %iota3A_49 = tpu.iota {dimensions = array<i32: 0>} : vector<16x2048xi32>
    %eq3A_50 = vector.broadcast %mul3A_42 : vector<1x2048xi32> to vector<16x2048xi32>
    %eq3A_51 = arith.cmpi eq, %iota3A_49, %eq3A_50 : vector<16x2048xi32>
    %eq3A_52 = vector.broadcast %add3A_48 : vector<1x2048xi32> to vector<16x2048xi32>
    %eq3A_53 = arith.cmpi eq, %iota3A_49, %eq3A_52 : vector<16x2048xi32>
    %or3A = arith.ori %eq3A_51, %eq3A_53 : vector<16x2048xi1>
    %convert_element_type3A = arith.extui %or3A : vector<16x2048xi1> to vector<16x2048xi32>
    %convert_element_type3A_54 = arith.sitofp %convert_element_type3A : vector<16x2048xi32> to vector<16x2048xf32>
    %convert_element_type3A_55 = arith.truncf %convert_element_type3A_54 : vector<16x2048xf32> to vector<16x2048xbf16>
    %iota3A_56 = tpu.iota {dimensions = array<i32: 0>} : vector<2048x2048xi32>
    %iota3A_57 = tpu.iota {dimensions = array<i32: 1>} : vector<2048x2048xi32>
    %le3A = arith.cmpi sle, %iota3A_56, %iota3A_57 : vector<2048x2048xi32>
    %convert_element_type3A_58 = arith.extui %le3A : vector<2048x2048xi1> to vector<2048x2048xi32>
    %convert_element_type3A_59 = arith.sitofp %convert_element_type3A_58 : vector<2048x2048xi32> to vector<2048x2048xf32>
    %convert_element_type3A_60 = arith.truncf %convert_element_type3A_59 : vector<2048x2048xf32> to vector<2048x2048xbf16>
    %dot_general3A_61 = arith.constant dense<0.000000e+00> : vector<16x2048xf32>
    %dot_general3A_62 = tpu.matmul %convert_element_type3A_55, %convert_element_type3A_60, %dot_general3A_61 {dimension_numbers = #tpu.dot_dimension_numbers<[1], [0], [0], [1], [0, 0, 1, 1], [], []>, transpose_lhs_hint = false} : vector<16x2048xbf16>, vector<2048x2048xbf16>, vector<16x2048xf32> -> vector<16x2048xf32>
    %convert_element_type3A_63 = arith.extf %convert_element_type3A_55 : vector<16x2048xbf16> to vector<16x2048xf32>
    %reduce_sum3A = arith.constant dense<0.000000e+00> : vector<16xf32>
    %reduce_sum3A_64 = vector.multi_reduction <add>, %convert_element_type3A_63, %reduce_sum3A [1] : vector<16x2048xf32> to vector<16xf32>
    %broadcast_in_dim3A_65 = vector.shape_cast %reduce_sum3A_64 : vector<16xf32> to vector<16x1xf32>
    %add3A_66 = arith.constant 2.550000e+02 : f32
    %add3A_67 = vector.broadcast %add3A_66 : f32 to vector<16x1xf32>
    %add3A_68 = arith.addf %broadcast_in_dim3A_65, %add3A_67 : vector<16x1xf32>
    %mul3A_69 = arith.constant 3.906250e-03 : f32
    %mul3A_70 = vector.broadcast %mul3A_69 : f32 to vector<16x1xf32>
    %mul3A_71 = arith.mulf %add3A_68, %mul3A_70 : vector<16x1xf32>
    %floor3A = math.floor %mul3A_71 : vector<16x1xf32>
    %mul3A_72 = arith.constant 2.560000e+02 : f32
    %mul3A_73 = vector.broadcast %mul3A_72 : f32 to vector<16x1xf32>
    %mul3A_74 = arith.mulf %floor3A, %mul3A_73 : vector<16x1xf32>
    %iota3A_75 = tpu.iota {dimensions = array<i32: 0>} : vector<16x16xi32>
    %iota3A_76 = tpu.iota {dimensions = array<i32: 1>} : vector<16x16xi32>
    %lt3A = arith.cmpi slt, %iota3A_76, %iota3A_75 : vector<16x16xi32>
    %convert_element_type3A_77 = arith.extui %lt3A : vector<16x16xi1> to vector<16x16xi32>
    %convert_element_type3A_78 = arith.sitofp %convert_element_type3A_77 : vector<16x16xi32> to vector<16x16xf32>
    %convert_element_type3A_79 = arith.truncf %convert_element_type3A_78 : vector<16x16xf32> to vector<16x16xbf16>
    %convert_element_type3A_80 = arith.truncf %mul3A_74 : vector<16x1xf32> to vector<16x1xbf16>
    %dot_general3A_81 = arith.constant dense<0.000000e+00> : vector<16x1xf32>
    %dot_general3A_82 = tpu.matmul %convert_element_type3A_79, %convert_element_type3A_80, %dot_general3A_81 {dimension_numbers = #tpu.dot_dimension_numbers<[1], [0], [0], [1], [0, 0, 1, 1], [], []>, transpose_lhs_hint = false} : vector<16x16xbf16>, vector<16x1xbf16>, vector<16x1xf32> -> vector<16x1xf32>
    %sub3A_83 = arith.constant 1.000000e+00 : f32
    %sub3A_84 = vector.broadcast %sub3A_83 : f32 to vector<16x2048xf32>
    %sub3A_85 = arith.subf %dot_general3A_62, %sub3A_84 : vector<16x2048xf32>
    %jit3A_86 = arith.constant 0.000000e+00 : f32
    %broadcast_in_dim3A_87 = vector.broadcast %jit3A_86 : f32 to vector<16x2048xf32>
    %select_n3A_88 = arith.select %eq3A_51, %sub3A_85, %broadcast_in_dim3A_87 : vector<16x2048xi1>, vector<16x2048xf32>
    %reduce_sum3A_89 = arith.constant dense<0.000000e+00> : vector<2048xf32>
    %reduce_sum3A_90 = vector.multi_reduction <add>, %select_n3A_88, %reduce_sum3A_89 [0] : vector<16x2048xf32> to vector<2048xf32>
    %broadcast_in_dim3A_91 = vector.shape_cast %reduce_sum3A_90 : vector<2048xf32> to vector<1x2048xf32>
    %sub3A_92 = arith.constant 1.000000e+00 : f32
    %sub3A_93 = vector.broadcast %sub3A_92 : f32 to vector<16x2048xf32>
    %sub3A_94 = arith.subf %dot_general3A_62, %sub3A_93 : vector<16x2048xf32>
    %jit3A_95 = arith.constant 0.000000e+00 : f32
    %broadcast_in_dim3A_96 = vector.broadcast %jit3A_95 : f32 to vector<16x2048xf32>
    %select_n3A_97 = arith.select %eq3A_53, %sub3A_94, %broadcast_in_dim3A_96 : vector<16x2048xi1>, vector<16x2048xf32>
    %reduce_sum3A_98 = arith.constant dense<0.000000e+00> : vector<2048xf32>
    %reduce_sum3A_99 = vector.multi_reduction <add>, %select_n3A_97, %reduce_sum3A_98 [0] : vector<16x2048xf32> to vector<2048xf32>
    %broadcast_in_dim3A_100 = vector.shape_cast %reduce_sum3A_99 : vector<2048xf32> to vector<1x2048xf32>
    %jit3A_101 = arith.constant 0.000000e+00 : f32
    %broadcast_in_dim3A_102 = vector.shape_cast %dot_general3A_82 : vector<16x1xf32> to vector<16x1xf32>
    %broadcast_in_dim3A_103 = vector.broadcast %broadcast_in_dim3A_102 : vector<16x1xf32> to vector<16x2048xf32>
    %broadcast_in_dim3A_104 = vector.broadcast %jit3A_101 : f32 to vector<16x2048xf32>
    %select_n3A_105 = arith.select %eq3A_51, %broadcast_in_dim3A_103, %broadcast_in_dim3A_104 : vector<16x2048xi1>, vector<16x2048xf32>
    %reduce_sum3A_106 = arith.constant dense<0.000000e+00> : vector<2048xf32>
    %reduce_sum3A_107 = vector.multi_reduction <add>, %select_n3A_105, %reduce_sum3A_106 [0] : vector<16x2048xf32> to vector<2048xf32>
    %broadcast_in_dim3A_108 = vector.shape_cast %reduce_sum3A_107 : vector<2048xf32> to vector<1x2048xf32>
    %jit3A_109 = arith.constant 0.000000e+00 : f32
    %broadcast_in_dim3A_110 = vector.shape_cast %dot_general3A_82 : vector<16x1xf32> to vector<16x1xf32>
    %broadcast_in_dim3A_111 = vector.broadcast %broadcast_in_dim3A_110 : vector<16x1xf32> to vector<16x2048xf32>
    %broadcast_in_dim3A_112 = vector.broadcast %jit3A_109 : f32 to vector<16x2048xf32>
    %select_n3A_113 = arith.select %eq3A_53, %broadcast_in_dim3A_111, %broadcast_in_dim3A_112 : vector<16x2048xi1>, vector<16x2048xf32>
    %reduce_sum3A_114 = arith.constant dense<0.000000e+00> : vector<2048xf32>
    %reduce_sum3A_115 = vector.multi_reduction <add>, %select_n3A_113, %reduce_sum3A_114 [0] : vector<16x2048xf32> to vector<2048xf32>
    %broadcast_in_dim3A_116 = vector.shape_cast %reduce_sum3A_115 : vector<2048xf32> to vector<1x2048xf32>
    %add3A_117 = arith.addf %broadcast_in_dim3A_108, %broadcast_in_dim3A_91 : vector<1x2048xf32>
    %add3A_118 = arith.addf %broadcast_in_dim3A_116, %broadcast_in_dim3A_100 : vector<1x2048xf32>
    %concatenate3A_119 = tpu.concatenate %add3A_117, %add3A_118 in 1 : vector<1x2048xf32>, vector<1x2048xf32> -> vector<1x4096xf32>
    %convert_element_type3A_120 = arith.fptosi %concatenate3A_119 : vector<1x4096xf32> to vector<1x4096xi32>
    %swap3A_121 = arith.constant 0 : index
    %swap3A_122 = arith.constant 0 : index
    %swap3A_123 = vector.load %arg4[%swap3A_121, %swap3A_122] : memref<1x4096xi32, #tpu.memory_space<vmem>>, vector<1x4096xi32>
    tpu.vector_store %arg4[%swap3A_121, %swap3A_122], %convert_element_type3A_120 {strides = array<i32>} : memref<1x4096xi32, #tpu.memory_space<vmem>>, vector<1x4096xi32>,
    %mul3A_124 = arith.constant 3.906250e-03 : f32
    %mul3A_125 = vector.broadcast %mul3A_124 : f32 to vector<16x1xf32>
    %mul3A_126 = arith.mulf %dot_general3A_82, %mul3A_125 : vector<16x1xf32>
    %mul3A_127 = arith.constant 3.906250e-03 : f32
    %mul3A_128 = vector.broadcast %mul3A_127 : f32 to vector<16x1xf32>
    %mul3A_129 = arith.mulf %mul3A_74, %mul3A_128 : vector<16x1xf32>
    %iota3A_130 = tpu.iota {dimensions = array<i32: 1>} : vector<16x33xi32>
    %convert_element_type3A_131 = arith.sitofp %iota3A_130 : vector<16x33xi32> to vector<16x33xf32>
    %le3A_132 = vector.broadcast %mul3A_126 : vector<16x1xf32> to vector<16x33xf32>
    %le3A_133 = arith.cmpf ole, %le3A_132, %convert_element_type3A_131 : vector<16x33xf32>
    %convert_element_type3A_134 = arith.extui %le3A_133 : vector<16x33xi1> to vector<16x33xi32>
    %convert_element_type3A_135 = arith.sitofp %convert_element_type3A_134 : vector<16x33xi32> to vector<16x33xf32>
    %reduce_sum3A_136 = arith.constant dense<0.000000e+00> : vector<33xf32>
    %reduce_sum3A_137 = vector.multi_reduction <add>, %convert_element_type3A_135, %reduce_sum3A_136 [0] : vector<16x33xf32> to vector<33xf32>
    %broadcast_in_dim3A_138 = vector.shape_cast %reduce_sum3A_137 : vector<33xf32> to vector<1x33xf32>
    %sub3A_139 = arith.constant 1.000000e+00 : f32
    %sub3A_140 = vector.broadcast %sub3A_139 : f32 to vector<1x33xf32>
    %sub3A_141 = arith.subf %broadcast_in_dim3A_138, %sub3A_140 : vector<1x33xf32>
    %reduce_sum3A_142 = arith.constant dense<0.000000e+00> : vector<1xf32>
    %reduce_sum3A_143 = vector.multi_reduction <add>, %mul3A_129, %reduce_sum3A_142 [0] : vector<16x1xf32> to vector<1xf32>
    %broadcast_in_dim3A_144 = vector.shape_cast %reduce_sum3A_143 : vector<1xf32> to vector<1x1xf32>
    %iota3A_145 = tpu.iota {dimensions = array<i32: 1>} : vector<1x33xi32>
    %convert_element_type3A_146 = arith.sitofp %iota3A_145 : vector<1x33xi32> to vector<1x33xf32>
    %lt3A_147 = vector.broadcast %broadcast_in_dim3A_144 : vector<1x1xf32> to vector<1x33xf32>
    %lt3A_148 = arith.cmpf olt, %convert_element_type3A_146, %lt3A_147 : vector<1x33xf32>
    %jit3A_149 = arith.constant -1.000000e+00 : f32
    %broadcast_in_dim3A_150 = vector.broadcast %jit3A_149 : f32 to vector<1x33xf32>
    %select_n3A_151 = arith.select %lt3A_148, %sub3A_141, %broadcast_in_dim3A_150 : vector<1x33xi1>, vector<1x33xf32>
    %convert_element_type3A_152 = arith.fptosi %select_n3A_151 : vector<1x33xf32> to vector<1x33xi32>
    %swap3A_153 = arith.constant 0 : index
    %swap3A_154 = arith.constant 0 : index
    %swap3A_155 = vector.load %arg5[%swap3A_153, %swap3A_154] : memref<1x33xi32, #tpu.memory_space<vmem>>, vector<1x33xi32>
    tpu.vector_store %arg5[%swap3A_153, %swap3A_154], %convert_element_type3A_152 {strides = array<i32>} : memref<1x33xi32, #tpu.memory_space<vmem>>, vector<1x33xi32>,
    %transpose3A_156 = tpu.transpose %mul3A_126, [1, 0] : vector<16x1xf32> -> vector<1x16xf32>
    %convert_element_type3A_157 = arith.fptosi %transpose3A_156 : vector<1x16xf32> to vector<1x16xi32>
    %swap3A_158 = arith.constant 0 : index
    %swap3A_159 = arith.constant 0 : index
    %swap3A_160 = vector.load %arg6[%swap3A_158, %swap3A_159] : memref<1x16xi32, #tpu.memory_space<vmem>>, vector<1x16xi32>
    tpu.vector_store %arg6[%swap3A_158, %swap3A_159], %convert_element_type3A_157 {strides = array<i32>} : memref<1x16xi32, #tpu.memory_space<vmem>>, vector<1x16xi32>,
    %add3A_161 = arith.addf %mul3A_126, %mul3A_129 : vector<16x1xf32>
    %transpose3A_162 = tpu.transpose %add3A_161, [1, 0] : vector<16x1xf32> -> vector<1x16xf32>
    %convert_element_type3A_163 = arith.fptosi %transpose3A_162 : vector<1x16xf32> to vector<1x16xi32>
    %swap3A_164 = arith.constant 0 : index
    %swap3A_165 = arith.constant 0 : index
    %swap3A_166 = vector.load %arg7[%swap3A_164, %swap3A_165] : memref<1x16xi32, #tpu.memory_space<vmem>>, vector<1x16xi32>
    tpu.vector_store %arg7[%swap3A_164, %swap3A_165], %convert_element_type3A_163 {strides = array<i32>} : memref<1x16xi32, #tpu.memory_space<vmem>>, vector<1x16xi32>,
    %add3A_167 = arith.addf %dot_general3A_82, %broadcast_in_dim3A_65 : vector<16x1xf32>
    %transpose3A_168 = tpu.transpose %add3A_167, [1, 0] : vector<16x1xf32> -> vector<1x16xf32>
    %convert_element_type3A_169 = arith.fptosi %transpose3A_168 : vector<1x16xf32> to vector<1x16xi32>
    %swap3A_170 = arith.constant 0 : index
    %swap3A_171 = arith.constant 0 : index
    %swap3A_172 = vector.load %arg8[%swap3A_170, %swap3A_171] : memref<1x16xi32, #tpu.memory_space<vmem>>, vector<1x16xi32>
    tpu.vector_store %arg8[%swap3A_170, %swap3A_171], %convert_element_type3A_169 {strides = array<i32>} : memref<1x16xi32, #tpu.memory_space<vmem>>, vector<1x16xi32>,
    return
  }
}

module attributes {stable_mosaic.version = 14 : i64} {
  func.func @_gqkv_kernel(%arg0: i32, %arg1: memref<33xi32, #tpu.memory_space<smem>>, %arg2: memref<256x768xf32, #tpu.memory_space<vmem>>, %arg3: memref<1x1x768xf32, #tpu.memory_space<vmem>>, %arg4: memref<1x1x768xf32, #tpu.memory_space<vmem>>, %arg5: memref<1x768x2304xbf16, #tpu.memory_space<vmem>>, %arg6: memref<1x1x2304xf32, #tpu.memory_space<vmem>>, %arg7: memref<256x768xbf16, #tpu.memory_space<vmem>>, %arg8: memref<256x768xbf16, #tpu.memory_space<vmem>>, %arg9: memref<256x768xbf16, #tpu.memory_space<vmem>>) attributes {dimension_semantics = [#tpu.dimension_semantics<arbitrary>], iteration_bounds = array<i64: 33>, scalar_prefetch = 1 : i64, scratch_operands = 0 : i64, tpu.core_type = #tpu.core_type<tc>, window_params = [{transform_indices = @transform_0, window_bounds = array<i64: 256, 768>}, {transform_indices = @transform_1, window_bounds = array<i64: 1, 1, 768>}, {transform_indices = @transform_2, window_bounds = array<i64: 1, 1, 768>}, {transform_indices = @transform_3, window_bounds = array<i64: 1, 768, 2304>}, {transform_indices = @transform_4, window_bounds = array<i64: 1, 1, 2304>}, {transform_indices = @transform_5, window_bounds = array<i64: 256, 768>}, {transform_indices = @transform_6, window_bounds = array<i64: 256, 768>}, {transform_indices = @transform_7, window_bounds = array<i64: 256, 768>}]} {
    %get3A = arith.index_cast %arg0 : i32 to index
    %get3A_0 = memref.load %arg1[%get3A] : memref<33xi32, #tpu.memory_space<smem>>
    %ge3A = arith.constant 0 : i32
    %ge3A_1 = arith.cmpi sge, %get3A_0, %ge3A : i32
    %convert_element_type3A = arith.extui %ge3A_1 : i1 to i32
    %cond3A = arith.constant 0 : i32
    %cond3A_2 = arith.cmpi ne, %convert_element_type3A, %cond3A : i32
    scf.if %cond3A_2 {
      %get3A_3 = arith.constant 0 : index
      %get3A_4 = arith.constant 0 : index
      %get3A_5 = vector.load %arg2[%get3A_3, %get3A_4] : memref<256x768xf32, #tpu.memory_space<vmem>>, vector<256x768xf32>
      %reduce_sum3A = arith.constant dense<0.000000e+00> : vector<256xf32>
      %reduce_sum3A_6 = vector.multi_reduction <add>, %get3A_5, %reduce_sum3A [1] : vector<256x768xf32> to vector<256xf32>
      %broadcast_in_dim3A = vector.shape_cast %reduce_sum3A_6 : vector<256xf32> to vector<256x1xf32>
      %div3A = arith.constant 7.680000e+02 : f32
      %div3A_7 = vector.broadcast %div3A : f32 to vector<256x1xf32>
      %div3A_8 = arith.divf %broadcast_in_dim3A, %div3A_7 : vector<256x1xf32>
      %sub3A = vector.broadcast %div3A_8 : vector<256x1xf32> to vector<256x768xf32>
      %sub3A_9 = arith.subf %get3A_5, %sub3A : vector<256x768xf32>
      %integer_pow3A = arith.mulf %sub3A_9, %sub3A_9 : vector<256x768xf32>
      %reduce_sum3A_10 = arith.constant dense<0.000000e+00> : vector<256xf32>
      %reduce_sum3A_11 = vector.multi_reduction <add>, %integer_pow3A, %reduce_sum3A_10 [1] : vector<256x768xf32> to vector<256xf32>
      %broadcast_in_dim3A_12 = vector.shape_cast %reduce_sum3A_11 : vector<256xf32> to vector<256x1xf32>
      %div3A_13 = arith.constant 7.680000e+02 : f32
      %div3A_14 = vector.broadcast %div3A_13 : f32 to vector<256x1xf32>
      %div3A_15 = arith.divf %broadcast_in_dim3A_12, %div3A_14 : vector<256x1xf32>
      %sub3A_16 = vector.broadcast %div3A_8 : vector<256x1xf32> to vector<256x768xf32>
      %sub3A_17 = arith.subf %get3A_5, %sub3A_16 : vector<256x768xf32>
      %add3A = arith.constant 9.99999974E-6 : f32
      %add3A_18 = vector.broadcast %add3A : f32 to vector<256x1xf32>
      %add3A_19 = arith.addf %div3A_15, %add3A_18 : vector<256x1xf32>
      %rsqrt3A = math.rsqrt %add3A_19 : vector<256x1xf32>
      %mul3A = vector.broadcast %rsqrt3A : vector<256x1xf32> to vector<256x768xf32>
      %mul3A_20 = arith.mulf %sub3A_17, %mul3A : vector<256x768xf32>
      %get3A_21 = arith.constant 0 : index
      %get3A_22 = arith.constant 0 : index
      %get3A_23 = arith.constant 0 : index
      %get3A_24 = vector.load %arg3[%get3A_21, %get3A_22, %get3A_23] : memref<1x1x768xf32, #tpu.memory_space<vmem>>, vector<1x1x768xf32>
      %get3A_25 = vector.shape_cast %get3A_24 : vector<1x1x768xf32> to vector<1x768xf32>
      %mul3A_26 = vector.broadcast %get3A_25 : vector<1x768xf32> to vector<256x768xf32>
      %mul3A_27 = arith.mulf %mul3A_20, %mul3A_26 : vector<256x768xf32>
      %get3A_28 = arith.constant 0 : index
      %get3A_29 = arith.constant 0 : index
      %get3A_30 = arith.constant 0 : index
      %get3A_31 = vector.load %arg4[%get3A_28, %get3A_29, %get3A_30] : memref<1x1x768xf32, #tpu.memory_space<vmem>>, vector<1x1x768xf32>
      %get3A_32 = vector.shape_cast %get3A_31 : vector<1x1x768xf32> to vector<1x768xf32>
      %add3A_33 = vector.broadcast %get3A_32 : vector<1x768xf32> to vector<256x768xf32>
      %add3A_34 = arith.addf %mul3A_27, %add3A_33 : vector<256x768xf32>
      %convert_element_type3A_35 = arith.truncf %add3A_34 : vector<256x768xf32> to vector<256x768xbf16>
      %get3A_36 = arith.constant 0 : index
      %get3A_37 = arith.constant 0 : index
      %get3A_38 = arith.constant 0 : index
      %get3A_39 = vector.load %arg5[%get3A_36, %get3A_37, %get3A_38] : memref<1x768x2304xbf16, #tpu.memory_space<vmem>>, vector<1x768x2304xbf16>
      %get3A_40 = vector.shape_cast %get3A_39 : vector<1x768x2304xbf16> to vector<768x2304xbf16>
      %dot_general3A = arith.constant dense<0.000000e+00> : vector<256x2304xf32>
      %dot_general3A_41 = tpu.matmul %convert_element_type3A_35, %get3A_40, %dot_general3A {dimension_numbers = #tpu.dot_dimension_numbers<[1], [0], [0], [1], [0, 0, 1, 1], [], []>, transpose_lhs_hint = false} : vector<256x768xbf16>, vector<768x2304xbf16>, vector<256x2304xf32> -> vector<256x2304xf32>
      %get3A_42 = arith.constant 0 : index
      %get3A_43 = arith.constant 0 : index
      %get3A_44 = arith.constant 0 : index
      %get3A_45 = vector.load %arg6[%get3A_42, %get3A_43, %get3A_44] : memref<1x1x2304xf32, #tpu.memory_space<vmem>>, vector<1x1x2304xf32>
      %get3A_46 = vector.shape_cast %get3A_45 : vector<1x1x2304xf32> to vector<1x2304xf32>
      %add3A_47 = vector.broadcast %get3A_46 : vector<1x2304xf32> to vector<256x2304xf32>
      %add3A_48 = arith.addf %dot_general3A_41, %add3A_47 : vector<256x2304xf32>
      %convert_element_type3A_49 = arith.truncf %add3A_48 : vector<256x2304xf32> to vector<256x2304xbf16>
      %slice3A = vector.extract_strided_slice %convert_element_type3A_49 {offsets = [0, 0], sizes = [256, 768], strides = [1, 1]} : vector<256x2304xbf16> to vector<256x768xbf16>
      %swap3A = arith.constant 0 : index
      %swap3A_50 = arith.constant 0 : index
      %swap3A_51 = vector.load %arg7[%swap3A, %swap3A_50] : memref<256x768xbf16, #tpu.memory_space<vmem>>, vector<256x768xbf16>
      tpu.vector_store %arg7[%swap3A, %swap3A_50], %slice3A {strides = array<i32>} : memref<256x768xbf16, #tpu.memory_space<vmem>>, vector<256x768xbf16>,
      %slice3A_52 = vector.extract_strided_slice %convert_element_type3A_49 {offsets = [0, 768], sizes = [256, 768], strides = [1, 1]} : vector<256x2304xbf16> to vector<256x768xbf16>
      %swap3A_53 = arith.constant 0 : index
      %swap3A_54 = arith.constant 0 : index
      %swap3A_55 = vector.load %arg8[%swap3A_53, %swap3A_54] : memref<256x768xbf16, #tpu.memory_space<vmem>>, vector<256x768xbf16>
      tpu.vector_store %arg8[%swap3A_53, %swap3A_54], %slice3A_52 {strides = array<i32>} : memref<256x768xbf16, #tpu.memory_space<vmem>>, vector<256x768xbf16>,
      %slice3A_56 = vector.extract_strided_slice %convert_element_type3A_49 {offsets = [0, 1536], sizes = [256, 768], strides = [1, 1]} : vector<256x2304xbf16> to vector<256x768xbf16>
      %swap3A_57 = arith.constant 0 : index
      %swap3A_58 = arith.constant 0 : index
      %swap3A_59 = vector.load %arg9[%swap3A_57, %swap3A_58] : memref<256x768xbf16, #tpu.memory_space<vmem>>, vector<256x768xbf16>
      tpu.vector_store %arg9[%swap3A_57, %swap3A_58], %slice3A_56 {strides = array<i32>} : memref<256x768xbf16, #tpu.memory_space<vmem>>, vector<256x768xbf16>,
    } else {
    }
    return
  }
  func.func @transform_0(%arg0: i32, %arg1: memref<33xi32, #tpu.memory_space<smem>>) -> (i32, i32) {
    %c0_i32 = arith.constant 0 : i32
    %c0_i32_0 = arith.constant 0 : i32
    return %arg0, %c0_i32 : i32, i32
  }
  func.func @transform_1(%arg0: i32, %arg1: memref<33xi32, #tpu.memory_space<smem>>) -> (i32, i32, i32) {
    %get3A = arith.index_cast %arg0 : i32 to index
    %get3A_0 = memref.load %arg1[%get3A] : memref<33xi32, #tpu.memory_space<smem>>
    %max3A = arith.constant 0 : i32
    %max3A_1 = arith.maxsi %get3A_0, %max3A : i32
    %jit3A = arith.constant 2 : i32
    %div3A = arith.divsi %max3A_1, %jit3A : i32
    %sign3A = arith.constant 0 : i32
    %sign3A_2 = arith.cmpi sgt, %max3A_1, %sign3A : i32
    %sign3A_3 = arith.extui %sign3A_2 : i1 to i32
    %sign3A_4 = arith.constant 0 : i32
    %sign3A_5 = arith.cmpi slt, %max3A_1, %sign3A_4 : i32
    %sign3A_6 = arith.extui %sign3A_5 : i1 to i32
    %sign3A_7 = arith.subi %sign3A_3, %sign3A_6 : i32
    %sign3A_8 = arith.constant 0 : i32
    %sign3A_9 = arith.cmpi sgt, %jit3A, %sign3A_8 : i32
    %sign3A_10 = arith.extui %sign3A_9 : i1 to i32
    %sign3A_11 = arith.constant 0 : i32
    %sign3A_12 = arith.cmpi slt, %jit3A, %sign3A_11 : i32
    %sign3A_13 = arith.extui %sign3A_12 : i1 to i32
    %sign3A_14 = arith.subi %sign3A_10, %sign3A_13 : i32
    %ne3A = arith.cmpi ne, %sign3A_7, %sign3A_14 : i32
    %rem3A = arith.remsi %max3A_1, %jit3A : i32
    %ne3A_15 = arith.constant 0 : i32
    %ne3A_16 = arith.cmpi ne, %rem3A, %ne3A_15 : i32
    %and3A = arith.andi %ne3A, %ne3A_16 : i1
    %sub3A = arith.constant 1 : i32
    %sub3A_17 = arith.subi %div3A, %sub3A : i32
    %select_n3A = arith.select %and3A, %sub3A_17, %div3A : i32
    %c0_i32 = arith.constant 0 : i32
    %c0_i32_18 = arith.constant 0 : i32
    %c0_i32_19 = arith.constant 0 : i32
    return %select_n3A, %c0_i32, %c0_i32_18 : i32, i32, i32
  }
  func.func @transform_2(%arg0: i32, %arg1: memref<33xi32, #tpu.memory_space<smem>>) -> (i32, i32, i32) {
    %get3A = arith.index_cast %arg0 : i32 to index
    %get3A_0 = memref.load %arg1[%get3A] : memref<33xi32, #tpu.memory_space<smem>>
    %max3A = arith.constant 0 : i32
    %max3A_1 = arith.maxsi %get3A_0, %max3A : i32
    %jit3A = arith.constant 2 : i32
    %div3A = arith.divsi %max3A_1, %jit3A : i32
    %sign3A = arith.constant 0 : i32
    %sign3A_2 = arith.cmpi sgt, %max3A_1, %sign3A : i32
    %sign3A_3 = arith.extui %sign3A_2 : i1 to i32
    %sign3A_4 = arith.constant 0 : i32
    %sign3A_5 = arith.cmpi slt, %max3A_1, %sign3A_4 : i32
    %sign3A_6 = arith.extui %sign3A_5 : i1 to i32
    %sign3A_7 = arith.subi %sign3A_3, %sign3A_6 : i32
    %sign3A_8 = arith.constant 0 : i32
    %sign3A_9 = arith.cmpi sgt, %jit3A, %sign3A_8 : i32
    %sign3A_10 = arith.extui %sign3A_9 : i1 to i32
    %sign3A_11 = arith.constant 0 : i32
    %sign3A_12 = arith.cmpi slt, %jit3A, %sign3A_11 : i32
    %sign3A_13 = arith.extui %sign3A_12 : i1 to i32
    %sign3A_14 = arith.subi %sign3A_10, %sign3A_13 : i32
    %ne3A = arith.cmpi ne, %sign3A_7, %sign3A_14 : i32
    %rem3A = arith.remsi %max3A_1, %jit3A : i32
    %ne3A_15 = arith.constant 0 : i32
    %ne3A_16 = arith.cmpi ne, %rem3A, %ne3A_15 : i32
    %and3A = arith.andi %ne3A, %ne3A_16 : i1
    %sub3A = arith.constant 1 : i32
    %sub3A_17 = arith.subi %div3A, %sub3A : i32
    %select_n3A = arith.select %and3A, %sub3A_17, %div3A : i32
    %c0_i32 = arith.constant 0 : i32
    %c0_i32_18 = arith.constant 0 : i32
    %c0_i32_19 = arith.constant 0 : i32
    return %select_n3A, %c0_i32, %c0_i32_18 : i32, i32, i32
  }
  func.func @transform_3(%arg0: i32, %arg1: memref<33xi32, #tpu.memory_space<smem>>) -> (i32, i32, i32) {
    %get3A = arith.index_cast %arg0 : i32 to index
    %get3A_0 = memref.load %arg1[%get3A] : memref<33xi32, #tpu.memory_space<smem>>
    %max3A = arith.constant 0 : i32
    %max3A_1 = arith.maxsi %get3A_0, %max3A : i32
    %jit3A = arith.constant 2 : i32
    %div3A = arith.divsi %max3A_1, %jit3A : i32
    %sign3A = arith.constant 0 : i32
    %sign3A_2 = arith.cmpi sgt, %max3A_1, %sign3A : i32
    %sign3A_3 = arith.extui %sign3A_2 : i1 to i32
    %sign3A_4 = arith.constant 0 : i32
    %sign3A_5 = arith.cmpi slt, %max3A_1, %sign3A_4 : i32
    %sign3A_6 = arith.extui %sign3A_5 : i1 to i32
    %sign3A_7 = arith.subi %sign3A_3, %sign3A_6 : i32
    %sign3A_8 = arith.constant 0 : i32
    %sign3A_9 = arith.cmpi sgt, %jit3A, %sign3A_8 : i32
    %sign3A_10 = arith.extui %sign3A_9 : i1 to i32
    %sign3A_11 = arith.constant 0 : i32
    %sign3A_12 = arith.cmpi slt, %jit3A, %sign3A_11 : i32
    %sign3A_13 = arith.extui %sign3A_12 : i1 to i32
    %sign3A_14 = arith.subi %sign3A_10, %sign3A_13 : i32
    %ne3A = arith.cmpi ne, %sign3A_7, %sign3A_14 : i32
    %rem3A = arith.remsi %max3A_1, %jit3A : i32
    %ne3A_15 = arith.constant 0 : i32
    %ne3A_16 = arith.cmpi ne, %rem3A, %ne3A_15 : i32
    %and3A = arith.andi %ne3A, %ne3A_16 : i1
    %sub3A = arith.constant 1 : i32
    %sub3A_17 = arith.subi %div3A, %sub3A : i32
    %select_n3A = arith.select %and3A, %sub3A_17, %div3A : i32
    %c0_i32 = arith.constant 0 : i32
    %c0_i32_18 = arith.constant 0 : i32
    %c0_i32_19 = arith.constant 0 : i32
    return %select_n3A, %c0_i32, %c0_i32_18 : i32, i32, i32
  }
  func.func @transform_4(%arg0: i32, %arg1: memref<33xi32, #tpu.memory_space<smem>>) -> (i32, i32, i32) {
    %get3A = arith.index_cast %arg0 : i32 to index
    %get3A_0 = memref.load %arg1[%get3A] : memref<33xi32, #tpu.memory_space<smem>>
    %max3A = arith.constant 0 : i32
    %max3A_1 = arith.maxsi %get3A_0, %max3A : i32
    %jit3A = arith.constant 2 : i32
    %div3A = arith.divsi %max3A_1, %jit3A : i32
    %sign3A = arith.constant 0 : i32
    %sign3A_2 = arith.cmpi sgt, %max3A_1, %sign3A : i32
    %sign3A_3 = arith.extui %sign3A_2 : i1 to i32
    %sign3A_4 = arith.constant 0 : i32
    %sign3A_5 = arith.cmpi slt, %max3A_1, %sign3A_4 : i32
    %sign3A_6 = arith.extui %sign3A_5 : i1 to i32
    %sign3A_7 = arith.subi %sign3A_3, %sign3A_6 : i32
    %sign3A_8 = arith.constant 0 : i32
    %sign3A_9 = arith.cmpi sgt, %jit3A, %sign3A_8 : i32
    %sign3A_10 = arith.extui %sign3A_9 : i1 to i32
    %sign3A_11 = arith.constant 0 : i32
    %sign3A_12 = arith.cmpi slt, %jit3A, %sign3A_11 : i32
    %sign3A_13 = arith.extui %sign3A_12 : i1 to i32
    %sign3A_14 = arith.subi %sign3A_10, %sign3A_13 : i32
    %ne3A = arith.cmpi ne, %sign3A_7, %sign3A_14 : i32
    %rem3A = arith.remsi %max3A_1, %jit3A : i32
    %ne3A_15 = arith.constant 0 : i32
    %ne3A_16 = arith.cmpi ne, %rem3A, %ne3A_15 : i32
    %and3A = arith.andi %ne3A, %ne3A_16 : i1
    %sub3A = arith.constant 1 : i32
    %sub3A_17 = arith.subi %div3A, %sub3A : i32
    %select_n3A = arith.select %and3A, %sub3A_17, %div3A : i32
    %c0_i32 = arith.constant 0 : i32
    %c0_i32_18 = arith.constant 0 : i32
    %c0_i32_19 = arith.constant 0 : i32
    return %select_n3A, %c0_i32, %c0_i32_18 : i32, i32, i32
  }
  func.func @transform_5(%arg0: i32, %arg1: memref<33xi32, #tpu.memory_space<smem>>) -> (i32, i32) {
    %c0_i32 = arith.constant 0 : i32
    %c0_i32_0 = arith.constant 0 : i32
    return %arg0, %c0_i32 : i32, i32
  }
  func.func @transform_6(%arg0: i32, %arg1: memref<33xi32, #tpu.memory_space<smem>>) -> (i32, i32) {
    %c0_i32 = arith.constant 0 : i32
    %c0_i32_0 = arith.constant 0 : i32
    return %arg0, %c0_i32 : i32, i32
  }
  func.func @transform_7(%arg0: i32, %arg1: memref<33xi32, #tpu.memory_space<smem>>) -> (i32, i32) {
    %c0_i32 = arith.constant 0 : i32
    %c0_i32_0 = arith.constant 0 : i32
    return %arg0, %c0_i32 : i32, i32
  }
}

module attributes {stable_mosaic.version = 14 : i64} {
  func.func @_gblock_kernel(%arg0: i32, %arg1: memref<33xi32, #tpu.memory_space<smem>>, %arg2: memref<16xi32, #tpu.memory_space<smem>>, %arg3: memref<16xi32, #tpu.memory_space<smem>>, %arg4: memref<16xi32, #tpu.memory_space<smem>>, %arg5: memref<256x768xbf16, #tpu.memory_space<vmem>>, %arg6: memref<8448x768xbf16, #tpu.memory_space<any>>, %arg7: memref<8448x768xbf16, #tpu.memory_space<any>>, %arg8: memref<256x768xf32, #tpu.memory_space<vmem>>, %arg9: memref<1x768x768xbf16, #tpu.memory_space<vmem>>, %arg10: memref<1x1x768xf32, #tpu.memory_space<vmem>>, %arg11: memref<1x1x768xf32, #tpu.memory_space<vmem>>, %arg12: memref<1x1x768xf32, #tpu.memory_space<vmem>>, %arg13: memref<1x768x3072xbf16, #tpu.memory_space<vmem>>, %arg14: memref<1x1x3072xf32, #tpu.memory_space<vmem>>, %arg15: memref<1x3072x768xbf16, #tpu.memory_space<vmem>>, %arg16: memref<1x1x768xf32, #tpu.memory_space<vmem>>, %arg17: memref<256x768xf32, #tpu.memory_space<vmem>>, %arg18: memref<8448x768xbf16, #tpu.memory_space<vmem>>, %arg19: memref<8448x768xbf16, #tpu.memory_space<vmem>>, %arg20: memref<!tpu.dma_semaphore, #tpu.memory_space<semaphore_mem>>) attributes {dimension_semantics = [#tpu.dimension_semantics<arbitrary>], iteration_bounds = array<i64: 33>, scalar_prefetch = 4 : i64, scratch_operands = 3 : i64, tpu.core_type = #tpu.core_type<tc>, window_params = [{transform_indices = @transform_0, window_bounds = array<i64: 256, 768>}, {}, {}, {transform_indices = @transform_3, window_bounds = array<i64: 256, 768>}, {transform_indices = @transform_4, window_bounds = array<i64: 1, 768, 768>}, {transform_indices = @transform_5, window_bounds = array<i64: 1, 1, 768>}, {transform_indices = @transform_6, window_bounds = array<i64: 1, 1, 768>}, {transform_indices = @transform_7, window_bounds = array<i64: 1, 1, 768>}, {transform_indices = @transform_8, window_bounds = array<i64: 1, 768, 3072>}, {transform_indices = @transform_9, window_bounds = array<i64: 1, 1, 3072>}, {transform_indices = @transform_10, window_bounds = array<i64: 1, 3072, 768>}, {transform_indices = @transform_11, window_bounds = array<i64: 1, 1, 768>}, {transform_indices = @transform_12, window_bounds = array<i64: 256, 768>}]} {
    %eq3A = arith.constant 0 : i32
    %eq3A_0 = arith.cmpi eq, %arg0, %eq3A : i32
    %convert_element_type3A = arith.extui %eq3A_0 : i1 to i32
    %cond3A = arith.constant 0 : i32
    %cond3A_1 = arith.cmpi ne, %convert_element_type3A, %cond3A : i32
    scf.if %cond3A_1 {
      tpu.enqueue_dma source(%arg6 : memref<8448x768xbf16, #tpu.memory_space<any>>) target(%arg18 : memref<8448x768xbf16, #tpu.memory_space<vmem>>) target_semaphore(%arg20 : memref<!tpu.dma_semaphore, #tpu.memory_space<semaphore_mem>>)
      tpu.wait_dma2 semaphore(%arg20 : memref<!tpu.dma_semaphore, #tpu.memory_space<semaphore_mem>>) src(%arg6 : memref<8448x768xbf16, #tpu.memory_space<any>>) dst(%arg18 : memref<8448x768xbf16, #tpu.memory_space<vmem>>)
      tpu.enqueue_dma source(%arg7 : memref<8448x768xbf16, #tpu.memory_space<any>>) target(%arg19 : memref<8448x768xbf16, #tpu.memory_space<vmem>>) target_semaphore(%arg20 : memref<!tpu.dma_semaphore, #tpu.memory_space<semaphore_mem>>)
      tpu.wait_dma2 semaphore(%arg20 : memref<!tpu.dma_semaphore, #tpu.memory_space<semaphore_mem>>) src(%arg7 : memref<8448x768xbf16, #tpu.memory_space<any>>) dst(%arg19 : memref<8448x768xbf16, #tpu.memory_space<vmem>>)
    } else {
    }
    %get3A = arith.index_cast %arg0 : i32 to index
    %get3A_2 = memref.load %arg1[%get3A] : memref<33xi32, #tpu.memory_space<smem>>
    %ge3A = arith.constant 0 : i32
    %ge3A_3 = arith.cmpi sge, %get3A_2, %ge3A : i32
    %convert_element_type3A_4 = arith.extui %ge3A_3 : i1 to i32
    %cond3A_5 = arith.constant 0 : i32
    %cond3A_6 = arith.cmpi ne, %convert_element_type3A_4, %cond3A_5 : i32
    scf.if %cond3A_6 {
      %get3A_7 = arith.index_cast %get3A_2 : i32 to index
      %get3A_8 = memref.load %arg2[%get3A_7] : memref<16xi32, #tpu.memory_space<smem>>
      %get3A_9 = arith.index_cast %get3A_2 : i32 to index
      %get3A_10 = memref.load %arg3[%get3A_9] : memref<16xi32, #tpu.memory_space<smem>>
      %get3A_11 = arith.index_cast %get3A_2 : i32 to index
      %get3A_12 = memref.load %arg4[%get3A_11] : memref<16xi32, #tpu.memory_space<smem>>
      %get3A_13 = arith.constant 0 : index
      %get3A_14 = arith.constant 0 : index
      %get3A_15 = vector.load %arg5[%get3A_13, %get3A_14] : memref<256x768xbf16, #tpu.memory_space<vmem>>, vector<256x768xbf16>
      %iota3A = tpu.iota {dimensions = array<i32: 0>} : vector<512x1xi32>
      %iota3A_16 = tpu.iota {dimensions = array<i32: 1>} : vector<1x512xi32>
      %sub3A = arith.subi %get3A_10, %get3A_8 : i32
      %add3A = arith.constant 1 : i32
      %add3A_17 = arith.addi %sub3A, %add3A : i32
      %jit3A = arith.constant 2 : i32
      %div3A = arith.divsi %add3A_17, %jit3A : i32
      %sign3A = arith.constant 0 : i32
      %sign3A_18 = arith.cmpi sgt, %add3A_17, %sign3A : i32
      %sign3A_19 = arith.extui %sign3A_18 : i1 to i32
      %sign3A_20 = arith.constant 0 : i32
      %sign3A_21 = arith.cmpi slt, %add3A_17, %sign3A_20 : i32
      %sign3A_22 = arith.extui %sign3A_21 : i1 to i32
      %sign3A_23 = arith.subi %sign3A_19, %sign3A_22 : i32
      %sign3A_24 = arith.constant 0 : i32
      %sign3A_25 = arith.cmpi sgt, %jit3A, %sign3A_24 : i32
      %sign3A_26 = arith.extui %sign3A_25 : i1 to i32
      %sign3A_27 = arith.constant 0 : i32
      %sign3A_28 = arith.cmpi slt, %jit3A, %sign3A_27 : i32
      %sign3A_29 = arith.extui %sign3A_28 : i1 to i32
      %sign3A_30 = arith.subi %sign3A_26, %sign3A_29 : i32
      %ne3A = arith.cmpi ne, %sign3A_23, %sign3A_30 : i32
      %rem3A = arith.remsi %add3A_17, %jit3A : i32
      %ne3A_31 = arith.constant 0 : i32
      %ne3A_32 = arith.cmpi ne, %rem3A, %ne3A_31 : i32
      %and3A = arith.andi %ne3A, %ne3A_32 : i1
      %sub3A_33 = arith.constant 1 : i32
      %sub3A_34 = arith.subi %div3A, %sub3A_33 : i32
      %select_n3A = arith.select %and3A, %sub3A_34, %div3A : i32
      %broadcast_in_dim3A = arith.constant -1.000000e+30 : f32
      %broadcast_in_dim3A_35 = vector.broadcast %broadcast_in_dim3A : f32 to vector<256x1xf32>
      %broadcast_in_dim3A_36 = arith.constant 0.000000e+00 : f32
      %broadcast_in_dim3A_37 = vector.broadcast %broadcast_in_dim3A_36 : f32 to vector<256x1xf32>
      %broadcast_in_dim3A_38 = arith.constant 0.000000e+00 : f32
      %broadcast_in_dim3A_39 = vector.broadcast %broadcast_in_dim3A_38 : f32 to vector<256x64xf32>
      %broadcast_in_dim3A_40 = arith.constant -1.000000e+30 : f32
      %broadcast_in_dim3A_41 = vector.broadcast %broadcast_in_dim3A_40 : f32 to vector<256x1xf32>
      %broadcast_in_dim3A_42 = arith.constant 0.000000e+00 : f32
      %broadcast_in_dim3A_43 = vector.broadcast %broadcast_in_dim3A_42 : f32 to vector<256x1xf32>
      %broadcast_in_dim3A_44 = arith.constant 0.000000e+00 : f32
      %broadcast_in_dim3A_45 = vector.broadcast %broadcast_in_dim3A_44 : f32 to vector<256x64xf32>
      %broadcast_in_dim3A_46 = arith.constant -1.000000e+30 : f32
      %broadcast_in_dim3A_47 = vector.broadcast %broadcast_in_dim3A_46 : f32 to vector<256x1xf32>
      %broadcast_in_dim3A_48 = arith.constant 0.000000e+00 : f32
      %broadcast_in_dim3A_49 = vector.broadcast %broadcast_in_dim3A_48 : f32 to vector<256x1xf32>
      %broadcast_in_dim3A_50 = arith.constant 0.000000e+00 : f32
      %broadcast_in_dim3A_51 = vector.broadcast %broadcast_in_dim3A_50 : f32 to vector<256x64xf32>
      %broadcast_in_dim3A_52 = arith.constant -1.000000e+30 : f32
      %broadcast_in_dim3A_53 = vector.broadcast %broadcast_in_dim3A_52 : f32 to vector<256x1xf32>
      %broadcast_in_dim3A_54 = arith.constant 0.000000e+00 : f32
      %broadcast_in_dim3A_55 = vector.broadcast %broadcast_in_dim3A_54 : f32 to vector<256x1xf32>
      %broadcast_in_dim3A_56 = arith.constant 0.000000e+00 : f32
      %broadcast_in_dim3A_57 = vector.broadcast %broadcast_in_dim3A_56 : f32 to vector<256x64xf32>
      %broadcast_in_dim3A_58 = arith.constant -1.000000e+30 : f32
      %broadcast_in_dim3A_59 = vector.broadcast %broadcast_in_dim3A_58 : f32 to vector<256x1xf32>
      %broadcast_in_dim3A_60 = arith.constant 0.000000e+00 : f32
      %broadcast_in_dim3A_61 = vector.broadcast %broadcast_in_dim3A_60 : f32 to vector<256x1xf32>
      %broadcast_in_dim3A_62 = arith.constant 0.000000e+00 : f32
      %broadcast_in_dim3A_63 = vector.broadcast %broadcast_in_dim3A_62 : f32 to vector<256x64xf32>
      %broadcast_in_dim3A_64 = arith.constant -1.000000e+30 : f32
      %broadcast_in_dim3A_65 = vector.broadcast %broadcast_in_dim3A_64 : f32 to vector<256x1xf32>
      %broadcast_in_dim3A_66 = arith.constant 0.000000e+00 : f32
      %broadcast_in_dim3A_67 = vector.broadcast %broadcast_in_dim3A_66 : f32 to vector<256x1xf32>
      %broadcast_in_dim3A_68 = arith.constant 0.000000e+00 : f32
      %broadcast_in_dim3A_69 = vector.broadcast %broadcast_in_dim3A_68 : f32 to vector<256x64xf32>
      %broadcast_in_dim3A_70 = arith.constant -1.000000e+30 : f32
      %broadcast_in_dim3A_71 = vector.broadcast %broadcast_in_dim3A_70 : f32 to vector<256x1xf32>
      %broadcast_in_dim3A_72 = arith.constant 0.000000e+00 : f32
      %broadcast_in_dim3A_73 = vector.broadcast %broadcast_in_dim3A_72 : f32 to vector<256x1xf32>
      %broadcast_in_dim3A_74 = arith.constant 0.000000e+00 : f32
      %broadcast_in_dim3A_75 = vector.broadcast %broadcast_in_dim3A_74 : f32 to vector<256x64xf32>
      %broadcast_in_dim3A_76 = arith.constant -1.000000e+30 : f32
      %broadcast_in_dim3A_77 = vector.broadcast %broadcast_in_dim3A_76 : f32 to vector<256x1xf32>
      %broadcast_in_dim3A_78 = arith.constant 0.000000e+00 : f32
      %broadcast_in_dim3A_79 = vector.broadcast %broadcast_in_dim3A_78 : f32 to vector<256x1xf32>
      %broadcast_in_dim3A_80 = arith.constant 0.000000e+00 : f32
      %broadcast_in_dim3A_81 = vector.broadcast %broadcast_in_dim3A_80 : f32 to vector<256x64xf32>
      %broadcast_in_dim3A_82 = arith.constant -1.000000e+30 : f32
      %broadcast_in_dim3A_83 = vector.broadcast %broadcast_in_dim3A_82 : f32 to vector<256x1xf32>
      %broadcast_in_dim3A_84 = arith.constant 0.000000e+00 : f32
      %broadcast_in_dim3A_85 = vector.broadcast %broadcast_in_dim3A_84 : f32 to vector<256x1xf32>
      %broadcast_in_dim3A_86 = arith.constant 0.000000e+00 : f32
      %broadcast_in_dim3A_87 = vector.broadcast %broadcast_in_dim3A_86 : f32 to vector<256x64xf32>
      %broadcast_in_dim3A_88 = arith.constant -1.000000e+30 : f32
      %broadcast_in_dim3A_89 = vector.broadcast %broadcast_in_dim3A_88 : f32 to vector<256x1xf32>
      %broadcast_in_dim3A_90 = arith.constant 0.000000e+00 : f32
      %broadcast_in_dim3A_91 = vector.broadcast %broadcast_in_dim3A_90 : f32 to vector<256x1xf32>
      %broadcast_in_dim3A_92 = arith.constant 0.000000e+00 : f32
      %broadcast_in_dim3A_93 = vector.broadcast %broadcast_in_dim3A_92 : f32 to vector<256x64xf32>
      %broadcast_in_dim3A_94 = arith.constant -1.000000e+30 : f32
      %broadcast_in_dim3A_95 = vector.broadcast %broadcast_in_dim3A_94 : f32 to vector<256x1xf32>
      %broadcast_in_dim3A_96 = arith.constant 0.000000e+00 : f32
      %broadcast_in_dim3A_97 = vector.broadcast %broadcast_in_dim3A_96 : f32 to vector<256x1xf32>
      %broadcast_in_dim3A_98 = arith.constant 0.000000e+00 : f32
      %broadcast_in_dim3A_99 = vector.broadcast %broadcast_in_dim3A_98 : f32 to vector<256x64xf32>
      %broadcast_in_dim3A_100 = arith.constant -1.000000e+30 : f32
      %broadcast_in_dim3A_101 = vector.broadcast %broadcast_in_dim3A_100 : f32 to vector<256x1xf32>
      %broadcast_in_dim3A_102 = arith.constant 0.000000e+00 : f32
      %broadcast_in_dim3A_103 = vector.broadcast %broadcast_in_dim3A_102 : f32 to vector<256x1xf32>
      %broadcast_in_dim3A_104 = arith.constant 0.000000e+00 : f32
      %broadcast_in_dim3A_105 = vector.broadcast %broadcast_in_dim3A_104 : f32 to vector<256x64xf32>
      %while3A = arith.constant 0 : i32
      %while3A_106 = arith.subi %select_n3A, %while3A : i32
      %while3A_107 = arith.addi %while3A, %while3A_106 : i32
      %while3A_108 = arith.constant 1 : i32
      %while3A_109 = arith.divsi %while3A_106, %while3A_108 : i32
      %while3A_110 = arith.muli %while3A_109, %while3A_108 : i32
      %while3A_111 = arith.addi %while3A, %while3A_110 : i32
      %while3A_112 = arith.constant 1 : i32
      %while3A_113:36 = scf.for %while3A_306 = %while3A to %while3A_111 step %while3A_112 iter_args(%while3A_307 = %broadcast_in_dim3A_35, %while3A_308 = %broadcast_in_dim3A_37, %while3A_309 = %broadcast_in_dim3A_39, %while3A_310 = %broadcast_in_dim3A_41, %while3A_311 = %broadcast_in_dim3A_43, %while3A_312 = %broadcast_in_dim3A_45, %while3A_313 = %broadcast_in_dim3A_47, %while3A_314 = %broadcast_in_dim3A_49, %while3A_315 = %broadcast_in_dim3A_51, %while3A_316 = %broadcast_in_dim3A_53, %while3A_317 = %broadcast_in_dim3A_55, %while3A_318 = %broadcast_in_dim3A_57, %while3A_319 = %broadcast_in_dim3A_59, %while3A_320 = %broadcast_in_dim3A_61, %while3A_321 = %broadcast_in_dim3A_63, %while3A_322 = %broadcast_in_dim3A_65, %while3A_323 = %broadcast_in_dim3A_67, %while3A_324 = %broadcast_in_dim3A_69, %while3A_325 = %broadcast_in_dim3A_71, %while3A_326 = %broadcast_in_dim3A_73, %while3A_327 = %broadcast_in_dim3A_75, %while3A_328 = %broadcast_in_dim3A_77, %while3A_329 = %broadcast_in_dim3A_79, %while3A_330 = %broadcast_in_dim3A_81, %while3A_331 = %broadcast_in_dim3A_83, %while3A_332 = %broadcast_in_dim3A_85, %while3A_333 = %broadcast_in_dim3A_87, %while3A_334 = %broadcast_in_dim3A_89, %while3A_335 = %broadcast_in_dim3A_91, %while3A_336 = %broadcast_in_dim3A_93, %while3A_337 = %broadcast_in_dim3A_95, %while3A_338 = %broadcast_in_dim3A_97, %while3A_339 = %broadcast_in_dim3A_99, %while3A_340 = %broadcast_in_dim3A_101, %while3A_341 = %broadcast_in_dim3A_103, %while3A_342 = %broadcast_in_dim3A_105) -> (vector<256x1xf32>, vector<256x1xf32>, vector<256x64xf32>, vector<256x1xf32>, vector<256x1xf32>, vector<256x64xf32>, vector<256x1xf32>, vector<256x1xf32>, vector<256x64xf32>, vector<256x1xf32>, vector<256x1xf32>, vector<256x64xf32>, vector<256x1xf32>, vector<256x1xf32>, vector<256x64xf32>, vector<256x1xf32>, vector<256x1xf32>, vector<256x64xf32>, vector<256x1xf32>, vector<256x1xf32>, vector<256x64xf32>, vector<256x1xf32>, vector<256x1xf32>, vector<256x64xf32>, vector<256x1xf32>, vector<256x1xf32>, vector<256x64xf32>, vector<256x1xf32>, vector<256x1xf32>, vector<256x64xf32>, vector<256x1xf32>, vector<256x1xf32>, vector<256x64xf32>, vector<256x1xf32>, vector<256x1xf32>, vector<256x64xf32>)  : i32 {
        %mul3A_343 = arith.constant 256 : i32
        %mul3A_344 = arith.muli %get3A_8, %mul3A_343 : i32
        %mul3A_345 = arith.constant 512 : i32
        %mul3A_346 = arith.muli %while3A_306, %mul3A_345 : i32
        %add3A_347 = arith.addi %mul3A_344, %mul3A_346 : i32
        %get3A_348 = arith.index_cast %add3A_347 : i32 to index
        %get3A_349 = arith.constant 0 : index
        %get3A_350 = vector.load %arg18[%get3A_348, %get3A_349] : memref<8448x768xbf16, #tpu.memory_space<vmem>>, vector<512x768xbf16>
        %get3A_351 = arith.index_cast %add3A_347 : i32 to index
        %get3A_352 = arith.constant 0 : index
        %get3A_353 = vector.load %arg19[%get3A_351, %get3A_352] : memref<8448x768xbf16, #tpu.memory_space<vmem>>, vector<512x768xbf16>
        %add3A_354 = vector.broadcast %add3A_347 : i32 to vector<512x1xi32>
        %add3A_355 = arith.addi %add3A_354, %iota3A : vector<512x1xi32>
        %lt3A = vector.broadcast %get3A_12 : i32 to vector<512x1xi32>
        %lt3A_356 = arith.cmpi slt, %add3A_355, %lt3A : vector<512x1xi32>
        %jit3A_357 = arith.constant 0.000000e+00 : bf16
        %broadcast_in_dim3A_358 = vector.shape_cast %lt3A_356 : vector<512x1xi1> to vector<512x1xi1>
        %broadcast_in_dim3A_359 = vector.broadcast %broadcast_in_dim3A_358 : vector<512x1xi1> to vector<512x768xi1>
        %broadcast_in_dim3A_360 = vector.broadcast %jit3A_357 : bf16 to vector<512x768xbf16>
        %select_n3A_361 = arith.select %broadcast_in_dim3A_359, %get3A_353, %broadcast_in_dim3A_360 : vector<512x768xi1>, vector<512x768xbf16>
        %add3A_362 = vector.broadcast %add3A_347 : i32 to vector<1x512xi32>
        %add3A_363 = arith.addi %add3A_362, %iota3A_16 : vector<1x512xi32>
        %lt3A_364 = vector.broadcast %get3A_12 : i32 to vector<1x512xi32>
        %lt3A_365 = arith.cmpi slt, %add3A_363, %lt3A_364 : vector<1x512xi32>
        %slice3A = vector.extract_strided_slice %get3A_15 {offsets = [0, 0], sizes = [256, 64], strides = [1, 1]} : vector<256x768xbf16> to vector<256x64xbf16>
        %slice3A_366 = vector.extract_strided_slice %get3A_350 {offsets = [0, 0], sizes = [512, 64], strides = [1, 1]} : vector<512x768xbf16> to vector<512x64xbf16>
        %dot_general3A_367 = arith.constant dense<0.000000e+00> : vector<256x512xf32>
        %dot_general3A_368 = tpu.matmul %slice3A, %slice3A_366, %dot_general3A_367 {dimension_numbers = #tpu.dot_dimension_numbers<[1], [1], [0], [0], [0, 0, 1, 0], [], []>, transpose_lhs_hint = false} : vector<256x64xbf16>, vector<512x64xbf16>, vector<256x512xf32> -> vector<256x512xf32>
        %mul3A_369 = arith.constant 1.250000e-01 : f32
        %mul3A_370 = vector.broadcast %mul3A_369 : f32 to vector<256x512xf32>
        %mul3A_371 = arith.mulf %dot_general3A_368, %mul3A_370 : vector<256x512xf32>
        %jit3A_372 = arith.constant -1.000000e+30 : f32
        %broadcast_in_dim3A_373 = vector.shape_cast %lt3A_365 : vector<1x512xi1> to vector<1x512xi1>
        %broadcast_in_dim3A_374 = vector.broadcast %broadcast_in_dim3A_373 : vector<1x512xi1> to vector<256x512xi1>
        %broadcast_in_dim3A_375 = vector.broadcast %jit3A_372 : f32 to vector<256x512xf32>
        %select_n3A_376 = arith.select %broadcast_in_dim3A_374, %mul3A_371, %broadcast_in_dim3A_375 : vector<256x512xi1>, vector<256x512xf32>
        %reduce_max3A = arith.constant dense<0xFF800000> : vector<256xf32>
        %reduce_max3A_377 = vector.multi_reduction <maximumf>, %select_n3A_376, %reduce_max3A [1] : vector<256x512xf32> to vector<256xf32>
        %broadcast_in_dim3A_378 = vector.shape_cast %reduce_max3A_377 : vector<256xf32> to vector<256x1xf32>
        %max3A = arith.maximumf %while3A_307, %broadcast_in_dim3A_378 : vector<256x1xf32>
        %sub3A_379 = arith.subf %while3A_307, %max3A : vector<256x1xf32>
        %exp3A = math.exp %sub3A_379 : vector<256x1xf32>
        %sub3A_380 = vector.broadcast %max3A : vector<256x1xf32> to vector<256x512xf32>
        %sub3A_381 = arith.subf %select_n3A_376, %sub3A_380 : vector<256x512xf32>
        %exp3A_382 = math.exp %sub3A_381 : vector<256x512xf32>
        %mul3A_383 = arith.mulf %while3A_308, %exp3A : vector<256x1xf32>
        %reduce_sum3A_384 = arith.constant dense<0.000000e+00> : vector<256xf32>
        %reduce_sum3A_385 = vector.multi_reduction <add>, %exp3A_382, %reduce_sum3A_384 [1] : vector<256x512xf32> to vector<256xf32>
        %broadcast_in_dim3A_386 = vector.shape_cast %reduce_sum3A_385 : vector<256xf32> to vector<256x1xf32>
        %add3A_387 = arith.addf %mul3A_383, %broadcast_in_dim3A_386 : vector<256x1xf32>
        %mul3A_388 = vector.broadcast %exp3A : vector<256x1xf32> to vector<256x64xf32>
        %mul3A_389 = arith.mulf %while3A_309, %mul3A_388 : vector<256x64xf32>
        %convert_element_type3A_390 = arith.truncf %exp3A_382 : vector<256x512xf32> to vector<256x512xbf16>
        %slice3A_391 = vector.extract_strided_slice %select_n3A_361 {offsets = [0, 0], sizes = [512, 64], strides = [1, 1]} : vector<512x768xbf16> to vector<512x64xbf16>
        %dot_general3A_392 = arith.constant dense<0.000000e+00> : vector<256x64xf32>
        %dot_general3A_393 = tpu.matmul %convert_element_type3A_390, %slice3A_391, %dot_general3A_392 {dimension_numbers = #tpu.dot_dimension_numbers<[1], [0], [0], [1], [0, 0, 1, 1], [], []>, transpose_lhs_hint = false} : vector<256x512xbf16>, vector<512x64xbf16>, vector<256x64xf32> -> vector<256x64xf32>
        %add3A_394 = arith.addf %mul3A_389, %dot_general3A_393 : vector<256x64xf32>
        %slice3A_395 = vector.extract_strided_slice %get3A_15 {offsets = [0, 64], sizes = [256, 64], strides = [1, 1]} : vector<256x768xbf16> to vector<256x64xbf16>
        %slice3A_396 = vector.extract_strided_slice %get3A_350 {offsets = [0, 64], sizes = [512, 64], strides = [1, 1]} : vector<512x768xbf16> to vector<512x64xbf16>
        %dot_general3A_397 = arith.constant dense<0.000000e+00> : vector<256x512xf32>
        %dot_general3A_398 = tpu.matmul %slice3A_395, %slice3A_396, %dot_general3A_397 {dimension_numbers = #tpu.dot_dimension_numbers<[1], [1], [0], [0], [0, 0, 1, 0], [], []>, transpose_lhs_hint = false} : vector<256x64xbf16>, vector<512x64xbf16>, vector<256x512xf32> -> vector<256x512xf32>
        %mul3A_399 = arith.constant 1.250000e-01 : f32
        %mul3A_400 = vector.broadcast %mul3A_399 : f32 to vector<256x512xf32>
        %mul3A_401 = arith.mulf %dot_general3A_398, %mul3A_400 : vector<256x512xf32>
        %jit3A_402 = arith.constant -1.000000e+30 : f32
        %broadcast_in_dim3A_403 = vector.shape_cast %lt3A_365 : vector<1x512xi1> to vector<1x512xi1>
        %broadcast_in_dim3A_404 = vector.broadcast %broadcast_in_dim3A_403 : vector<1x512xi1> to vector<256x512xi1>
        %broadcast_in_dim3A_405 = vector.broadcast %jit3A_402 : f32 to vector<256x512xf32>
        %select_n3A_406 = arith.select %broadcast_in_dim3A_404, %mul3A_401, %broadcast_in_dim3A_405 : vector<256x512xi1>, vector<256x512xf32>
        %reduce_max3A_407 = arith.constant dense<0xFF800000> : vector<256xf32>
        %reduce_max3A_408 = vector.multi_reduction <maximumf>, %select_n3A_406, %reduce_max3A_407 [1] : vector<256x512xf32> to vector<256xf32>
        %broadcast_in_dim3A_409 = vector.shape_cast %reduce_max3A_408 : vector<256xf32> to vector<256x1xf32>
        %max3A_410 = arith.maximumf %while3A_310, %broadcast_in_dim3A_409 : vector<256x1xf32>
        %sub3A_411 = arith.subf %while3A_310, %max3A_410 : vector<256x1xf32>
        %exp3A_412 = math.exp %sub3A_411 : vector<256x1xf32>
        %sub3A_413 = vector.broadcast %max3A_410 : vector<256x1xf32> to vector<256x512xf32>
        %sub3A_414 = arith.subf %select_n3A_406, %sub3A_413 : vector<256x512xf32>
        %exp3A_415 = math.exp %sub3A_414 : vector<256x512xf32>
        %mul3A_416 = arith.mulf %while3A_311, %exp3A_412 : vector<256x1xf32>
        %reduce_sum3A_417 = arith.constant dense<0.000000e+00> : vector<256xf32>
        %reduce_sum3A_418 = vector.multi_reduction <add>, %exp3A_415, %reduce_sum3A_417 [1] : vector<256x512xf32> to vector<256xf32>
        %broadcast_in_dim3A_419 = vector.shape_cast %reduce_sum3A_418 : vector<256xf32> to vector<256x1xf32>
        %add3A_420 = arith.addf %mul3A_416, %broadcast_in_dim3A_419 : vector<256x1xf32>
        %mul3A_421 = vector.broadcast %exp3A_412 : vector<256x1xf32> to vector<256x64xf32>
        %mul3A_422 = arith.mulf %while3A_312, %mul3A_421 : vector<256x64xf32>
        %convert_element_type3A_423 = arith.truncf %exp3A_415 : vector<256x512xf32> to vector<256x512xbf16>
        %slice3A_424 = vector.extract_strided_slice %select_n3A_361 {offsets = [0, 64], sizes = [512, 64], strides = [1, 1]} : vector<512x768xbf16> to vector<512x64xbf16>
        %dot_general3A_425 = arith.constant dense<0.000000e+00> : vector<256x64xf32>
        %dot_general3A_426 = tpu.matmul %convert_element_type3A_423, %slice3A_424, %dot_general3A_425 {dimension_numbers = #tpu.dot_dimension_numbers<[1], [0], [0], [1], [0, 0, 1, 1], [], []>, transpose_lhs_hint = false} : vector<256x512xbf16>, vector<512x64xbf16>, vector<256x64xf32> -> vector<256x64xf32>
        %add3A_427 = arith.addf %mul3A_422, %dot_general3A_426 : vector<256x64xf32>
        %slice3A_428 = vector.extract_strided_slice %get3A_15 {offsets = [0, 128], sizes = [256, 64], strides = [1, 1]} : vector<256x768xbf16> to vector<256x64xbf16>
        %slice3A_429 = vector.extract_strided_slice %get3A_350 {offsets = [0, 128], sizes = [512, 64], strides = [1, 1]} : vector<512x768xbf16> to vector<512x64xbf16>
        %dot_general3A_430 = arith.constant dense<0.000000e+00> : vector<256x512xf32>
        %dot_general3A_431 = tpu.matmul %slice3A_428, %slice3A_429, %dot_general3A_430 {dimension_numbers = #tpu.dot_dimension_numbers<[1], [1], [0], [0], [0, 0, 1, 0], [], []>, transpose_lhs_hint = false} : vector<256x64xbf16>, vector<512x64xbf16>, vector<256x512xf32> -> vector<256x512xf32>
        %mul3A_432 = arith.constant 1.250000e-01 : f32
        %mul3A_433 = vector.broadcast %mul3A_432 : f32 to vector<256x512xf32>
        %mul3A_434 = arith.mulf %dot_general3A_431, %mul3A_433 : vector<256x512xf32>
        %jit3A_435 = arith.constant -1.000000e+30 : f32
        %broadcast_in_dim3A_436 = vector.shape_cast %lt3A_365 : vector<1x512xi1> to vector<1x512xi1>
        %broadcast_in_dim3A_437 = vector.broadcast %broadcast_in_dim3A_436 : vector<1x512xi1> to vector<256x512xi1>
        %broadcast_in_dim3A_438 = vector.broadcast %jit3A_435 : f32 to vector<256x512xf32>
        %select_n3A_439 = arith.select %broadcast_in_dim3A_437, %mul3A_434, %broadcast_in_dim3A_438 : vector<256x512xi1>, vector<256x512xf32>
        %reduce_max3A_440 = arith.constant dense<0xFF800000> : vector<256xf32>
        %reduce_max3A_441 = vector.multi_reduction <maximumf>, %select_n3A_439, %reduce_max3A_440 [1] : vector<256x512xf32> to vector<256xf32>
        %broadcast_in_dim3A_442 = vector.shape_cast %reduce_max3A_441 : vector<256xf32> to vector<256x1xf32>
        %max3A_443 = arith.maximumf %while3A_313, %broadcast_in_dim3A_442 : vector<256x1xf32>
        %sub3A_444 = arith.subf %while3A_313, %max3A_443 : vector<256x1xf32>
        %exp3A_445 = math.exp %sub3A_444 : vector<256x1xf32>
        %sub3A_446 = vector.broadcast %max3A_443 : vector<256x1xf32> to vector<256x512xf32>
        %sub3A_447 = arith.subf %select_n3A_439, %sub3A_446 : vector<256x512xf32>
        %exp3A_448 = math.exp %sub3A_447 : vector<256x512xf32>
        %mul3A_449 = arith.mulf %while3A_314, %exp3A_445 : vector<256x1xf32>
        %reduce_sum3A_450 = arith.constant dense<0.000000e+00> : vector<256xf32>
        %reduce_sum3A_451 = vector.multi_reduction <add>, %exp3A_448, %reduce_sum3A_450 [1] : vector<256x512xf32> to vector<256xf32>
        %broadcast_in_dim3A_452 = vector.shape_cast %reduce_sum3A_451 : vector<256xf32> to vector<256x1xf32>
        %add3A_453 = arith.addf %mul3A_449, %broadcast_in_dim3A_452 : vector<256x1xf32>
        %mul3A_454 = vector.broadcast %exp3A_445 : vector<256x1xf32> to vector<256x64xf32>
        %mul3A_455 = arith.mulf %while3A_315, %mul3A_454 : vector<256x64xf32>
        %convert_element_type3A_456 = arith.truncf %exp3A_448 : vector<256x512xf32> to vector<256x512xbf16>
        %slice3A_457 = vector.extract_strided_slice %select_n3A_361 {offsets = [0, 128], sizes = [512, 64], strides = [1, 1]} : vector<512x768xbf16> to vector<512x64xbf16>
        %dot_general3A_458 = arith.constant dense<0.000000e+00> : vector<256x64xf32>
        %dot_general3A_459 = tpu.matmul %convert_element_type3A_456, %slice3A_457, %dot_general3A_458 {dimension_numbers = #tpu.dot_dimension_numbers<[1], [0], [0], [1], [0, 0, 1, 1], [], []>, transpose_lhs_hint = false} : vector<256x512xbf16>, vector<512x64xbf16>, vector<256x64xf32> -> vector<256x64xf32>
        %add3A_460 = arith.addf %mul3A_455, %dot_general3A_459 : vector<256x64xf32>
        %slice3A_461 = vector.extract_strided_slice %get3A_15 {offsets = [0, 192], sizes = [256, 64], strides = [1, 1]} : vector<256x768xbf16> to vector<256x64xbf16>
        %slice3A_462 = vector.extract_strided_slice %get3A_350 {offsets = [0, 192], sizes = [512, 64], strides = [1, 1]} : vector<512x768xbf16> to vector<512x64xbf16>
        %dot_general3A_463 = arith.constant dense<0.000000e+00> : vector<256x512xf32>
        %dot_general3A_464 = tpu.matmul %slice3A_461, %slice3A_462, %dot_general3A_463 {dimension_numbers = #tpu.dot_dimension_numbers<[1], [1], [0], [0], [0, 0, 1, 0], [], []>, transpose_lhs_hint = false} : vector<256x64xbf16>, vector<512x64xbf16>, vector<256x512xf32> -> vector<256x512xf32>
        %mul3A_465 = arith.constant 1.250000e-01 : f32
        %mul3A_466 = vector.broadcast %mul3A_465 : f32 to vector<256x512xf32>
        %mul3A_467 = arith.mulf %dot_general3A_464, %mul3A_466 : vector<256x512xf32>
        %jit3A_468 = arith.constant -1.000000e+30 : f32
        %broadcast_in_dim3A_469 = vector.shape_cast %lt3A_365 : vector<1x512xi1> to vector<1x512xi1>
        %broadcast_in_dim3A_470 = vector.broadcast %broadcast_in_dim3A_469 : vector<1x512xi1> to vector<256x512xi1>
        %broadcast_in_dim3A_471 = vector.broadcast %jit3A_468 : f32 to vector<256x512xf32>
        %select_n3A_472 = arith.select %broadcast_in_dim3A_470, %mul3A_467, %broadcast_in_dim3A_471 : vector<256x512xi1>, vector<256x512xf32>
        %reduce_max3A_473 = arith.constant dense<0xFF800000> : vector<256xf32>
        %reduce_max3A_474 = vector.multi_reduction <maximumf>, %select_n3A_472, %reduce_max3A_473 [1] : vector<256x512xf32> to vector<256xf32>
        %broadcast_in_dim3A_475 = vector.shape_cast %reduce_max3A_474 : vector<256xf32> to vector<256x1xf32>
        %max3A_476 = arith.maximumf %while3A_316, %broadcast_in_dim3A_475 : vector<256x1xf32>
        %sub3A_477 = arith.subf %while3A_316, %max3A_476 : vector<256x1xf32>
        %exp3A_478 = math.exp %sub3A_477 : vector<256x1xf32>
        %sub3A_479 = vector.broadcast %max3A_476 : vector<256x1xf32> to vector<256x512xf32>
        %sub3A_480 = arith.subf %select_n3A_472, %sub3A_479 : vector<256x512xf32>
        %exp3A_481 = math.exp %sub3A_480 : vector<256x512xf32>
        %mul3A_482 = arith.mulf %while3A_317, %exp3A_478 : vector<256x1xf32>
        %reduce_sum3A_483 = arith.constant dense<0.000000e+00> : vector<256xf32>
        %reduce_sum3A_484 = vector.multi_reduction <add>, %exp3A_481, %reduce_sum3A_483 [1] : vector<256x512xf32> to vector<256xf32>
        %broadcast_in_dim3A_485 = vector.shape_cast %reduce_sum3A_484 : vector<256xf32> to vector<256x1xf32>
        %add3A_486 = arith.addf %mul3A_482, %broadcast_in_dim3A_485 : vector<256x1xf32>
        %mul3A_487 = vector.broadcast %exp3A_478 : vector<256x1xf32> to vector<256x64xf32>
        %mul3A_488 = arith.mulf %while3A_318, %mul3A_487 : vector<256x64xf32>
        %convert_element_type3A_489 = arith.truncf %exp3A_481 : vector<256x512xf32> to vector<256x512xbf16>
        %slice3A_490 = vector.extract_strided_slice %select_n3A_361 {offsets = [0, 192], sizes = [512, 64], strides = [1, 1]} : vector<512x768xbf16> to vector<512x64xbf16>
        %dot_general3A_491 = arith.constant dense<0.000000e+00> : vector<256x64xf32>
        %dot_general3A_492 = tpu.matmul %convert_element_type3A_489, %slice3A_490, %dot_general3A_491 {dimension_numbers = #tpu.dot_dimension_numbers<[1], [0], [0], [1], [0, 0, 1, 1], [], []>, transpose_lhs_hint = false} : vector<256x512xbf16>, vector<512x64xbf16>, vector<256x64xf32> -> vector<256x64xf32>
        %add3A_493 = arith.addf %mul3A_488, %dot_general3A_492 : vector<256x64xf32>
        %slice3A_494 = vector.extract_strided_slice %get3A_15 {offsets = [0, 256], sizes = [256, 64], strides = [1, 1]} : vector<256x768xbf16> to vector<256x64xbf16>
        %slice3A_495 = vector.extract_strided_slice %get3A_350 {offsets = [0, 256], sizes = [512, 64], strides = [1, 1]} : vector<512x768xbf16> to vector<512x64xbf16>
        %dot_general3A_496 = arith.constant dense<0.000000e+00> : vector<256x512xf32>
        %dot_general3A_497 = tpu.matmul %slice3A_494, %slice3A_495, %dot_general3A_496 {dimension_numbers = #tpu.dot_dimension_numbers<[1], [1], [0], [0], [0, 0, 1, 0], [], []>, transpose_lhs_hint = false} : vector<256x64xbf16>, vector<512x64xbf16>, vector<256x512xf32> -> vector<256x512xf32>
        %mul3A_498 = arith.constant 1.250000e-01 : f32
        %mul3A_499 = vector.broadcast %mul3A_498 : f32 to vector<256x512xf32>
        %mul3A_500 = arith.mulf %dot_general3A_497, %mul3A_499 : vector<256x512xf32>
        %jit3A_501 = arith.constant -1.000000e+30 : f32
        %broadcast_in_dim3A_502 = vector.shape_cast %lt3A_365 : vector<1x512xi1> to vector<1x512xi1>
        %broadcast_in_dim3A_503 = vector.broadcast %broadcast_in_dim3A_502 : vector<1x512xi1> to vector<256x512xi1>
        %broadcast_in_dim3A_504 = vector.broadcast %jit3A_501 : f32 to vector<256x512xf32>
        %select_n3A_505 = arith.select %broadcast_in_dim3A_503, %mul3A_500, %broadcast_in_dim3A_504 : vector<256x512xi1>, vector<256x512xf32>
        %reduce_max3A_506 = arith.constant dense<0xFF800000> : vector<256xf32>
        %reduce_max3A_507 = vector.multi_reduction <maximumf>, %select_n3A_505, %reduce_max3A_506 [1] : vector<256x512xf32> to vector<256xf32>
        %broadcast_in_dim3A_508 = vector.shape_cast %reduce_max3A_507 : vector<256xf32> to vector<256x1xf32>
        %max3A_509 = arith.maximumf %while3A_319, %broadcast_in_dim3A_508 : vector<256x1xf32>
        %sub3A_510 = arith.subf %while3A_319, %max3A_509 : vector<256x1xf32>
        %exp3A_511 = math.exp %sub3A_510 : vector<256x1xf32>
        %sub3A_512 = vector.broadcast %max3A_509 : vector<256x1xf32> to vector<256x512xf32>
        %sub3A_513 = arith.subf %select_n3A_505, %sub3A_512 : vector<256x512xf32>
        %exp3A_514 = math.exp %sub3A_513 : vector<256x512xf32>
        %mul3A_515 = arith.mulf %while3A_320, %exp3A_511 : vector<256x1xf32>
        %reduce_sum3A_516 = arith.constant dense<0.000000e+00> : vector<256xf32>
        %reduce_sum3A_517 = vector.multi_reduction <add>, %exp3A_514, %reduce_sum3A_516 [1] : vector<256x512xf32> to vector<256xf32>
        %broadcast_in_dim3A_518 = vector.shape_cast %reduce_sum3A_517 : vector<256xf32> to vector<256x1xf32>
        %add3A_519 = arith.addf %mul3A_515, %broadcast_in_dim3A_518 : vector<256x1xf32>
        %mul3A_520 = vector.broadcast %exp3A_511 : vector<256x1xf32> to vector<256x64xf32>
        %mul3A_521 = arith.mulf %while3A_321, %mul3A_520 : vector<256x64xf32>
        %convert_element_type3A_522 = arith.truncf %exp3A_514 : vector<256x512xf32> to vector<256x512xbf16>
        %slice3A_523 = vector.extract_strided_slice %select_n3A_361 {offsets = [0, 256], sizes = [512, 64], strides = [1, 1]} : vector<512x768xbf16> to vector<512x64xbf16>
        %dot_general3A_524 = arith.constant dense<0.000000e+00> : vector<256x64xf32>
        %dot_general3A_525 = tpu.matmul %convert_element_type3A_522, %slice3A_523, %dot_general3A_524 {dimension_numbers = #tpu.dot_dimension_numbers<[1], [0], [0], [1], [0, 0, 1, 1], [], []>, transpose_lhs_hint = false} : vector<256x512xbf16>, vector<512x64xbf16>, vector<256x64xf32> -> vector<256x64xf32>
        %add3A_526 = arith.addf %mul3A_521, %dot_general3A_525 : vector<256x64xf32>
        %slice3A_527 = vector.extract_strided_slice %get3A_15 {offsets = [0, 320], sizes = [256, 64], strides = [1, 1]} : vector<256x768xbf16> to vector<256x64xbf16>
        %slice3A_528 = vector.extract_strided_slice %get3A_350 {offsets = [0, 320], sizes = [512, 64], strides = [1, 1]} : vector<512x768xbf16> to vector<512x64xbf16>
        %dot_general3A_529 = arith.constant dense<0.000000e+00> : vector<256x512xf32>
        %dot_general3A_530 = tpu.matmul %slice3A_527, %slice3A_528, %dot_general3A_529 {dimension_numbers = #tpu.dot_dimension_numbers<[1], [1], [0], [0], [0, 0, 1, 0], [], []>, transpose_lhs_hint = false} : vector<256x64xbf16>, vector<512x64xbf16>, vector<256x512xf32> -> vector<256x512xf32>
        %mul3A_531 = arith.constant 1.250000e-01 : f32
        %mul3A_532 = vector.broadcast %mul3A_531 : f32 to vector<256x512xf32>
        %mul3A_533 = arith.mulf %dot_general3A_530, %mul3A_532 : vector<256x512xf32>
        %jit3A_534 = arith.constant -1.000000e+30 : f32
        %broadcast_in_dim3A_535 = vector.shape_cast %lt3A_365 : vector<1x512xi1> to vector<1x512xi1>
        %broadcast_in_dim3A_536 = vector.broadcast %broadcast_in_dim3A_535 : vector<1x512xi1> to vector<256x512xi1>
        %broadcast_in_dim3A_537 = vector.broadcast %jit3A_534 : f32 to vector<256x512xf32>
        %select_n3A_538 = arith.select %broadcast_in_dim3A_536, %mul3A_533, %broadcast_in_dim3A_537 : vector<256x512xi1>, vector<256x512xf32>
        %reduce_max3A_539 = arith.constant dense<0xFF800000> : vector<256xf32>
        %reduce_max3A_540 = vector.multi_reduction <maximumf>, %select_n3A_538, %reduce_max3A_539 [1] : vector<256x512xf32> to vector<256xf32>
        %broadcast_in_dim3A_541 = vector.shape_cast %reduce_max3A_540 : vector<256xf32> to vector<256x1xf32>
        %max3A_542 = arith.maximumf %while3A_322, %broadcast_in_dim3A_541 : vector<256x1xf32>
        %sub3A_543 = arith.subf %while3A_322, %max3A_542 : vector<256x1xf32>
        %exp3A_544 = math.exp %sub3A_543 : vector<256x1xf32>
        %sub3A_545 = vector.broadcast %max3A_542 : vector<256x1xf32> to vector<256x512xf32>
        %sub3A_546 = arith.subf %select_n3A_538, %sub3A_545 : vector<256x512xf32>
        %exp3A_547 = math.exp %sub3A_546 : vector<256x512xf32>
        %mul3A_548 = arith.mulf %while3A_323, %exp3A_544 : vector<256x1xf32>
        %reduce_sum3A_549 = arith.constant dense<0.000000e+00> : vector<256xf32>
        %reduce_sum3A_550 = vector.multi_reduction <add>, %exp3A_547, %reduce_sum3A_549 [1] : vector<256x512xf32> to vector<256xf32>
        %broadcast_in_dim3A_551 = vector.shape_cast %reduce_sum3A_550 : vector<256xf32> to vector<256x1xf32>
        %add3A_552 = arith.addf %mul3A_548, %broadcast_in_dim3A_551 : vector<256x1xf32>
        %mul3A_553 = vector.broadcast %exp3A_544 : vector<256x1xf32> to vector<256x64xf32>
        %mul3A_554 = arith.mulf %while3A_324, %mul3A_553 : vector<256x64xf32>
        %convert_element_type3A_555 = arith.truncf %exp3A_547 : vector<256x512xf32> to vector<256x512xbf16>
        %slice3A_556 = vector.extract_strided_slice %select_n3A_361 {offsets = [0, 320], sizes = [512, 64], strides = [1, 1]} : vector<512x768xbf16> to vector<512x64xbf16>
        %dot_general3A_557 = arith.constant dense<0.000000e+00> : vector<256x64xf32>
        %dot_general3A_558 = tpu.matmul %convert_element_type3A_555, %slice3A_556, %dot_general3A_557 {dimension_numbers = #tpu.dot_dimension_numbers<[1], [0], [0], [1], [0, 0, 1, 1], [], []>, transpose_lhs_hint = false} : vector<256x512xbf16>, vector<512x64xbf16>, vector<256x64xf32> -> vector<256x64xf32>
        %add3A_559 = arith.addf %mul3A_554, %dot_general3A_558 : vector<256x64xf32>
        %slice3A_560 = vector.extract_strided_slice %get3A_15 {offsets = [0, 384], sizes = [256, 64], strides = [1, 1]} : vector<256x768xbf16> to vector<256x64xbf16>
        %slice3A_561 = vector.extract_strided_slice %get3A_350 {offsets = [0, 384], sizes = [512, 64], strides = [1, 1]} : vector<512x768xbf16> to vector<512x64xbf16>
        %dot_general3A_562 = arith.constant dense<0.000000e+00> : vector<256x512xf32>
        %dot_general3A_563 = tpu.matmul %slice3A_560, %slice3A_561, %dot_general3A_562 {dimension_numbers = #tpu.dot_dimension_numbers<[1], [1], [0], [0], [0, 0, 1, 0], [], []>, transpose_lhs_hint = false} : vector<256x64xbf16>, vector<512x64xbf16>, vector<256x512xf32> -> vector<256x512xf32>
        %mul3A_564 = arith.constant 1.250000e-01 : f32
        %mul3A_565 = vector.broadcast %mul3A_564 : f32 to vector<256x512xf32>
        %mul3A_566 = arith.mulf %dot_general3A_563, %mul3A_565 : vector<256x512xf32>
        %jit3A_567 = arith.constant -1.000000e+30 : f32
        %broadcast_in_dim3A_568 = vector.shape_cast %lt3A_365 : vector<1x512xi1> to vector<1x512xi1>
        %broadcast_in_dim3A_569 = vector.broadcast %broadcast_in_dim3A_568 : vector<1x512xi1> to vector<256x512xi1>
        %broadcast_in_dim3A_570 = vector.broadcast %jit3A_567 : f32 to vector<256x512xf32>
        %select_n3A_571 = arith.select %broadcast_in_dim3A_569, %mul3A_566, %broadcast_in_dim3A_570 : vector<256x512xi1>, vector<256x512xf32>
        %reduce_max3A_572 = arith.constant dense<0xFF800000> : vector<256xf32>
        %reduce_max3A_573 = vector.multi_reduction <maximumf>, %select_n3A_571, %reduce_max3A_572 [1] : vector<256x512xf32> to vector<256xf32>
        %broadcast_in_dim3A_574 = vector.shape_cast %reduce_max3A_573 : vector<256xf32> to vector<256x1xf32>
        %max3A_575 = arith.maximumf %while3A_325, %broadcast_in_dim3A_574 : vector<256x1xf32>
        %sub3A_576 = arith.subf %while3A_325, %max3A_575 : vector<256x1xf32>
        %exp3A_577 = math.exp %sub3A_576 : vector<256x1xf32>
        %sub3A_578 = vector.broadcast %max3A_575 : vector<256x1xf32> to vector<256x512xf32>
        %sub3A_579 = arith.subf %select_n3A_571, %sub3A_578 : vector<256x512xf32>
        %exp3A_580 = math.exp %sub3A_579 : vector<256x512xf32>
        %mul3A_581 = arith.mulf %while3A_326, %exp3A_577 : vector<256x1xf32>
        %reduce_sum3A_582 = arith.constant dense<0.000000e+00> : vector<256xf32>
        %reduce_sum3A_583 = vector.multi_reduction <add>, %exp3A_580, %reduce_sum3A_582 [1] : vector<256x512xf32> to vector<256xf32>
        %broadcast_in_dim3A_584 = vector.shape_cast %reduce_sum3A_583 : vector<256xf32> to vector<256x1xf32>
        %add3A_585 = arith.addf %mul3A_581, %broadcast_in_dim3A_584 : vector<256x1xf32>
        %mul3A_586 = vector.broadcast %exp3A_577 : vector<256x1xf32> to vector<256x64xf32>
        %mul3A_587 = arith.mulf %while3A_327, %mul3A_586 : vector<256x64xf32>
        %convert_element_type3A_588 = arith.truncf %exp3A_580 : vector<256x512xf32> to vector<256x512xbf16>
        %slice3A_589 = vector.extract_strided_slice %select_n3A_361 {offsets = [0, 384], sizes = [512, 64], strides = [1, 1]} : vector<512x768xbf16> to vector<512x64xbf16>
        %dot_general3A_590 = arith.constant dense<0.000000e+00> : vector<256x64xf32>
        %dot_general3A_591 = tpu.matmul %convert_element_type3A_588, %slice3A_589, %dot_general3A_590 {dimension_numbers = #tpu.dot_dimension_numbers<[1], [0], [0], [1], [0, 0, 1, 1], [], []>, transpose_lhs_hint = false} : vector<256x512xbf16>, vector<512x64xbf16>, vector<256x64xf32> -> vector<256x64xf32>
        %add3A_592 = arith.addf %mul3A_587, %dot_general3A_591 : vector<256x64xf32>
        %slice3A_593 = vector.extract_strided_slice %get3A_15 {offsets = [0, 448], sizes = [256, 64], strides = [1, 1]} : vector<256x768xbf16> to vector<256x64xbf16>
        %slice3A_594 = vector.extract_strided_slice %get3A_350 {offsets = [0, 448], sizes = [512, 64], strides = [1, 1]} : vector<512x768xbf16> to vector<512x64xbf16>
        %dot_general3A_595 = arith.constant dense<0.000000e+00> : vector<256x512xf32>
        %dot_general3A_596 = tpu.matmul %slice3A_593, %slice3A_594, %dot_general3A_595 {dimension_numbers = #tpu.dot_dimension_numbers<[1], [1], [0], [0], [0, 0, 1, 0], [], []>, transpose_lhs_hint = false} : vector<256x64xbf16>, vector<512x64xbf16>, vector<256x512xf32> -> vector<256x512xf32>
        %mul3A_597 = arith.constant 1.250000e-01 : f32
        %mul3A_598 = vector.broadcast %mul3A_597 : f32 to vector<256x512xf32>
        %mul3A_599 = arith.mulf %dot_general3A_596, %mul3A_598 : vector<256x512xf32>
        %jit3A_600 = arith.constant -1.000000e+30 : f32
        %broadcast_in_dim3A_601 = vector.shape_cast %lt3A_365 : vector<1x512xi1> to vector<1x512xi1>
        %broadcast_in_dim3A_602 = vector.broadcast %broadcast_in_dim3A_601 : vector<1x512xi1> to vector<256x512xi1>
        %broadcast_in_dim3A_603 = vector.broadcast %jit3A_600 : f32 to vector<256x512xf32>
        %select_n3A_604 = arith.select %broadcast_in_dim3A_602, %mul3A_599, %broadcast_in_dim3A_603 : vector<256x512xi1>, vector<256x512xf32>
        %reduce_max3A_605 = arith.constant dense<0xFF800000> : vector<256xf32>
        %reduce_max3A_606 = vector.multi_reduction <maximumf>, %select_n3A_604, %reduce_max3A_605 [1] : vector<256x512xf32> to vector<256xf32>
        %broadcast_in_dim3A_607 = vector.shape_cast %reduce_max3A_606 : vector<256xf32> to vector<256x1xf32>
        %max3A_608 = arith.maximumf %while3A_328, %broadcast_in_dim3A_607 : vector<256x1xf32>
        %sub3A_609 = arith.subf %while3A_328, %max3A_608 : vector<256x1xf32>
        %exp3A_610 = math.exp %sub3A_609 : vector<256x1xf32>
        %sub3A_611 = vector.broadcast %max3A_608 : vector<256x1xf32> to vector<256x512xf32>
        %sub3A_612 = arith.subf %select_n3A_604, %sub3A_611 : vector<256x512xf32>
        %exp3A_613 = math.exp %sub3A_612 : vector<256x512xf32>
        %mul3A_614 = arith.mulf %while3A_329, %exp3A_610 : vector<256x1xf32>
        %reduce_sum3A_615 = arith.constant dense<0.000000e+00> : vector<256xf32>
        %reduce_sum3A_616 = vector.multi_reduction <add>, %exp3A_613, %reduce_sum3A_615 [1] : vector<256x512xf32> to vector<256xf32>
        %broadcast_in_dim3A_617 = vector.shape_cast %reduce_sum3A_616 : vector<256xf32> to vector<256x1xf32>
        %add3A_618 = arith.addf %mul3A_614, %broadcast_in_dim3A_617 : vector<256x1xf32>
        %mul3A_619 = vector.broadcast %exp3A_610 : vector<256x1xf32> to vector<256x64xf32>
        %mul3A_620 = arith.mulf %while3A_330, %mul3A_619 : vector<256x64xf32>
        %convert_element_type3A_621 = arith.truncf %exp3A_613 : vector<256x512xf32> to vector<256x512xbf16>
        %slice3A_622 = vector.extract_strided_slice %select_n3A_361 {offsets = [0, 448], sizes = [512, 64], strides = [1, 1]} : vector<512x768xbf16> to vector<512x64xbf16>
        %dot_general3A_623 = arith.constant dense<0.000000e+00> : vector<256x64xf32>
        %dot_general3A_624 = tpu.matmul %convert_element_type3A_621, %slice3A_622, %dot_general3A_623 {dimension_numbers = #tpu.dot_dimension_numbers<[1], [0], [0], [1], [0, 0, 1, 1], [], []>, transpose_lhs_hint = false} : vector<256x512xbf16>, vector<512x64xbf16>, vector<256x64xf32> -> vector<256x64xf32>
        %add3A_625 = arith.addf %mul3A_620, %dot_general3A_624 : vector<256x64xf32>
        %slice3A_626 = vector.extract_strided_slice %get3A_15 {offsets = [0, 512], sizes = [256, 64], strides = [1, 1]} : vector<256x768xbf16> to vector<256x64xbf16>
        %slice3A_627 = vector.extract_strided_slice %get3A_350 {offsets = [0, 512], sizes = [512, 64], strides = [1, 1]} : vector<512x768xbf16> to vector<512x64xbf16>
        %dot_general3A_628 = arith.constant dense<0.000000e+00> : vector<256x512xf32>
        %dot_general3A_629 = tpu.matmul %slice3A_626, %slice3A_627, %dot_general3A_628 {dimension_numbers = #tpu.dot_dimension_numbers<[1], [1], [0], [0], [0, 0, 1, 0], [], []>, transpose_lhs_hint = false} : vector<256x64xbf16>, vector<512x64xbf16>, vector<256x512xf32> -> vector<256x512xf32>
        %mul3A_630 = arith.constant 1.250000e-01 : f32
        %mul3A_631 = vector.broadcast %mul3A_630 : f32 to vector<256x512xf32>
        %mul3A_632 = arith.mulf %dot_general3A_629, %mul3A_631 : vector<256x512xf32>
        %jit3A_633 = arith.constant -1.000000e+30 : f32
        %broadcast_in_dim3A_634 = vector.shape_cast %lt3A_365 : vector<1x512xi1> to vector<1x512xi1>
        %broadcast_in_dim3A_635 = vector.broadcast %broadcast_in_dim3A_634 : vector<1x512xi1> to vector<256x512xi1>
        %broadcast_in_dim3A_636 = vector.broadcast %jit3A_633 : f32 to vector<256x512xf32>
        %select_n3A_637 = arith.select %broadcast_in_dim3A_635, %mul3A_632, %broadcast_in_dim3A_636 : vector<256x512xi1>, vector<256x512xf32>
        %reduce_max3A_638 = arith.constant dense<0xFF800000> : vector<256xf32>
        %reduce_max3A_639 = vector.multi_reduction <maximumf>, %select_n3A_637, %reduce_max3A_638 [1] : vector<256x512xf32> to vector<256xf32>
        %broadcast_in_dim3A_640 = vector.shape_cast %reduce_max3A_639 : vector<256xf32> to vector<256x1xf32>
        %max3A_641 = arith.maximumf %while3A_331, %broadcast_in_dim3A_640 : vector<256x1xf32>
        %sub3A_642 = arith.subf %while3A_331, %max3A_641 : vector<256x1xf32>
        %exp3A_643 = math.exp %sub3A_642 : vector<256x1xf32>
        %sub3A_644 = vector.broadcast %max3A_641 : vector<256x1xf32> to vector<256x512xf32>
        %sub3A_645 = arith.subf %select_n3A_637, %sub3A_644 : vector<256x512xf32>
        %exp3A_646 = math.exp %sub3A_645 : vector<256x512xf32>
        %mul3A_647 = arith.mulf %while3A_332, %exp3A_643 : vector<256x1xf32>
        %reduce_sum3A_648 = arith.constant dense<0.000000e+00> : vector<256xf32>
        %reduce_sum3A_649 = vector.multi_reduction <add>, %exp3A_646, %reduce_sum3A_648 [1] : vector<256x512xf32> to vector<256xf32>
        %broadcast_in_dim3A_650 = vector.shape_cast %reduce_sum3A_649 : vector<256xf32> to vector<256x1xf32>
        %add3A_651 = arith.addf %mul3A_647, %broadcast_in_dim3A_650 : vector<256x1xf32>
        %mul3A_652 = vector.broadcast %exp3A_643 : vector<256x1xf32> to vector<256x64xf32>
        %mul3A_653 = arith.mulf %while3A_333, %mul3A_652 : vector<256x64xf32>
        %convert_element_type3A_654 = arith.truncf %exp3A_646 : vector<256x512xf32> to vector<256x512xbf16>
        %slice3A_655 = vector.extract_strided_slice %select_n3A_361 {offsets = [0, 512], sizes = [512, 64], strides = [1, 1]} : vector<512x768xbf16> to vector<512x64xbf16>
        %dot_general3A_656 = arith.constant dense<0.000000e+00> : vector<256x64xf32>
        %dot_general3A_657 = tpu.matmul %convert_element_type3A_654, %slice3A_655, %dot_general3A_656 {dimension_numbers = #tpu.dot_dimension_numbers<[1], [0], [0], [1], [0, 0, 1, 1], [], []>, transpose_lhs_hint = false} : vector<256x512xbf16>, vector<512x64xbf16>, vector<256x64xf32> -> vector<256x64xf32>
        %add3A_658 = arith.addf %mul3A_653, %dot_general3A_657 : vector<256x64xf32>
        %slice3A_659 = vector.extract_strided_slice %get3A_15 {offsets = [0, 576], sizes = [256, 64], strides = [1, 1]} : vector<256x768xbf16> to vector<256x64xbf16>
        %slice3A_660 = vector.extract_strided_slice %get3A_350 {offsets = [0, 576], sizes = [512, 64], strides = [1, 1]} : vector<512x768xbf16> to vector<512x64xbf16>
        %dot_general3A_661 = arith.constant dense<0.000000e+00> : vector<256x512xf32>
        %dot_general3A_662 = tpu.matmul %slice3A_659, %slice3A_660, %dot_general3A_661 {dimension_numbers = #tpu.dot_dimension_numbers<[1], [1], [0], [0], [0, 0, 1, 0], [], []>, transpose_lhs_hint = false} : vector<256x64xbf16>, vector<512x64xbf16>, vector<256x512xf32> -> vector<256x512xf32>
        %mul3A_663 = arith.constant 1.250000e-01 : f32
        %mul3A_664 = vector.broadcast %mul3A_663 : f32 to vector<256x512xf32>
        %mul3A_665 = arith.mulf %dot_general3A_662, %mul3A_664 : vector<256x512xf32>
        %jit3A_666 = arith.constant -1.000000e+30 : f32
        %broadcast_in_dim3A_667 = vector.shape_cast %lt3A_365 : vector<1x512xi1> to vector<1x512xi1>
        %broadcast_in_dim3A_668 = vector.broadcast %broadcast_in_dim3A_667 : vector<1x512xi1> to vector<256x512xi1>
        %broadcast_in_dim3A_669 = vector.broadcast %jit3A_666 : f32 to vector<256x512xf32>
        %select_n3A_670 = arith.select %broadcast_in_dim3A_668, %mul3A_665, %broadcast_in_dim3A_669 : vector<256x512xi1>, vector<256x512xf32>
        %reduce_max3A_671 = arith.constant dense<0xFF800000> : vector<256xf32>
        %reduce_max3A_672 = vector.multi_reduction <maximumf>, %select_n3A_670, %reduce_max3A_671 [1] : vector<256x512xf32> to vector<256xf32>
        %broadcast_in_dim3A_673 = vector.shape_cast %reduce_max3A_672 : vector<256xf32> to vector<256x1xf32>
        %max3A_674 = arith.maximumf %while3A_334, %broadcast_in_dim3A_673 : vector<256x1xf32>
        %sub3A_675 = arith.subf %while3A_334, %max3A_674 : vector<256x1xf32>
        %exp3A_676 = math.exp %sub3A_675 : vector<256x1xf32>
        %sub3A_677 = vector.broadcast %max3A_674 : vector<256x1xf32> to vector<256x512xf32>
        %sub3A_678 = arith.subf %select_n3A_670, %sub3A_677 : vector<256x512xf32>
        %exp3A_679 = math.exp %sub3A_678 : vector<256x512xf32>
        %mul3A_680 = arith.mulf %while3A_335, %exp3A_676 : vector<256x1xf32>
        %reduce_sum3A_681 = arith.constant dense<0.000000e+00> : vector<256xf32>
        %reduce_sum3A_682 = vector.multi_reduction <add>, %exp3A_679, %reduce_sum3A_681 [1] : vector<256x512xf32> to vector<256xf32>
        %broadcast_in_dim3A_683 = vector.shape_cast %reduce_sum3A_682 : vector<256xf32> to vector<256x1xf32>
        %add3A_684 = arith.addf %mul3A_680, %broadcast_in_dim3A_683 : vector<256x1xf32>
        %mul3A_685 = vector.broadcast %exp3A_676 : vector<256x1xf32> to vector<256x64xf32>
        %mul3A_686 = arith.mulf %while3A_336, %mul3A_685 : vector<256x64xf32>
        %convert_element_type3A_687 = arith.truncf %exp3A_679 : vector<256x512xf32> to vector<256x512xbf16>
        %slice3A_688 = vector.extract_strided_slice %select_n3A_361 {offsets = [0, 576], sizes = [512, 64], strides = [1, 1]} : vector<512x768xbf16> to vector<512x64xbf16>
        %dot_general3A_689 = arith.constant dense<0.000000e+00> : vector<256x64xf32>
        %dot_general3A_690 = tpu.matmul %convert_element_type3A_687, %slice3A_688, %dot_general3A_689 {dimension_numbers = #tpu.dot_dimension_numbers<[1], [0], [0], [1], [0, 0, 1, 1], [], []>, transpose_lhs_hint = false} : vector<256x512xbf16>, vector<512x64xbf16>, vector<256x64xf32> -> vector<256x64xf32>
        %add3A_691 = arith.addf %mul3A_686, %dot_general3A_690 : vector<256x64xf32>
        %slice3A_692 = vector.extract_strided_slice %get3A_15 {offsets = [0, 640], sizes = [256, 64], strides = [1, 1]} : vector<256x768xbf16> to vector<256x64xbf16>
        %slice3A_693 = vector.extract_strided_slice %get3A_350 {offsets = [0, 640], sizes = [512, 64], strides = [1, 1]} : vector<512x768xbf16> to vector<512x64xbf16>
        %dot_general3A_694 = arith.constant dense<0.000000e+00> : vector<256x512xf32>
        %dot_general3A_695 = tpu.matmul %slice3A_692, %slice3A_693, %dot_general3A_694 {dimension_numbers = #tpu.dot_dimension_numbers<[1], [1], [0], [0], [0, 0, 1, 0], [], []>, transpose_lhs_hint = false} : vector<256x64xbf16>, vector<512x64xbf16>, vector<256x512xf32> -> vector<256x512xf32>
        %mul3A_696 = arith.constant 1.250000e-01 : f32
        %mul3A_697 = vector.broadcast %mul3A_696 : f32 to vector<256x512xf32>
        %mul3A_698 = arith.mulf %dot_general3A_695, %mul3A_697 : vector<256x512xf32>
        %jit3A_699 = arith.constant -1.000000e+30 : f32
        %broadcast_in_dim3A_700 = vector.shape_cast %lt3A_365 : vector<1x512xi1> to vector<1x512xi1>
        %broadcast_in_dim3A_701 = vector.broadcast %broadcast_in_dim3A_700 : vector<1x512xi1> to vector<256x512xi1>
        %broadcast_in_dim3A_702 = vector.broadcast %jit3A_699 : f32 to vector<256x512xf32>
        %select_n3A_703 = arith.select %broadcast_in_dim3A_701, %mul3A_698, %broadcast_in_dim3A_702 : vector<256x512xi1>, vector<256x512xf32>
        %reduce_max3A_704 = arith.constant dense<0xFF800000> : vector<256xf32>
        %reduce_max3A_705 = vector.multi_reduction <maximumf>, %select_n3A_703, %reduce_max3A_704 [1] : vector<256x512xf32> to vector<256xf32>
        %broadcast_in_dim3A_706 = vector.shape_cast %reduce_max3A_705 : vector<256xf32> to vector<256x1xf32>
        %max3A_707 = arith.maximumf %while3A_337, %broadcast_in_dim3A_706 : vector<256x1xf32>
        %sub3A_708 = arith.subf %while3A_337, %max3A_707 : vector<256x1xf32>
        %exp3A_709 = math.exp %sub3A_708 : vector<256x1xf32>
        %sub3A_710 = vector.broadcast %max3A_707 : vector<256x1xf32> to vector<256x512xf32>
        %sub3A_711 = arith.subf %select_n3A_703, %sub3A_710 : vector<256x512xf32>
        %exp3A_712 = math.exp %sub3A_711 : vector<256x512xf32>
        %mul3A_713 = arith.mulf %while3A_338, %exp3A_709 : vector<256x1xf32>
        %reduce_sum3A_714 = arith.constant dense<0.000000e+00> : vector<256xf32>
        %reduce_sum3A_715 = vector.multi_reduction <add>, %exp3A_712, %reduce_sum3A_714 [1] : vector<256x512xf32> to vector<256xf32>
        %broadcast_in_dim3A_716 = vector.shape_cast %reduce_sum3A_715 : vector<256xf32> to vector<256x1xf32>
        %add3A_717 = arith.addf %mul3A_713, %broadcast_in_dim3A_716 : vector<256x1xf32>
        %mul3A_718 = vector.broadcast %exp3A_709 : vector<256x1xf32> to vector<256x64xf32>
        %mul3A_719 = arith.mulf %while3A_339, %mul3A_718 : vector<256x64xf32>
        %convert_element_type3A_720 = arith.truncf %exp3A_712 : vector<256x512xf32> to vector<256x512xbf16>
        %slice3A_721 = vector.extract_strided_slice %select_n3A_361 {offsets = [0, 640], sizes = [512, 64], strides = [1, 1]} : vector<512x768xbf16> to vector<512x64xbf16>
        %dot_general3A_722 = arith.constant dense<0.000000e+00> : vector<256x64xf32>
        %dot_general3A_723 = tpu.matmul %convert_element_type3A_720, %slice3A_721, %dot_general3A_722 {dimension_numbers = #tpu.dot_dimension_numbers<[1], [0], [0], [1], [0, 0, 1, 1], [], []>, transpose_lhs_hint = false} : vector<256x512xbf16>, vector<512x64xbf16>, vector<256x64xf32> -> vector<256x64xf32>
        %add3A_724 = arith.addf %mul3A_719, %dot_general3A_723 : vector<256x64xf32>
        %slice3A_725 = vector.extract_strided_slice %get3A_15 {offsets = [0, 704], sizes = [256, 64], strides = [1, 1]} : vector<256x768xbf16> to vector<256x64xbf16>
        %slice3A_726 = vector.extract_strided_slice %get3A_350 {offsets = [0, 704], sizes = [512, 64], strides = [1, 1]} : vector<512x768xbf16> to vector<512x64xbf16>
        %dot_general3A_727 = arith.constant dense<0.000000e+00> : vector<256x512xf32>
        %dot_general3A_728 = tpu.matmul %slice3A_725, %slice3A_726, %dot_general3A_727 {dimension_numbers = #tpu.dot_dimension_numbers<[1], [1], [0], [0], [0, 0, 1, 0], [], []>, transpose_lhs_hint = false} : vector<256x64xbf16>, vector<512x64xbf16>, vector<256x512xf32> -> vector<256x512xf32>
        %mul3A_729 = arith.constant 1.250000e-01 : f32
        %mul3A_730 = vector.broadcast %mul3A_729 : f32 to vector<256x512xf32>
        %mul3A_731 = arith.mulf %dot_general3A_728, %mul3A_730 : vector<256x512xf32>
        %jit3A_732 = arith.constant -1.000000e+30 : f32
        %broadcast_in_dim3A_733 = vector.shape_cast %lt3A_365 : vector<1x512xi1> to vector<1x512xi1>
        %broadcast_in_dim3A_734 = vector.broadcast %broadcast_in_dim3A_733 : vector<1x512xi1> to vector<256x512xi1>
        %broadcast_in_dim3A_735 = vector.broadcast %jit3A_732 : f32 to vector<256x512xf32>
        %select_n3A_736 = arith.select %broadcast_in_dim3A_734, %mul3A_731, %broadcast_in_dim3A_735 : vector<256x512xi1>, vector<256x512xf32>
        %reduce_max3A_737 = arith.constant dense<0xFF800000> : vector<256xf32>
        %reduce_max3A_738 = vector.multi_reduction <maximumf>, %select_n3A_736, %reduce_max3A_737 [1] : vector<256x512xf32> to vector<256xf32>
        %broadcast_in_dim3A_739 = vector.shape_cast %reduce_max3A_738 : vector<256xf32> to vector<256x1xf32>
        %max3A_740 = arith.maximumf %while3A_340, %broadcast_in_dim3A_739 : vector<256x1xf32>
        %sub3A_741 = arith.subf %while3A_340, %max3A_740 : vector<256x1xf32>
        %exp3A_742 = math.exp %sub3A_741 : vector<256x1xf32>
        %sub3A_743 = vector.broadcast %max3A_740 : vector<256x1xf32> to vector<256x512xf32>
        %sub3A_744 = arith.subf %select_n3A_736, %sub3A_743 : vector<256x512xf32>
        %exp3A_745 = math.exp %sub3A_744 : vector<256x512xf32>
        %mul3A_746 = arith.mulf %while3A_341, %exp3A_742 : vector<256x1xf32>
        %reduce_sum3A_747 = arith.constant dense<0.000000e+00> : vector<256xf32>
        %reduce_sum3A_748 = vector.multi_reduction <add>, %exp3A_745, %reduce_sum3A_747 [1] : vector<256x512xf32> to vector<256xf32>
        %broadcast_in_dim3A_749 = vector.shape_cast %reduce_sum3A_748 : vector<256xf32> to vector<256x1xf32>
        %add3A_750 = arith.addf %mul3A_746, %broadcast_in_dim3A_749 : vector<256x1xf32>
        %mul3A_751 = vector.broadcast %exp3A_742 : vector<256x1xf32> to vector<256x64xf32>
        %mul3A_752 = arith.mulf %while3A_342, %mul3A_751 : vector<256x64xf32>
        %convert_element_type3A_753 = arith.truncf %exp3A_745 : vector<256x512xf32> to vector<256x512xbf16>
        %slice3A_754 = vector.extract_strided_slice %select_n3A_361 {offsets = [0, 704], sizes = [512, 64], strides = [1, 1]} : vector<512x768xbf16> to vector<512x64xbf16>
        %dot_general3A_755 = arith.constant dense<0.000000e+00> : vector<256x64xf32>
        %dot_general3A_756 = tpu.matmul %convert_element_type3A_753, %slice3A_754, %dot_general3A_755 {dimension_numbers = #tpu.dot_dimension_numbers<[1], [0], [0], [1], [0, 0, 1, 1], [], []>, transpose_lhs_hint = false} : vector<256x512xbf16>, vector<512x64xbf16>, vector<256x64xf32> -> vector<256x64xf32>
        %add3A_757 = arith.addf %mul3A_752, %dot_general3A_756 : vector<256x64xf32>
        scf.yield %max3A, %add3A_387, %add3A_394, %max3A_410, %add3A_420, %add3A_427, %max3A_443, %add3A_453, %add3A_460, %max3A_476, %add3A_486, %add3A_493, %max3A_509, %add3A_519, %add3A_526, %max3A_542, %add3A_552, %add3A_559, %max3A_575, %add3A_585, %add3A_592, %max3A_608, %add3A_618, %add3A_625, %max3A_641, %add3A_651, %add3A_658, %max3A_674, %add3A_684, %add3A_691, %max3A_707, %add3A_717, %add3A_724, %max3A_740, %add3A_750, %add3A_757 : vector<256x1xf32>, vector<256x1xf32>, vector<256x64xf32>, vector<256x1xf32>, vector<256x1xf32>, vector<256x64xf32>, vector<256x1xf32>, vector<256x1xf32>, vector<256x64xf32>, vector<256x1xf32>, vector<256x1xf32>, vector<256x64xf32>, vector<256x1xf32>, vector<256x1xf32>, vector<256x64xf32>, vector<256x1xf32>, vector<256x1xf32>, vector<256x64xf32>, vector<256x1xf32>, vector<256x1xf32>, vector<256x64xf32>, vector<256x1xf32>, vector<256x1xf32>, vector<256x64xf32>, vector<256x1xf32>, vector<256x1xf32>, vector<256x64xf32>, vector<256x1xf32>, vector<256x1xf32>, vector<256x64xf32>, vector<256x1xf32>, vector<256x1xf32>, vector<256x64xf32>, vector<256x1xf32>, vector<256x1xf32>, vector<256x64xf32>
      }
      %while3A_114 = arith.constant 1 : i32
      %while3A_115:36 = scf.for %while3A_306 = %while3A_111 to %while3A_107 step %while3A_114 iter_args(%while3A_307 = %while3A_113#0, %while3A_308 = %while3A_113#1, %while3A_309 = %while3A_113#2, %while3A_310 = %while3A_113#3, %while3A_311 = %while3A_113#4, %while3A_312 = %while3A_113#5, %while3A_313 = %while3A_113#6, %while3A_314 = %while3A_113#7, %while3A_315 = %while3A_113#8, %while3A_316 = %while3A_113#9, %while3A_317 = %while3A_113#10, %while3A_318 = %while3A_113#11, %while3A_319 = %while3A_113#12, %while3A_320 = %while3A_113#13, %while3A_321 = %while3A_113#14, %while3A_322 = %while3A_113#15, %while3A_323 = %while3A_113#16, %while3A_324 = %while3A_113#17, %while3A_325 = %while3A_113#18, %while3A_326 = %while3A_113#19, %while3A_327 = %while3A_113#20, %while3A_328 = %while3A_113#21, %while3A_329 = %while3A_113#22, %while3A_330 = %while3A_113#23, %while3A_331 = %while3A_113#24, %while3A_332 = %while3A_113#25, %while3A_333 = %while3A_113#26, %while3A_334 = %while3A_113#27, %while3A_335 = %while3A_113#28, %while3A_336 = %while3A_113#29, %while3A_337 = %while3A_113#30, %while3A_338 = %while3A_113#31, %while3A_339 = %while3A_113#32, %while3A_340 = %while3A_113#33, %while3A_341 = %while3A_113#34, %while3A_342 = %while3A_113#35) -> (vector<256x1xf32>, vector<256x1xf32>, vector<256x64xf32>, vector<256x1xf32>, vector<256x1xf32>, vector<256x64xf32>, vector<256x1xf32>, vector<256x1xf32>, vector<256x64xf32>, vector<256x1xf32>, vector<256x1xf32>, vector<256x64xf32>, vector<256x1xf32>, vector<256x1xf32>, vector<256x64xf32>, vector<256x1xf32>, vector<256x1xf32>, vector<256x64xf32>, vector<256x1xf32>, vector<256x1xf32>, vector<256x64xf32>, vector<256x1xf32>, vector<256x1xf32>, vector<256x64xf32>, vector<256x1xf32>, vector<256x1xf32>, vector<256x64xf32>, vector<256x1xf32>, vector<256x1xf32>, vector<256x64xf32>, vector<256x1xf32>, vector<256x1xf32>, vector<256x64xf32>, vector<256x1xf32>, vector<256x1xf32>, vector<256x64xf32>)  : i32 {
        %mul3A_343 = arith.constant 256 : i32
        %mul3A_344 = arith.muli %get3A_8, %mul3A_343 : i32
        %mul3A_345 = arith.constant 512 : i32
        %mul3A_346 = arith.muli %while3A_306, %mul3A_345 : i32
        %add3A_347 = arith.addi %mul3A_344, %mul3A_346 : i32
        %get3A_348 = arith.index_cast %add3A_347 : i32 to index
        %get3A_349 = arith.constant 0 : index
        %get3A_350 = vector.load %arg18[%get3A_348, %get3A_349] : memref<8448x768xbf16, #tpu.memory_space<vmem>>, vector<512x768xbf16>
        %get3A_351 = arith.index_cast %add3A_347 : i32 to index
        %get3A_352 = arith.constant 0 : index
        %get3A_353 = vector.load %arg19[%get3A_351, %get3A_352] : memref<8448x768xbf16, #tpu.memory_space<vmem>>, vector<512x768xbf16>
        %add3A_354 = vector.broadcast %add3A_347 : i32 to vector<512x1xi32>
        %add3A_355 = arith.addi %add3A_354, %iota3A : vector<512x1xi32>
        %lt3A = vector.broadcast %get3A_12 : i32 to vector<512x1xi32>
        %lt3A_356 = arith.cmpi slt, %add3A_355, %lt3A : vector<512x1xi32>
        %jit3A_357 = arith.constant 0.000000e+00 : bf16
        %broadcast_in_dim3A_358 = vector.shape_cast %lt3A_356 : vector<512x1xi1> to vector<512x1xi1>
        %broadcast_in_dim3A_359 = vector.broadcast %broadcast_in_dim3A_358 : vector<512x1xi1> to vector<512x768xi1>
        %broadcast_in_dim3A_360 = vector.broadcast %jit3A_357 : bf16 to vector<512x768xbf16>
        %select_n3A_361 = arith.select %broadcast_in_dim3A_359, %get3A_353, %broadcast_in_dim3A_360 : vector<512x768xi1>, vector<512x768xbf16>
        %add3A_362 = vector.broadcast %add3A_347 : i32 to vector<1x512xi32>
        %add3A_363 = arith.addi %add3A_362, %iota3A_16 : vector<1x512xi32>
        %lt3A_364 = vector.broadcast %get3A_12 : i32 to vector<1x512xi32>
        %lt3A_365 = arith.cmpi slt, %add3A_363, %lt3A_364 : vector<1x512xi32>
        %slice3A = vector.extract_strided_slice %get3A_15 {offsets = [0, 0], sizes = [256, 64], strides = [1, 1]} : vector<256x768xbf16> to vector<256x64xbf16>
        %slice3A_366 = vector.extract_strided_slice %get3A_350 {offsets = [0, 0], sizes = [512, 64], strides = [1, 1]} : vector<512x768xbf16> to vector<512x64xbf16>
        %dot_general3A_367 = arith.constant dense<0.000000e+00> : vector<256x512xf32>
        %dot_general3A_368 = tpu.matmul %slice3A, %slice3A_366, %dot_general3A_367 {dimension_numbers = #tpu.dot_dimension_numbers<[1], [1], [0], [0], [0, 0, 1, 0], [], []>, transpose_lhs_hint = false} : vector<256x64xbf16>, vector<512x64xbf16>, vector<256x512xf32> -> vector<256x512xf32>
        %mul3A_369 = arith.constant 1.250000e-01 : f32
        %mul3A_370 = vector.broadcast %mul3A_369 : f32 to vector<256x512xf32>
        %mul3A_371 = arith.mulf %dot_general3A_368, %mul3A_370 : vector<256x512xf32>
        %jit3A_372 = arith.constant -1.000000e+30 : f32
        %broadcast_in_dim3A_373 = vector.shape_cast %lt3A_365 : vector<1x512xi1> to vector<1x512xi1>
        %broadcast_in_dim3A_374 = vector.broadcast %broadcast_in_dim3A_373 : vector<1x512xi1> to vector<256x512xi1>
        %broadcast_in_dim3A_375 = vector.broadcast %jit3A_372 : f32 to vector<256x512xf32>
        %select_n3A_376 = arith.select %broadcast_in_dim3A_374, %mul3A_371, %broadcast_in_dim3A_375 : vector<256x512xi1>, vector<256x512xf32>
        %reduce_max3A = arith.constant dense<0xFF800000> : vector<256xf32>
        %reduce_max3A_377 = vector.multi_reduction <maximumf>, %select_n3A_376, %reduce_max3A [1] : vector<256x512xf32> to vector<256xf32>
        %broadcast_in_dim3A_378 = vector.shape_cast %reduce_max3A_377 : vector<256xf32> to vector<256x1xf32>
        %max3A = arith.maximumf %while3A_307, %broadcast_in_dim3A_378 : vector<256x1xf32>
        %sub3A_379 = arith.subf %while3A_307, %max3A : vector<256x1xf32>
        %exp3A = math.exp %sub3A_379 : vector<256x1xf32>
        %sub3A_380 = vector.broadcast %max3A : vector<256x1xf32> to vector<256x512xf32>
        %sub3A_381 = arith.subf %select_n3A_376, %sub3A_380 : vector<256x512xf32>
        %exp3A_382 = math.exp %sub3A_381 : vector<256x512xf32>
        %mul3A_383 = arith.mulf %while3A_308, %exp3A : vector<256x1xf32>
        %reduce_sum3A_384 = arith.constant dense<0.000000e+00> : vector<256xf32>
        %reduce_sum3A_385 = vector.multi_reduction <add>, %exp3A_382, %reduce_sum3A_384 [1] : vector<256x512xf32> to vector<256xf32>
        %broadcast_in_dim3A_386 = vector.shape_cast %reduce_sum3A_385 : vector<256xf32> to vector<256x1xf32>
        %add3A_387 = arith.addf %mul3A_383, %broadcast_in_dim3A_386 : vector<256x1xf32>
        %mul3A_388 = vector.broadcast %exp3A : vector<256x1xf32> to vector<256x64xf32>
        %mul3A_389 = arith.mulf %while3A_309, %mul3A_388 : vector<256x64xf32>
        %convert_element_type3A_390 = arith.truncf %exp3A_382 : vector<256x512xf32> to vector<256x512xbf16>
        %slice3A_391 = vector.extract_strided_slice %select_n3A_361 {offsets = [0, 0], sizes = [512, 64], strides = [1, 1]} : vector<512x768xbf16> to vector<512x64xbf16>
        %dot_general3A_392 = arith.constant dense<0.000000e+00> : vector<256x64xf32>
        %dot_general3A_393 = tpu.matmul %convert_element_type3A_390, %slice3A_391, %dot_general3A_392 {dimension_numbers = #tpu.dot_dimension_numbers<[1], [0], [0], [1], [0, 0, 1, 1], [], []>, transpose_lhs_hint = false} : vector<256x512xbf16>, vector<512x64xbf16>, vector<256x64xf32> -> vector<256x64xf32>
        %add3A_394 = arith.addf %mul3A_389, %dot_general3A_393 : vector<256x64xf32>
        %slice3A_395 = vector.extract_strided_slice %get3A_15 {offsets = [0, 64], sizes = [256, 64], strides = [1, 1]} : vector<256x768xbf16> to vector<256x64xbf16>
        %slice3A_396 = vector.extract_strided_slice %get3A_350 {offsets = [0, 64], sizes = [512, 64], strides = [1, 1]} : vector<512x768xbf16> to vector<512x64xbf16>
        %dot_general3A_397 = arith.constant dense<0.000000e+00> : vector<256x512xf32>
        %dot_general3A_398 = tpu.matmul %slice3A_395, %slice3A_396, %dot_general3A_397 {dimension_numbers = #tpu.dot_dimension_numbers<[1], [1], [0], [0], [0, 0, 1, 0], [], []>, transpose_lhs_hint = false} : vector<256x64xbf16>, vector<512x64xbf16>, vector<256x512xf32> -> vector<256x512xf32>
        %mul3A_399 = arith.constant 1.250000e-01 : f32
        %mul3A_400 = vector.broadcast %mul3A_399 : f32 to vector<256x512xf32>
        %mul3A_401 = arith.mulf %dot_general3A_398, %mul3A_400 : vector<256x512xf32>
        %jit3A_402 = arith.constant -1.000000e+30 : f32
        %broadcast_in_dim3A_403 = vector.shape_cast %lt3A_365 : vector<1x512xi1> to vector<1x512xi1>
        %broadcast_in_dim3A_404 = vector.broadcast %broadcast_in_dim3A_403 : vector<1x512xi1> to vector<256x512xi1>
        %broadcast_in_dim3A_405 = vector.broadcast %jit3A_402 : f32 to vector<256x512xf32>
        %select_n3A_406 = arith.select %broadcast_in_dim3A_404, %mul3A_401, %broadcast_in_dim3A_405 : vector<256x512xi1>, vector<256x512xf32>
        %reduce_max3A_407 = arith.constant dense<0xFF800000> : vector<256xf32>
        %reduce_max3A_408 = vector.multi_reduction <maximumf>, %select_n3A_406, %reduce_max3A_407 [1] : vector<256x512xf32> to vector<256xf32>
        %broadcast_in_dim3A_409 = vector.shape_cast %reduce_max3A_408 : vector<256xf32> to vector<256x1xf32>
        %max3A_410 = arith.maximumf %while3A_310, %broadcast_in_dim3A_409 : vector<256x1xf32>
        %sub3A_411 = arith.subf %while3A_310, %max3A_410 : vector<256x1xf32>
        %exp3A_412 = math.exp %sub3A_411 : vector<256x1xf32>
        %sub3A_413 = vector.broadcast %max3A_410 : vector<256x1xf32> to vector<256x512xf32>
        %sub3A_414 = arith.subf %select_n3A_406, %sub3A_413 : vector<256x512xf32>
        %exp3A_415 = math.exp %sub3A_414 : vector<256x512xf32>
        %mul3A_416 = arith.mulf %while3A_311, %exp3A_412 : vector<256x1xf32>
        %reduce_sum3A_417 = arith.constant dense<0.000000e+00> : vector<256xf32>
        %reduce_sum3A_418 = vector.multi_reduction <add>, %exp3A_415, %reduce_sum3A_417 [1] : vector<256x512xf32> to vector<256xf32>
        %broadcast_in_dim3A_419 = vector.shape_cast %reduce_sum3A_418 : vector<256xf32> to vector<256x1xf32>
        %add3A_420 = arith.addf %mul3A_416, %broadcast_in_dim3A_419 : vector<256x1xf32>
        %mul3A_421 = vector.broadcast %exp3A_412 : vector<256x1xf32> to vector<256x64xf32>
        %mul3A_422 = arith.mulf %while3A_312, %mul3A_421 : vector<256x64xf32>
        %convert_element_type3A_423 = arith.truncf %exp3A_415 : vector<256x512xf32> to vector<256x512xbf16>
        %slice3A_424 = vector.extract_strided_slice %select_n3A_361 {offsets = [0, 64], sizes = [512, 64], strides = [1, 1]} : vector<512x768xbf16> to vector<512x64xbf16>
        %dot_general3A_425 = arith.constant dense<0.000000e+00> : vector<256x64xf32>
        %dot_general3A_426 = tpu.matmul %convert_element_type3A_423, %slice3A_424, %dot_general3A_425 {dimension_numbers = #tpu.dot_dimension_numbers<[1], [0], [0], [1], [0, 0, 1, 1], [], []>, transpose_lhs_hint = false} : vector<256x512xbf16>, vector<512x64xbf16>, vector<256x64xf32> -> vector<256x64xf32>
        %add3A_427 = arith.addf %mul3A_422, %dot_general3A_426 : vector<256x64xf32>
        %slice3A_428 = vector.extract_strided_slice %get3A_15 {offsets = [0, 128], sizes = [256, 64], strides = [1, 1]} : vector<256x768xbf16> to vector<256x64xbf16>
        %slice3A_429 = vector.extract_strided_slice %get3A_350 {offsets = [0, 128], sizes = [512, 64], strides = [1, 1]} : vector<512x768xbf16> to vector<512x64xbf16>
        %dot_general3A_430 = arith.constant dense<0.000000e+00> : vector<256x512xf32>
        %dot_general3A_431 = tpu.matmul %slice3A_428, %slice3A_429, %dot_general3A_430 {dimension_numbers = #tpu.dot_dimension_numbers<[1], [1], [0], [0], [0, 0, 1, 0], [], []>, transpose_lhs_hint = false} : vector<256x64xbf16>, vector<512x64xbf16>, vector<256x512xf32> -> vector<256x512xf32>
        %mul3A_432 = arith.constant 1.250000e-01 : f32
        %mul3A_433 = vector.broadcast %mul3A_432 : f32 to vector<256x512xf32>
        %mul3A_434 = arith.mulf %dot_general3A_431, %mul3A_433 : vector<256x512xf32>
        %jit3A_435 = arith.constant -1.000000e+30 : f32
        %broadcast_in_dim3A_436 = vector.shape_cast %lt3A_365 : vector<1x512xi1> to vector<1x512xi1>
        %broadcast_in_dim3A_437 = vector.broadcast %broadcast_in_dim3A_436 : vector<1x512xi1> to vector<256x512xi1>
        %broadcast_in_dim3A_438 = vector.broadcast %jit3A_435 : f32 to vector<256x512xf32>
        %select_n3A_439 = arith.select %broadcast_in_dim3A_437, %mul3A_434, %broadcast_in_dim3A_438 : vector<256x512xi1>, vector<256x512xf32>
        %reduce_max3A_440 = arith.constant dense<0xFF800000> : vector<256xf32>
        %reduce_max3A_441 = vector.multi_reduction <maximumf>, %select_n3A_439, %reduce_max3A_440 [1] : vector<256x512xf32> to vector<256xf32>
        %broadcast_in_dim3A_442 = vector.shape_cast %reduce_max3A_441 : vector<256xf32> to vector<256x1xf32>
        %max3A_443 = arith.maximumf %while3A_313, %broadcast_in_dim3A_442 : vector<256x1xf32>
        %sub3A_444 = arith.subf %while3A_313, %max3A_443 : vector<256x1xf32>
        %exp3A_445 = math.exp %sub3A_444 : vector<256x1xf32>
        %sub3A_446 = vector.broadcast %max3A_443 : vector<256x1xf32> to vector<256x512xf32>
        %sub3A_447 = arith.subf %select_n3A_439, %sub3A_446 : vector<256x512xf32>
        %exp3A_448 = math.exp %sub3A_447 : vector<256x512xf32>
        %mul3A_449 = arith.mulf %while3A_314, %exp3A_445 : vector<256x1xf32>
        %reduce_sum3A_450 = arith.constant dense<0.000000e+00> : vector<256xf32>
        %reduce_sum3A_451 = vector.multi_reduction <add>, %exp3A_448, %reduce_sum3A_450 [1] : vector<256x512xf32> to vector<256xf32>
        %broadcast_in_dim3A_452 = vector.shape_cast %reduce_sum3A_451 : vector<256xf32> to vector<256x1xf32>
        %add3A_453 = arith.addf %mul3A_449, %broadcast_in_dim3A_452 : vector<256x1xf32>
        %mul3A_454 = vector.broadcast %exp3A_445 : vector<256x1xf32> to vector<256x64xf32>
        %mul3A_455 = arith.mulf %while3A_315, %mul3A_454 : vector<256x64xf32>
        %convert_element_type3A_456 = arith.truncf %exp3A_448 : vector<256x512xf32> to vector<256x512xbf16>
        %slice3A_457 = vector.extract_strided_slice %select_n3A_361 {offsets = [0, 128], sizes = [512, 64], strides = [1, 1]} : vector<512x768xbf16> to vector<512x64xbf16>
        %dot_general3A_458 = arith.constant dense<0.000000e+00> : vector<256x64xf32>
        %dot_general3A_459 = tpu.matmul %convert_element_type3A_456, %slice3A_457, %dot_general3A_458 {dimension_numbers = #tpu.dot_dimension_numbers<[1], [0], [0], [1], [0, 0, 1, 1], [], []>, transpose_lhs_hint = false} : vector<256x512xbf16>, vector<512x64xbf16>, vector<256x64xf32> -> vector<256x64xf32>
        %add3A_460 = arith.addf %mul3A_455, %dot_general3A_459 : vector<256x64xf32>
        %slice3A_461 = vector.extract_strided_slice %get3A_15 {offsets = [0, 192], sizes = [256, 64], strides = [1, 1]} : vector<256x768xbf16> to vector<256x64xbf16>
        %slice3A_462 = vector.extract_strided_slice %get3A_350 {offsets = [0, 192], sizes = [512, 64], strides = [1, 1]} : vector<512x768xbf16> to vector<512x64xbf16>
        %dot_general3A_463 = arith.constant dense<0.000000e+00> : vector<256x512xf32>
        %dot_general3A_464 = tpu.matmul %slice3A_461, %slice3A_462, %dot_general3A_463 {dimension_numbers = #tpu.dot_dimension_numbers<[1], [1], [0], [0], [0, 0, 1, 0], [], []>, transpose_lhs_hint = false} : vector<256x64xbf16>, vector<512x64xbf16>, vector<256x512xf32> -> vector<256x512xf32>
        %mul3A_465 = arith.constant 1.250000e-01 : f32
        %mul3A_466 = vector.broadcast %mul3A_465 : f32 to vector<256x512xf32>
        %mul3A_467 = arith.mulf %dot_general3A_464, %mul3A_466 : vector<256x512xf32>
        %jit3A_468 = arith.constant -1.000000e+30 : f32
        %broadcast_in_dim3A_469 = vector.shape_cast %lt3A_365 : vector<1x512xi1> to vector<1x512xi1>
        %broadcast_in_dim3A_470 = vector.broadcast %broadcast_in_dim3A_469 : vector<1x512xi1> to vector<256x512xi1>
        %broadcast_in_dim3A_471 = vector.broadcast %jit3A_468 : f32 to vector<256x512xf32>
        %select_n3A_472 = arith.select %broadcast_in_dim3A_470, %mul3A_467, %broadcast_in_dim3A_471 : vector<256x512xi1>, vector<256x512xf32>
        %reduce_max3A_473 = arith.constant dense<0xFF800000> : vector<256xf32>
        %reduce_max3A_474 = vector.multi_reduction <maximumf>, %select_n3A_472, %reduce_max3A_473 [1] : vector<256x512xf32> to vector<256xf32>
        %broadcast_in_dim3A_475 = vector.shape_cast %reduce_max3A_474 : vector<256xf32> to vector<256x1xf32>
        %max3A_476 = arith.maximumf %while3A_316, %broadcast_in_dim3A_475 : vector<256x1xf32>
        %sub3A_477 = arith.subf %while3A_316, %max3A_476 : vector<256x1xf32>
        %exp3A_478 = math.exp %sub3A_477 : vector<256x1xf32>
        %sub3A_479 = vector.broadcast %max3A_476 : vector<256x1xf32> to vector<256x512xf32>
        %sub3A_480 = arith.subf %select_n3A_472, %sub3A_479 : vector<256x512xf32>
        %exp3A_481 = math.exp %sub3A_480 : vector<256x512xf32>
        %mul3A_482 = arith.mulf %while3A_317, %exp3A_478 : vector<256x1xf32>
        %reduce_sum3A_483 = arith.constant dense<0.000000e+00> : vector<256xf32>
        %reduce_sum3A_484 = vector.multi_reduction <add>, %exp3A_481, %reduce_sum3A_483 [1] : vector<256x512xf32> to vector<256xf32>
        %broadcast_in_dim3A_485 = vector.shape_cast %reduce_sum3A_484 : vector<256xf32> to vector<256x1xf32>
        %add3A_486 = arith.addf %mul3A_482, %broadcast_in_dim3A_485 : vector<256x1xf32>
        %mul3A_487 = vector.broadcast %exp3A_478 : vector<256x1xf32> to vector<256x64xf32>
        %mul3A_488 = arith.mulf %while3A_318, %mul3A_487 : vector<256x64xf32>
        %convert_element_type3A_489 = arith.truncf %exp3A_481 : vector<256x512xf32> to vector<256x512xbf16>
        %slice3A_490 = vector.extract_strided_slice %select_n3A_361 {offsets = [0, 192], sizes = [512, 64], strides = [1, 1]} : vector<512x768xbf16> to vector<512x64xbf16>
        %dot_general3A_491 = arith.constant dense<0.000000e+00> : vector<256x64xf32>
        %dot_general3A_492 = tpu.matmul %convert_element_type3A_489, %slice3A_490, %dot_general3A_491 {dimension_numbers = #tpu.dot_dimension_numbers<[1], [0], [0], [1], [0, 0, 1, 1], [], []>, transpose_lhs_hint = false} : vector<256x512xbf16>, vector<512x64xbf16>, vector<256x64xf32> -> vector<256x64xf32>
        %add3A_493 = arith.addf %mul3A_488, %dot_general3A_492 : vector<256x64xf32>
        %slice3A_494 = vector.extract_strided_slice %get3A_15 {offsets = [0, 256], sizes = [256, 64], strides = [1, 1]} : vector<256x768xbf16> to vector<256x64xbf16>
        %slice3A_495 = vector.extract_strided_slice %get3A_350 {offsets = [0, 256], sizes = [512, 64], strides = [1, 1]} : vector<512x768xbf16> to vector<512x64xbf16>
        %dot_general3A_496 = arith.constant dense<0.000000e+00> : vector<256x512xf32>
        %dot_general3A_497 = tpu.matmul %slice3A_494, %slice3A_495, %dot_general3A_496 {dimension_numbers = #tpu.dot_dimension_numbers<[1], [1], [0], [0], [0, 0, 1, 0], [], []>, transpose_lhs_hint = false} : vector<256x64xbf16>, vector<512x64xbf16>, vector<256x512xf32> -> vector<256x512xf32>
        %mul3A_498 = arith.constant 1.250000e-01 : f32
        %mul3A_499 = vector.broadcast %mul3A_498 : f32 to vector<256x512xf32>
        %mul3A_500 = arith.mulf %dot_general3A_497, %mul3A_499 : vector<256x512xf32>
        %jit3A_501 = arith.constant -1.000000e+30 : f32
        %broadcast_in_dim3A_502 = vector.shape_cast %lt3A_365 : vector<1x512xi1> to vector<1x512xi1>
        %broadcast_in_dim3A_503 = vector.broadcast %broadcast_in_dim3A_502 : vector<1x512xi1> to vector<256x512xi1>
        %broadcast_in_dim3A_504 = vector.broadcast %jit3A_501 : f32 to vector<256x512xf32>
        %select_n3A_505 = arith.select %broadcast_in_dim3A_503, %mul3A_500, %broadcast_in_dim3A_504 : vector<256x512xi1>, vector<256x512xf32>
        %reduce_max3A_506 = arith.constant dense<0xFF800000> : vector<256xf32>
        %reduce_max3A_507 = vector.multi_reduction <maximumf>, %select_n3A_505, %reduce_max3A_506 [1] : vector<256x512xf32> to vector<256xf32>
        %broadcast_in_dim3A_508 = vector.shape_cast %reduce_max3A_507 : vector<256xf32> to vector<256x1xf32>
        %max3A_509 = arith.maximumf %while3A_319, %broadcast_in_dim3A_508 : vector<256x1xf32>
        %sub3A_510 = arith.subf %while3A_319, %max3A_509 : vector<256x1xf32>
        %exp3A_511 = math.exp %sub3A_510 : vector<256x1xf32>
        %sub3A_512 = vector.broadcast %max3A_509 : vector<256x1xf32> to vector<256x512xf32>
        %sub3A_513 = arith.subf %select_n3A_505, %sub3A_512 : vector<256x512xf32>
        %exp3A_514 = math.exp %sub3A_513 : vector<256x512xf32>
        %mul3A_515 = arith.mulf %while3A_320, %exp3A_511 : vector<256x1xf32>
        %reduce_sum3A_516 = arith.constant dense<0.000000e+00> : vector<256xf32>
        %reduce_sum3A_517 = vector.multi_reduction <add>, %exp3A_514, %reduce_sum3A_516 [1] : vector<256x512xf32> to vector<256xf32>
        %broadcast_in_dim3A_518 = vector.shape_cast %reduce_sum3A_517 : vector<256xf32> to vector<256x1xf32>
        %add3A_519 = arith.addf %mul3A_515, %broadcast_in_dim3A_518 : vector<256x1xf32>
        %mul3A_520 = vector.broadcast %exp3A_511 : vector<256x1xf32> to vector<256x64xf32>
        %mul3A_521 = arith.mulf %while3A_321, %mul3A_520 : vector<256x64xf32>
        %convert_element_type3A_522 = arith.truncf %exp3A_514 : vector<256x512xf32> to vector<256x512xbf16>
        %slice3A_523 = vector.extract_strided_slice %select_n3A_361 {offsets = [0, 256], sizes = [512, 64], strides = [1, 1]} : vector<512x768xbf16> to vector<512x64xbf16>
        %dot_general3A_524 = arith.constant dense<0.000000e+00> : vector<256x64xf32>
        %dot_general3A_525 = tpu.matmul %convert_element_type3A_522, %slice3A_523, %dot_general3A_524 {dimension_numbers = #tpu.dot_dimension_numbers<[1], [0], [0], [1], [0, 0, 1, 1], [], []>, transpose_lhs_hint = false} : vector<256x512xbf16>, vector<512x64xbf16>, vector<256x64xf32> -> vector<256x64xf32>
        %add3A_526 = arith.addf %mul3A_521, %dot_general3A_525 : vector<256x64xf32>
        %slice3A_527 = vector.extract_strided_slice %get3A_15 {offsets = [0, 320], sizes = [256, 64], strides = [1, 1]} : vector<256x768xbf16> to vector<256x64xbf16>
        %slice3A_528 = vector.extract_strided_slice %get3A_350 {offsets = [0, 320], sizes = [512, 64], strides = [1, 1]} : vector<512x768xbf16> to vector<512x64xbf16>
        %dot_general3A_529 = arith.constant dense<0.000000e+00> : vector<256x512xf32>
        %dot_general3A_530 = tpu.matmul %slice3A_527, %slice3A_528, %dot_general3A_529 {dimension_numbers = #tpu.dot_dimension_numbers<[1], [1], [0], [0], [0, 0, 1, 0], [], []>, transpose_lhs_hint = false} : vector<256x64xbf16>, vector<512x64xbf16>, vector<256x512xf32> -> vector<256x512xf32>
        %mul3A_531 = arith.constant 1.250000e-01 : f32
        %mul3A_532 = vector.broadcast %mul3A_531 : f32 to vector<256x512xf32>
        %mul3A_533 = arith.mulf %dot_general3A_530, %mul3A_532 : vector<256x512xf32>
        %jit3A_534 = arith.constant -1.000000e+30 : f32
        %broadcast_in_dim3A_535 = vector.shape_cast %lt3A_365 : vector<1x512xi1> to vector<1x512xi1>
        %broadcast_in_dim3A_536 = vector.broadcast %broadcast_in_dim3A_535 : vector<1x512xi1> to vector<256x512xi1>
        %broadcast_in_dim3A_537 = vector.broadcast %jit3A_534 : f32 to vector<256x512xf32>
        %select_n3A_538 = arith.select %broadcast_in_dim3A_536, %mul3A_533, %broadcast_in_dim3A_537 : vector<256x512xi1>, vector<256x512xf32>
        %reduce_max3A_539 = arith.constant dense<0xFF800000> : vector<256xf32>
        %reduce_max3A_540 = vector.multi_reduction <maximumf>, %select_n3A_538, %reduce_max3A_539 [1] : vector<256x512xf32> to vector<256xf32>
        %broadcast_in_dim3A_541 = vector.shape_cast %reduce_max3A_540 : vector<256xf32> to vector<256x1xf32>
        %max3A_542 = arith.maximumf %while3A_322, %broadcast_in_dim3A_541 : vector<256x1xf32>
        %sub3A_543 = arith.subf %while3A_322, %max3A_542 : vector<256x1xf32>
        %exp3A_544 = math.exp %sub3A_543 : vector<256x1xf32>
        %sub3A_545 = vector.broadcast %max3A_542 : vector<256x1xf32> to vector<256x512xf32>
        %sub3A_546 = arith.subf %select_n3A_538, %sub3A_545 : vector<256x512xf32>
        %exp3A_547 = math.exp %sub3A_546 : vector<256x512xf32>
        %mul3A_548 = arith.mulf %while3A_323, %exp3A_544 : vector<256x1xf32>
        %reduce_sum3A_549 = arith.constant dense<0.000000e+00> : vector<256xf32>
        %reduce_sum3A_550 = vector.multi_reduction <add>, %exp3A_547, %reduce_sum3A_549 [1] : vector<256x512xf32> to vector<256xf32>
        %broadcast_in_dim3A_551 = vector.shape_cast %reduce_sum3A_550 : vector<256xf32> to vector<256x1xf32>
        %add3A_552 = arith.addf %mul3A_548, %broadcast_in_dim3A_551 : vector<256x1xf32>
        %mul3A_553 = vector.broadcast %exp3A_544 : vector<256x1xf32> to vector<256x64xf32>
        %mul3A_554 = arith.mulf %while3A_324, %mul3A_553 : vector<256x64xf32>
        %convert_element_type3A_555 = arith.truncf %exp3A_547 : vector<256x512xf32> to vector<256x512xbf16>
        %slice3A_556 = vector.extract_strided_slice %select_n3A_361 {offsets = [0, 320], sizes = [512, 64], strides = [1, 1]} : vector<512x768xbf16> to vector<512x64xbf16>
        %dot_general3A_557 = arith.constant dense<0.000000e+00> : vector<256x64xf32>
        %dot_general3A_558 = tpu.matmul %convert_element_type3A_555, %slice3A_556, %dot_general3A_557 {dimension_numbers = #tpu.dot_dimension_numbers<[1], [0], [0], [1], [0, 0, 1, 1], [], []>, transpose_lhs_hint = false} : vector<256x512xbf16>, vector<512x64xbf16>, vector<256x64xf32> -> vector<256x64xf32>
        %add3A_559 = arith.addf %mul3A_554, %dot_general3A_558 : vector<256x64xf32>
        %slice3A_560 = vector.extract_strided_slice %get3A_15 {offsets = [0, 384], sizes = [256, 64], strides = [1, 1]} : vector<256x768xbf16> to vector<256x64xbf16>
        %slice3A_561 = vector.extract_strided_slice %get3A_350 {offsets = [0, 384], sizes = [512, 64], strides = [1, 1]} : vector<512x768xbf16> to vector<512x64xbf16>
        %dot_general3A_562 = arith.constant dense<0.000000e+00> : vector<256x512xf32>
        %dot_general3A_563 = tpu.matmul %slice3A_560, %slice3A_561, %dot_general3A_562 {dimension_numbers = #tpu.dot_dimension_numbers<[1], [1], [0], [0], [0, 0, 1, 0], [], []>, transpose_lhs_hint = false} : vector<256x64xbf16>, vector<512x64xbf16>, vector<256x512xf32> -> vector<256x512xf32>
        %mul3A_564 = arith.constant 1.250000e-01 : f32
        %mul3A_565 = vector.broadcast %mul3A_564 : f32 to vector<256x512xf32>
        %mul3A_566 = arith.mulf %dot_general3A_563, %mul3A_565 : vector<256x512xf32>
        %jit3A_567 = arith.constant -1.000000e+30 : f32
        %broadcast_in_dim3A_568 = vector.shape_cast %lt3A_365 : vector<1x512xi1> to vector<1x512xi1>
        %broadcast_in_dim3A_569 = vector.broadcast %broadcast_in_dim3A_568 : vector<1x512xi1> to vector<256x512xi1>
        %broadcast_in_dim3A_570 = vector.broadcast %jit3A_567 : f32 to vector<256x512xf32>
        %select_n3A_571 = arith.select %broadcast_in_dim3A_569, %mul3A_566, %broadcast_in_dim3A_570 : vector<256x512xi1>, vector<256x512xf32>
        %reduce_max3A_572 = arith.constant dense<0xFF800000> : vector<256xf32>
        %reduce_max3A_573 = vector.multi_reduction <maximumf>, %select_n3A_571, %reduce_max3A_572 [1] : vector<256x512xf32> to vector<256xf32>
        %broadcast_in_dim3A_574 = vector.shape_cast %reduce_max3A_573 : vector<256xf32> to vector<256x1xf32>
        %max3A_575 = arith.maximumf %while3A_325, %broadcast_in_dim3A_574 : vector<256x1xf32>
        %sub3A_576 = arith.subf %while3A_325, %max3A_575 : vector<256x1xf32>
        %exp3A_577 = math.exp %sub3A_576 : vector<256x1xf32>
        %sub3A_578 = vector.broadcast %max3A_575 : vector<256x1xf32> to vector<256x512xf32>
        %sub3A_579 = arith.subf %select_n3A_571, %sub3A_578 : vector<256x512xf32>
        %exp3A_580 = math.exp %sub3A_579 : vector<256x512xf32>
        %mul3A_581 = arith.mulf %while3A_326, %exp3A_577 : vector<256x1xf32>
        %reduce_sum3A_582 = arith.constant dense<0.000000e+00> : vector<256xf32>
        %reduce_sum3A_583 = vector.multi_reduction <add>, %exp3A_580, %reduce_sum3A_582 [1] : vector<256x512xf32> to vector<256xf32>
        %broadcast_in_dim3A_584 = vector.shape_cast %reduce_sum3A_583 : vector<256xf32> to vector<256x1xf32>
        %add3A_585 = arith.addf %mul3A_581, %broadcast_in_dim3A_584 : vector<256x1xf32>
        %mul3A_586 = vector.broadcast %exp3A_577 : vector<256x1xf32> to vector<256x64xf32>
        %mul3A_587 = arith.mulf %while3A_327, %mul3A_586 : vector<256x64xf32>
        %convert_element_type3A_588 = arith.truncf %exp3A_580 : vector<256x512xf32> to vector<256x512xbf16>
        %slice3A_589 = vector.extract_strided_slice %select_n3A_361 {offsets = [0, 384], sizes = [512, 64], strides = [1, 1]} : vector<512x768xbf16> to vector<512x64xbf16>
        %dot_general3A_590 = arith.constant dense<0.000000e+00> : vector<256x64xf32>
        %dot_general3A_591 = tpu.matmul %convert_element_type3A_588, %slice3A_589, %dot_general3A_590 {dimension_numbers = #tpu.dot_dimension_numbers<[1], [0], [0], [1], [0, 0, 1, 1], [], []>, transpose_lhs_hint = false} : vector<256x512xbf16>, vector<512x64xbf16>, vector<256x64xf32> -> vector<256x64xf32>
        %add3A_592 = arith.addf %mul3A_587, %dot_general3A_591 : vector<256x64xf32>
        %slice3A_593 = vector.extract_strided_slice %get3A_15 {offsets = [0, 448], sizes = [256, 64], strides = [1, 1]} : vector<256x768xbf16> to vector<256x64xbf16>
        %slice3A_594 = vector.extract_strided_slice %get3A_350 {offsets = [0, 448], sizes = [512, 64], strides = [1, 1]} : vector<512x768xbf16> to vector<512x64xbf16>
        %dot_general3A_595 = arith.constant dense<0.000000e+00> : vector<256x512xf32>
        %dot_general3A_596 = tpu.matmul %slice3A_593, %slice3A_594, %dot_general3A_595 {dimension_numbers = #tpu.dot_dimension_numbers<[1], [1], [0], [0], [0, 0, 1, 0], [], []>, transpose_lhs_hint = false} : vector<256x64xbf16>, vector<512x64xbf16>, vector<256x512xf32> -> vector<256x512xf32>
        %mul3A_597 = arith.constant 1.250000e-01 : f32
        %mul3A_598 = vector.broadcast %mul3A_597 : f32 to vector<256x512xf32>
        %mul3A_599 = arith.mulf %dot_general3A_596, %mul3A_598 : vector<256x512xf32>
        %jit3A_600 = arith.constant -1.000000e+30 : f32
        %broadcast_in_dim3A_601 = vector.shape_cast %lt3A_365 : vector<1x512xi1> to vector<1x512xi1>
        %broadcast_in_dim3A_602 = vector.broadcast %broadcast_in_dim3A_601 : vector<1x512xi1> to vector<256x512xi1>
        %broadcast_in_dim3A_603 = vector.broadcast %jit3A_600 : f32 to vector<256x512xf32>
        %select_n3A_604 = arith.select %broadcast_in_dim3A_602, %mul3A_599, %broadcast_in_dim3A_603 : vector<256x512xi1>, vector<256x512xf32>
        %reduce_max3A_605 = arith.constant dense<0xFF800000> : vector<256xf32>
        %reduce_max3A_606 = vector.multi_reduction <maximumf>, %select_n3A_604, %reduce_max3A_605 [1] : vector<256x512xf32> to vector<256xf32>
        %broadcast_in_dim3A_607 = vector.shape_cast %reduce_max3A_606 : vector<256xf32> to vector<256x1xf32>
        %max3A_608 = arith.maximumf %while3A_328, %broadcast_in_dim3A_607 : vector<256x1xf32>
        %sub3A_609 = arith.subf %while3A_328, %max3A_608 : vector<256x1xf32>
        %exp3A_610 = math.exp %sub3A_609 : vector<256x1xf32>
        %sub3A_611 = vector.broadcast %max3A_608 : vector<256x1xf32> to vector<256x512xf32>
        %sub3A_612 = arith.subf %select_n3A_604, %sub3A_611 : vector<256x512xf32>
        %exp3A_613 = math.exp %sub3A_612 : vector<256x512xf32>
        %mul3A_614 = arith.mulf %while3A_329, %exp3A_610 : vector<256x1xf32>
        %reduce_sum3A_615 = arith.constant dense<0.000000e+00> : vector<256xf32>
        %reduce_sum3A_616 = vector.multi_reduction <add>, %exp3A_613, %reduce_sum3A_615 [1] : vector<256x512xf32> to vector<256xf32>
        %broadcast_in_dim3A_617 = vector.shape_cast %reduce_sum3A_616 : vector<256xf32> to vector<256x1xf32>
        %add3A_618 = arith.addf %mul3A_614, %broadcast_in_dim3A_617 : vector<256x1xf32>
        %mul3A_619 = vector.broadcast %exp3A_610 : vector<256x1xf32> to vector<256x64xf32>
        %mul3A_620 = arith.mulf %while3A_330, %mul3A_619 : vector<256x64xf32>
        %convert_element_type3A_621 = arith.truncf %exp3A_613 : vector<256x512xf32> to vector<256x512xbf16>
        %slice3A_622 = vector.extract_strided_slice %select_n3A_361 {offsets = [0, 448], sizes = [512, 64], strides = [1, 1]} : vector<512x768xbf16> to vector<512x64xbf16>
        %dot_general3A_623 = arith.constant dense<0.000000e+00> : vector<256x64xf32>
        %dot_general3A_624 = tpu.matmul %convert_element_type3A_621, %slice3A_622, %dot_general3A_623 {dimension_numbers = #tpu.dot_dimension_numbers<[1], [0], [0], [1], [0, 0, 1, 1], [], []>, transpose_lhs_hint = false} : vector<256x512xbf16>, vector<512x64xbf16>, vector<256x64xf32> -> vector<256x64xf32>
        %add3A_625 = arith.addf %mul3A_620, %dot_general3A_624 : vector<256x64xf32>
        %slice3A_626 = vector.extract_strided_slice %get3A_15 {offsets = [0, 512], sizes = [256, 64], strides = [1, 1]} : vector<256x768xbf16> to vector<256x64xbf16>
        %slice3A_627 = vector.extract_strided_slice %get3A_350 {offsets = [0, 512], sizes = [512, 64], strides = [1, 1]} : vector<512x768xbf16> to vector<512x64xbf16>
        %dot_general3A_628 = arith.constant dense<0.000000e+00> : vector<256x512xf32>
        %dot_general3A_629 = tpu.matmul %slice3A_626, %slice3A_627, %dot_general3A_628 {dimension_numbers = #tpu.dot_dimension_numbers<[1], [1], [0], [0], [0, 0, 1, 0], [], []>, transpose_lhs_hint = false} : vector<256x64xbf16>, vector<512x64xbf16>, vector<256x512xf32> -> vector<256x512xf32>
        %mul3A_630 = arith.constant 1.250000e-01 : f32
        %mul3A_631 = vector.broadcast %mul3A_630 : f32 to vector<256x512xf32>
        %mul3A_632 = arith.mulf %dot_general3A_629, %mul3A_631 : vector<256x512xf32>
        %jit3A_633 = arith.constant -1.000000e+30 : f32
        %broadcast_in_dim3A_634 = vector.shape_cast %lt3A_365 : vector<1x512xi1> to vector<1x512xi1>
        %broadcast_in_dim3A_635 = vector.broadcast %broadcast_in_dim3A_634 : vector<1x512xi1> to vector<256x512xi1>
        %broadcast_in_dim3A_636 = vector.broadcast %jit3A_633 : f32 to vector<256x512xf32>
        %select_n3A_637 = arith.select %broadcast_in_dim3A_635, %mul3A_632, %broadcast_in_dim3A_636 : vector<256x512xi1>, vector<256x512xf32>
        %reduce_max3A_638 = arith.constant dense<0xFF800000> : vector<256xf32>
        %reduce_max3A_639 = vector.multi_reduction <maximumf>, %select_n3A_637, %reduce_max3A_638 [1] : vector<256x512xf32> to vector<256xf32>
        %broadcast_in_dim3A_640 = vector.shape_cast %reduce_max3A_639 : vector<256xf32> to vector<256x1xf32>
        %max3A_641 = arith.maximumf %while3A_331, %broadcast_in_dim3A_640 : vector<256x1xf32>
        %sub3A_642 = arith.subf %while3A_331, %max3A_641 : vector<256x1xf32>
        %exp3A_643 = math.exp %sub3A_642 : vector<256x1xf32>
        %sub3A_644 = vector.broadcast %max3A_641 : vector<256x1xf32> to vector<256x512xf32>
        %sub3A_645 = arith.subf %select_n3A_637, %sub3A_644 : vector<256x512xf32>
        %exp3A_646 = math.exp %sub3A_645 : vector<256x512xf32>
        %mul3A_647 = arith.mulf %while3A_332, %exp3A_643 : vector<256x1xf32>
        %reduce_sum3A_648 = arith.constant dense<0.000000e+00> : vector<256xf32>
        %reduce_sum3A_649 = vector.multi_reduction <add>, %exp3A_646, %reduce_sum3A_648 [1] : vector<256x512xf32> to vector<256xf32>
        %broadcast_in_dim3A_650 = vector.shape_cast %reduce_sum3A_649 : vector<256xf32> to vector<256x1xf32>
        %add3A_651 = arith.addf %mul3A_647, %broadcast_in_dim3A_650 : vector<256x1xf32>
        %mul3A_652 = vector.broadcast %exp3A_643 : vector<256x1xf32> to vector<256x64xf32>
        %mul3A_653 = arith.mulf %while3A_333, %mul3A_652 : vector<256x64xf32>
        %convert_element_type3A_654 = arith.truncf %exp3A_646 : vector<256x512xf32> to vector<256x512xbf16>
        %slice3A_655 = vector.extract_strided_slice %select_n3A_361 {offsets = [0, 512], sizes = [512, 64], strides = [1, 1]} : vector<512x768xbf16> to vector<512x64xbf16>
        %dot_general3A_656 = arith.constant dense<0.000000e+00> : vector<256x64xf32>
        %dot_general3A_657 = tpu.matmul %convert_element_type3A_654, %slice3A_655, %dot_general3A_656 {dimension_numbers = #tpu.dot_dimension_numbers<[1], [0], [0], [1], [0, 0, 1, 1], [], []>, transpose_lhs_hint = false} : vector<256x512xbf16>, vector<512x64xbf16>, vector<256x64xf32> -> vector<256x64xf32>
        %add3A_658 = arith.addf %mul3A_653, %dot_general3A_657 : vector<256x64xf32>
        %slice3A_659 = vector.extract_strided_slice %get3A_15 {offsets = [0, 576], sizes = [256, 64], strides = [1, 1]} : vector<256x768xbf16> to vector<256x64xbf16>
        %slice3A_660 = vector.extract_strided_slice %get3A_350 {offsets = [0, 576], sizes = [512, 64], strides = [1, 1]} : vector<512x768xbf16> to vector<512x64xbf16>
        %dot_general3A_661 = arith.constant dense<0.000000e+00> : vector<256x512xf32>
        %dot_general3A_662 = tpu.matmul %slice3A_659, %slice3A_660, %dot_general3A_661 {dimension_numbers = #tpu.dot_dimension_numbers<[1], [1], [0], [0], [0, 0, 1, 0], [], []>, transpose_lhs_hint = false} : vector<256x64xbf16>, vector<512x64xbf16>, vector<256x512xf32> -> vector<256x512xf32>
        %mul3A_663 = arith.constant 1.250000e-01 : f32
        %mul3A_664 = vector.broadcast %mul3A_663 : f32 to vector<256x512xf32>
        %mul3A_665 = arith.mulf %dot_general3A_662, %mul3A_664 : vector<256x512xf32>
        %jit3A_666 = arith.constant -1.000000e+30 : f32
        %broadcast_in_dim3A_667 = vector.shape_cast %lt3A_365 : vector<1x512xi1> to vector<1x512xi1>
        %broadcast_in_dim3A_668 = vector.broadcast %broadcast_in_dim3A_667 : vector<1x512xi1> to vector<256x512xi1>
        %broadcast_in_dim3A_669 = vector.broadcast %jit3A_666 : f32 to vector<256x512xf32>
        %select_n3A_670 = arith.select %broadcast_in_dim3A_668, %mul3A_665, %broadcast_in_dim3A_669 : vector<256x512xi1>, vector<256x512xf32>
        %reduce_max3A_671 = arith.constant dense<0xFF800000> : vector<256xf32>
        %reduce_max3A_672 = vector.multi_reduction <maximumf>, %select_n3A_670, %reduce_max3A_671 [1] : vector<256x512xf32> to vector<256xf32>
        %broadcast_in_dim3A_673 = vector.shape_cast %reduce_max3A_672 : vector<256xf32> to vector<256x1xf32>
        %max3A_674 = arith.maximumf %while3A_334, %broadcast_in_dim3A_673 : vector<256x1xf32>
        %sub3A_675 = arith.subf %while3A_334, %max3A_674 : vector<256x1xf32>
        %exp3A_676 = math.exp %sub3A_675 : vector<256x1xf32>
        %sub3A_677 = vector.broadcast %max3A_674 : vector<256x1xf32> to vector<256x512xf32>
        %sub3A_678 = arith.subf %select_n3A_670, %sub3A_677 : vector<256x512xf32>
        %exp3A_679 = math.exp %sub3A_678 : vector<256x512xf32>
        %mul3A_680 = arith.mulf %while3A_335, %exp3A_676 : vector<256x1xf32>
        %reduce_sum3A_681 = arith.constant dense<0.000000e+00> : vector<256xf32>
        %reduce_sum3A_682 = vector.multi_reduction <add>, %exp3A_679, %reduce_sum3A_681 [1] : vector<256x512xf32> to vector<256xf32>
        %broadcast_in_dim3A_683 = vector.shape_cast %reduce_sum3A_682 : vector<256xf32> to vector<256x1xf32>
        %add3A_684 = arith.addf %mul3A_680, %broadcast_in_dim3A_683 : vector<256x1xf32>
        %mul3A_685 = vector.broadcast %exp3A_676 : vector<256x1xf32> to vector<256x64xf32>
        %mul3A_686 = arith.mulf %while3A_336, %mul3A_685 : vector<256x64xf32>
        %convert_element_type3A_687 = arith.truncf %exp3A_679 : vector<256x512xf32> to vector<256x512xbf16>
        %slice3A_688 = vector.extract_strided_slice %select_n3A_361 {offsets = [0, 576], sizes = [512, 64], strides = [1, 1]} : vector<512x768xbf16> to vector<512x64xbf16>
        %dot_general3A_689 = arith.constant dense<0.000000e+00> : vector<256x64xf32>
        %dot_general3A_690 = tpu.matmul %convert_element_type3A_687, %slice3A_688, %dot_general3A_689 {dimension_numbers = #tpu.dot_dimension_numbers<[1], [0], [0], [1], [0, 0, 1, 1], [], []>, transpose_lhs_hint = false} : vector<256x512xbf16>, vector<512x64xbf16>, vector<256x64xf32> -> vector<256x64xf32>
        %add3A_691 = arith.addf %mul3A_686, %dot_general3A_690 : vector<256x64xf32>
        %slice3A_692 = vector.extract_strided_slice %get3A_15 {offsets = [0, 640], sizes = [256, 64], strides = [1, 1]} : vector<256x768xbf16> to vector<256x64xbf16>
        %slice3A_693 = vector.extract_strided_slice %get3A_350 {offsets = [0, 640], sizes = [512, 64], strides = [1, 1]} : vector<512x768xbf16> to vector<512x64xbf16>
        %dot_general3A_694 = arith.constant dense<0.000000e+00> : vector<256x512xf32>
        %dot_general3A_695 = tpu.matmul %slice3A_692, %slice3A_693, %dot_general3A_694 {dimension_numbers = #tpu.dot_dimension_numbers<[1], [1], [0], [0], [0, 0, 1, 0], [], []>, transpose_lhs_hint = false} : vector<256x64xbf16>, vector<512x64xbf16>, vector<256x512xf32> -> vector<256x512xf32>
        %mul3A_696 = arith.constant 1.250000e-01 : f32
        %mul3A_697 = vector.broadcast %mul3A_696 : f32 to vector<256x512xf32>
        %mul3A_698 = arith.mulf %dot_general3A_695, %mul3A_697 : vector<256x512xf32>
        %jit3A_699 = arith.constant -1.000000e+30 : f32
        %broadcast_in_dim3A_700 = vector.shape_cast %lt3A_365 : vector<1x512xi1> to vector<1x512xi1>
        %broadcast_in_dim3A_701 = vector.broadcast %broadcast_in_dim3A_700 : vector<1x512xi1> to vector<256x512xi1>
        %broadcast_in_dim3A_702 = vector.broadcast %jit3A_699 : f32 to vector<256x512xf32>
        %select_n3A_703 = arith.select %broadcast_in_dim3A_701, %mul3A_698, %broadcast_in_dim3A_702 : vector<256x512xi1>, vector<256x512xf32>
        %reduce_max3A_704 = arith.constant dense<0xFF800000> : vector<256xf32>
        %reduce_max3A_705 = vector.multi_reduction <maximumf>, %select_n3A_703, %reduce_max3A_704 [1] : vector<256x512xf32> to vector<256xf32>
        %broadcast_in_dim3A_706 = vector.shape_cast %reduce_max3A_705 : vector<256xf32> to vector<256x1xf32>
        %max3A_707 = arith.maximumf %while3A_337, %broadcast_in_dim3A_706 : vector<256x1xf32>
        %sub3A_708 = arith.subf %while3A_337, %max3A_707 : vector<256x1xf32>
        %exp3A_709 = math.exp %sub3A_708 : vector<256x1xf32>
        %sub3A_710 = vector.broadcast %max3A_707 : vector<256x1xf32> to vector<256x512xf32>
        %sub3A_711 = arith.subf %select_n3A_703, %sub3A_710 : vector<256x512xf32>
        %exp3A_712 = math.exp %sub3A_711 : vector<256x512xf32>
        %mul3A_713 = arith.mulf %while3A_338, %exp3A_709 : vector<256x1xf32>
        %reduce_sum3A_714 = arith.constant dense<0.000000e+00> : vector<256xf32>
        %reduce_sum3A_715 = vector.multi_reduction <add>, %exp3A_712, %reduce_sum3A_714 [1] : vector<256x512xf32> to vector<256xf32>
        %broadcast_in_dim3A_716 = vector.shape_cast %reduce_sum3A_715 : vector<256xf32> to vector<256x1xf32>
        %add3A_717 = arith.addf %mul3A_713, %broadcast_in_dim3A_716 : vector<256x1xf32>
        %mul3A_718 = vector.broadcast %exp3A_709 : vector<256x1xf32> to vector<256x64xf32>
        %mul3A_719 = arith.mulf %while3A_339, %mul3A_718 : vector<256x64xf32>
        %convert_element_type3A_720 = arith.truncf %exp3A_712 : vector<256x512xf32> to vector<256x512xbf16>
        %slice3A_721 = vector.extract_strided_slice %select_n3A_361 {offsets = [0, 640], sizes = [512, 64], strides = [1, 1]} : vector<512x768xbf16> to vector<512x64xbf16>
        %dot_general3A_722 = arith.constant dense<0.000000e+00> : vector<256x64xf32>
        %dot_general3A_723 = tpu.matmul %convert_element_type3A_720, %slice3A_721, %dot_general3A_722 {dimension_numbers = #tpu.dot_dimension_numbers<[1], [0], [0], [1], [0, 0, 1, 1], [], []>, transpose_lhs_hint = false} : vector<256x512xbf16>, vector<512x64xbf16>, vector<256x64xf32> -> vector<256x64xf32>
        %add3A_724 = arith.addf %mul3A_719, %dot_general3A_723 : vector<256x64xf32>
        %slice3A_725 = vector.extract_strided_slice %get3A_15 {offsets = [0, 704], sizes = [256, 64], strides = [1, 1]} : vector<256x768xbf16> to vector<256x64xbf16>
        %slice3A_726 = vector.extract_strided_slice %get3A_350 {offsets = [0, 704], sizes = [512, 64], strides = [1, 1]} : vector<512x768xbf16> to vector<512x64xbf16>
        %dot_general3A_727 = arith.constant dense<0.000000e+00> : vector<256x512xf32>
        %dot_general3A_728 = tpu.matmul %slice3A_725, %slice3A_726, %dot_general3A_727 {dimension_numbers = #tpu.dot_dimension_numbers<[1], [1], [0], [0], [0, 0, 1, 0], [], []>, transpose_lhs_hint = false} : vector<256x64xbf16>, vector<512x64xbf16>, vector<256x512xf32> -> vector<256x512xf32>
        %mul3A_729 = arith.constant 1.250000e-01 : f32
        %mul3A_730 = vector.broadcast %mul3A_729 : f32 to vector<256x512xf32>
        %mul3A_731 = arith.mulf %dot_general3A_728, %mul3A_730 : vector<256x512xf32>
        %jit3A_732 = arith.constant -1.000000e+30 : f32
        %broadcast_in_dim3A_733 = vector.shape_cast %lt3A_365 : vector<1x512xi1> to vector<1x512xi1>
        %broadcast_in_dim3A_734 = vector.broadcast %broadcast_in_dim3A_733 : vector<1x512xi1> to vector<256x512xi1>
        %broadcast_in_dim3A_735 = vector.broadcast %jit3A_732 : f32 to vector<256x512xf32>
        %select_n3A_736 = arith.select %broadcast_in_dim3A_734, %mul3A_731, %broadcast_in_dim3A_735 : vector<256x512xi1>, vector<256x512xf32>
        %reduce_max3A_737 = arith.constant dense<0xFF800000> : vector<256xf32>
        %reduce_max3A_738 = vector.multi_reduction <maximumf>, %select_n3A_736, %reduce_max3A_737 [1] : vector<256x512xf32> to vector<256xf32>
        %broadcast_in_dim3A_739 = vector.shape_cast %reduce_max3A_738 : vector<256xf32> to vector<256x1xf32>
        %max3A_740 = arith.maximumf %while3A_340, %broadcast_in_dim3A_739 : vector<256x1xf32>
        %sub3A_741 = arith.subf %while3A_340, %max3A_740 : vector<256x1xf32>
        %exp3A_742 = math.exp %sub3A_741 : vector<256x1xf32>
        %sub3A_743 = vector.broadcast %max3A_740 : vector<256x1xf32> to vector<256x512xf32>
        %sub3A_744 = arith.subf %select_n3A_736, %sub3A_743 : vector<256x512xf32>
        %exp3A_745 = math.exp %sub3A_744 : vector<256x512xf32>
        %mul3A_746 = arith.mulf %while3A_341, %exp3A_742 : vector<256x1xf32>
        %reduce_sum3A_747 = arith.constant dense<0.000000e+00> : vector<256xf32>
        %reduce_sum3A_748 = vector.multi_reduction <add>, %exp3A_745, %reduce_sum3A_747 [1] : vector<256x512xf32> to vector<256xf32>
        %broadcast_in_dim3A_749 = vector.shape_cast %reduce_sum3A_748 : vector<256xf32> to vector<256x1xf32>
        %add3A_750 = arith.addf %mul3A_746, %broadcast_in_dim3A_749 : vector<256x1xf32>
        %mul3A_751 = vector.broadcast %exp3A_742 : vector<256x1xf32> to vector<256x64xf32>
        %mul3A_752 = arith.mulf %while3A_342, %mul3A_751 : vector<256x64xf32>
        %convert_element_type3A_753 = arith.truncf %exp3A_745 : vector<256x512xf32> to vector<256x512xbf16>
        %slice3A_754 = vector.extract_strided_slice %select_n3A_361 {offsets = [0, 704], sizes = [512, 64], strides = [1, 1]} : vector<512x768xbf16> to vector<512x64xbf16>
        %dot_general3A_755 = arith.constant dense<0.000000e+00> : vector<256x64xf32>
        %dot_general3A_756 = tpu.matmul %convert_element_type3A_753, %slice3A_754, %dot_general3A_755 {dimension_numbers = #tpu.dot_dimension_numbers<[1], [0], [0], [1], [0, 0, 1, 1], [], []>, transpose_lhs_hint = false} : vector<256x512xbf16>, vector<512x64xbf16>, vector<256x64xf32> -> vector<256x64xf32>
        %add3A_757 = arith.addf %mul3A_752, %dot_general3A_756 : vector<256x64xf32>
        scf.yield %max3A, %add3A_387, %add3A_394, %max3A_410, %add3A_420, %add3A_427, %max3A_443, %add3A_453, %add3A_460, %max3A_476, %add3A_486, %add3A_493, %max3A_509, %add3A_519, %add3A_526, %max3A_542, %add3A_552, %add3A_559, %max3A_575, %add3A_585, %add3A_592, %max3A_608, %add3A_618, %add3A_625, %max3A_641, %add3A_651, %add3A_658, %max3A_674, %add3A_684, %add3A_691, %max3A_707, %add3A_717, %add3A_724, %max3A_740, %add3A_750, %add3A_757 : vector<256x1xf32>, vector<256x1xf32>, vector<256x64xf32>, vector<256x1xf32>, vector<256x1xf32>, vector<256x64xf32>, vector<256x1xf32>, vector<256x1xf32>, vector<256x64xf32>, vector<256x1xf32>, vector<256x1xf32>, vector<256x64xf32>, vector<256x1xf32>, vector<256x1xf32>, vector<256x64xf32>, vector<256x1xf32>, vector<256x1xf32>, vector<256x64xf32>, vector<256x1xf32>, vector<256x1xf32>, vector<256x64xf32>, vector<256x1xf32>, vector<256x1xf32>, vector<256x64xf32>, vector<256x1xf32>, vector<256x1xf32>, vector<256x64xf32>, vector<256x1xf32>, vector<256x1xf32>, vector<256x64xf32>, vector<256x1xf32>, vector<256x1xf32>, vector<256x64xf32>, vector<256x1xf32>, vector<256x1xf32>, vector<256x64xf32>
      }
      %eq3A_116 = arith.constant 0.000000e+00 : f32
      %eq3A_117 = vector.broadcast %eq3A_116 : f32 to vector<256x1xf32>
      %eq3A_118 = arith.cmpf oeq, %while3A_115#1, %eq3A_117 : vector<256x1xf32>
      %jit3A_119 = arith.constant 1.000000e+00 : f32
      %broadcast_in_dim3A_120 = vector.broadcast %jit3A_119 : f32 to vector<256x1xf32>
      %select_n3A_121 = arith.select %eq3A_118, %broadcast_in_dim3A_120, %while3A_115#1 : vector<256x1xi1>, vector<256x1xf32>
      %div3A_122 = vector.broadcast %select_n3A_121 : vector<256x1xf32> to vector<256x64xf32>
      %div3A_123 = arith.divf %while3A_115#2, %div3A_122 : vector<256x64xf32>
      %eq3A_124 = arith.constant 0.000000e+00 : f32
      %eq3A_125 = vector.broadcast %eq3A_124 : f32 to vector<256x1xf32>
      %eq3A_126 = arith.cmpf oeq, %while3A_115#4, %eq3A_125 : vector<256x1xf32>
      %jit3A_127 = arith.constant 1.000000e+00 : f32
      %broadcast_in_dim3A_128 = vector.broadcast %jit3A_127 : f32 to vector<256x1xf32>
      %select_n3A_129 = arith.select %eq3A_126, %broadcast_in_dim3A_128, %while3A_115#4 : vector<256x1xi1>, vector<256x1xf32>
      %div3A_130 = vector.broadcast %select_n3A_129 : vector<256x1xf32> to vector<256x64xf32>
      %div3A_131 = arith.divf %while3A_115#5, %div3A_130 : vector<256x64xf32>
      %eq3A_132 = arith.constant 0.000000e+00 : f32
      %eq3A_133 = vector.broadcast %eq3A_132 : f32 to vector<256x1xf32>
      %eq3A_134 = arith.cmpf oeq, %while3A_115#7, %eq3A_133 : vector<256x1xf32>
      %jit3A_135 = arith.constant 1.000000e+00 : f32
      %broadcast_in_dim3A_136 = vector.broadcast %jit3A_135 : f32 to vector<256x1xf32>
      %select_n3A_137 = arith.select %eq3A_134, %broadcast_in_dim3A_136, %while3A_115#7 : vector<256x1xi1>, vector<256x1xf32>
      %div3A_138 = vector.broadcast %select_n3A_137 : vector<256x1xf32> to vector<256x64xf32>
      %div3A_139 = arith.divf %while3A_115#8, %div3A_138 : vector<256x64xf32>
      %eq3A_140 = arith.constant 0.000000e+00 : f32
      %eq3A_141 = vector.broadcast %eq3A_140 : f32 to vector<256x1xf32>
      %eq3A_142 = arith.cmpf oeq, %while3A_115#10, %eq3A_141 : vector<256x1xf32>
      %jit3A_143 = arith.constant 1.000000e+00 : f32
      %broadcast_in_dim3A_144 = vector.broadcast %jit3A_143 : f32 to vector<256x1xf32>
      %select_n3A_145 = arith.select %eq3A_142, %broadcast_in_dim3A_144, %while3A_115#10 : vector<256x1xi1>, vector<256x1xf32>
      %div3A_146 = vector.broadcast %select_n3A_145 : vector<256x1xf32> to vector<256x64xf32>
      %div3A_147 = arith.divf %while3A_115#11, %div3A_146 : vector<256x64xf32>
      %eq3A_148 = arith.constant 0.000000e+00 : f32
      %eq3A_149 = vector.broadcast %eq3A_148 : f32 to vector<256x1xf32>
      %eq3A_150 = arith.cmpf oeq, %while3A_115#13, %eq3A_149 : vector<256x1xf32>
      %jit3A_151 = arith.constant 1.000000e+00 : f32
      %broadcast_in_dim3A_152 = vector.broadcast %jit3A_151 : f32 to vector<256x1xf32>
      %select_n3A_153 = arith.select %eq3A_150, %broadcast_in_dim3A_152, %while3A_115#13 : vector<256x1xi1>, vector<256x1xf32>
      %div3A_154 = vector.broadcast %select_n3A_153 : vector<256x1xf32> to vector<256x64xf32>
      %div3A_155 = arith.divf %while3A_115#14, %div3A_154 : vector<256x64xf32>
      %eq3A_156 = arith.constant 0.000000e+00 : f32
      %eq3A_157 = vector.broadcast %eq3A_156 : f32 to vector<256x1xf32>
      %eq3A_158 = arith.cmpf oeq, %while3A_115#16, %eq3A_157 : vector<256x1xf32>
      %jit3A_159 = arith.constant 1.000000e+00 : f32
      %broadcast_in_dim3A_160 = vector.broadcast %jit3A_159 : f32 to vector<256x1xf32>
      %select_n3A_161 = arith.select %eq3A_158, %broadcast_in_dim3A_160, %while3A_115#16 : vector<256x1xi1>, vector<256x1xf32>
      %div3A_162 = vector.broadcast %select_n3A_161 : vector<256x1xf32> to vector<256x64xf32>
      %div3A_163 = arith.divf %while3A_115#17, %div3A_162 : vector<256x64xf32>
      %eq3A_164 = arith.constant 0.000000e+00 : f32
      %eq3A_165 = vector.broadcast %eq3A_164 : f32 to vector<256x1xf32>
      %eq3A_166 = arith.cmpf oeq, %while3A_115#19, %eq3A_165 : vector<256x1xf32>
      %jit3A_167 = arith.constant 1.000000e+00 : f32
      %broadcast_in_dim3A_168 = vector.broadcast %jit3A_167 : f32 to vector<256x1xf32>
      %select_n3A_169 = arith.select %eq3A_166, %broadcast_in_dim3A_168, %while3A_115#19 : vector<256x1xi1>, vector<256x1xf32>
      %div3A_170 = vector.broadcast %select_n3A_169 : vector<256x1xf32> to vector<256x64xf32>
      %div3A_171 = arith.divf %while3A_115#20, %div3A_170 : vector<256x64xf32>
      %eq3A_172 = arith.constant 0.000000e+00 : f32
      %eq3A_173 = vector.broadcast %eq3A_172 : f32 to vector<256x1xf32>
      %eq3A_174 = arith.cmpf oeq, %while3A_115#22, %eq3A_173 : vector<256x1xf32>
      %jit3A_175 = arith.constant 1.000000e+00 : f32
      %broadcast_in_dim3A_176 = vector.broadcast %jit3A_175 : f32 to vector<256x1xf32>
      %select_n3A_177 = arith.select %eq3A_174, %broadcast_in_dim3A_176, %while3A_115#22 : vector<256x1xi1>, vector<256x1xf32>
      %div3A_178 = vector.broadcast %select_n3A_177 : vector<256x1xf32> to vector<256x64xf32>
      %div3A_179 = arith.divf %while3A_115#23, %div3A_178 : vector<256x64xf32>
      %eq3A_180 = arith.constant 0.000000e+00 : f32
      %eq3A_181 = vector.broadcast %eq3A_180 : f32 to vector<256x1xf32>
      %eq3A_182 = arith.cmpf oeq, %while3A_115#25, %eq3A_181 : vector<256x1xf32>
      %jit3A_183 = arith.constant 1.000000e+00 : f32
      %broadcast_in_dim3A_184 = vector.broadcast %jit3A_183 : f32 to vector<256x1xf32>
      %select_n3A_185 = arith.select %eq3A_182, %broadcast_in_dim3A_184, %while3A_115#25 : vector<256x1xi1>, vector<256x1xf32>
      %div3A_186 = vector.broadcast %select_n3A_185 : vector<256x1xf32> to vector<256x64xf32>
      %div3A_187 = arith.divf %while3A_115#26, %div3A_186 : vector<256x64xf32>
      %eq3A_188 = arith.constant 0.000000e+00 : f32
      %eq3A_189 = vector.broadcast %eq3A_188 : f32 to vector<256x1xf32>
      %eq3A_190 = arith.cmpf oeq, %while3A_115#28, %eq3A_189 : vector<256x1xf32>
      %jit3A_191 = arith.constant 1.000000e+00 : f32
      %broadcast_in_dim3A_192 = vector.broadcast %jit3A_191 : f32 to vector<256x1xf32>
      %select_n3A_193 = arith.select %eq3A_190, %broadcast_in_dim3A_192, %while3A_115#28 : vector<256x1xi1>, vector<256x1xf32>
      %div3A_194 = vector.broadcast %select_n3A_193 : vector<256x1xf32> to vector<256x64xf32>
      %div3A_195 = arith.divf %while3A_115#29, %div3A_194 : vector<256x64xf32>
      %eq3A_196 = arith.constant 0.000000e+00 : f32
      %eq3A_197 = vector.broadcast %eq3A_196 : f32 to vector<256x1xf32>
      %eq3A_198 = arith.cmpf oeq, %while3A_115#31, %eq3A_197 : vector<256x1xf32>
      %jit3A_199 = arith.constant 1.000000e+00 : f32
      %broadcast_in_dim3A_200 = vector.broadcast %jit3A_199 : f32 to vector<256x1xf32>
      %select_n3A_201 = arith.select %eq3A_198, %broadcast_in_dim3A_200, %while3A_115#31 : vector<256x1xi1>, vector<256x1xf32>
      %div3A_202 = vector.broadcast %select_n3A_201 : vector<256x1xf32> to vector<256x64xf32>
      %div3A_203 = arith.divf %while3A_115#32, %div3A_202 : vector<256x64xf32>
      %eq3A_204 = arith.constant 0.000000e+00 : f32
      %eq3A_205 = vector.broadcast %eq3A_204 : f32 to vector<256x1xf32>
      %eq3A_206 = arith.cmpf oeq, %while3A_115#34, %eq3A_205 : vector<256x1xf32>
      %jit3A_207 = arith.constant 1.000000e+00 : f32
      %broadcast_in_dim3A_208 = vector.broadcast %jit3A_207 : f32 to vector<256x1xf32>
      %select_n3A_209 = arith.select %eq3A_206, %broadcast_in_dim3A_208, %while3A_115#34 : vector<256x1xi1>, vector<256x1xf32>
      %div3A_210 = vector.broadcast %select_n3A_209 : vector<256x1xf32> to vector<256x64xf32>
      %div3A_211 = arith.divf %while3A_115#35, %div3A_210 : vector<256x64xf32>
      %concatenate3A = tpu.concatenate %div3A_123, %div3A_131, %div3A_139, %div3A_147, %div3A_155, %div3A_163, %div3A_171, %div3A_179, %div3A_187, %div3A_195, %div3A_203, %div3A_211 in 1 : vector<256x64xf32>, vector<256x64xf32>, vector<256x64xf32>, vector<256x64xf32>, vector<256x64xf32>, vector<256x64xf32>, vector<256x64xf32>, vector<256x64xf32>, vector<256x64xf32>, vector<256x64xf32>, vector<256x64xf32>, vector<256x64xf32> -> vector<256x768xf32>
      %convert_element_type3A_212 = arith.truncf %concatenate3A : vector<256x768xf32> to vector<256x768xbf16>
      %get3A_213 = arith.constant 0 : index
      %get3A_214 = arith.constant 0 : index
      %get3A_215 = arith.constant 0 : index
      %get3A_216 = vector.load %arg9[%get3A_213, %get3A_214, %get3A_215] : memref<1x768x768xbf16, #tpu.memory_space<vmem>>, vector<1x768x768xbf16>
      %get3A_217 = vector.shape_cast %get3A_216 : vector<1x768x768xbf16> to vector<768x768xbf16>
      %dot_general3A = arith.constant dense<0.000000e+00> : vector<256x768xf32>
      %dot_general3A_218 = tpu.matmul %convert_element_type3A_212, %get3A_217, %dot_general3A {dimension_numbers = #tpu.dot_dimension_numbers<[1], [0], [0], [1], [0, 0, 1, 1], [], []>, transpose_lhs_hint = false} : vector<256x768xbf16>, vector<768x768xbf16>, vector<256x768xf32> -> vector<256x768xf32>
      %get3A_219 = arith.constant 0 : index
      %get3A_220 = arith.constant 0 : index
      %get3A_221 = arith.constant 0 : index
      %get3A_222 = vector.load %arg10[%get3A_219, %get3A_220, %get3A_221] : memref<1x1x768xf32, #tpu.memory_space<vmem>>, vector<1x1x768xf32>
      %get3A_223 = vector.shape_cast %get3A_222 : vector<1x1x768xf32> to vector<1x768xf32>
      %add3A_224 = vector.broadcast %get3A_223 : vector<1x768xf32> to vector<256x768xf32>
      %add3A_225 = arith.addf %dot_general3A_218, %add3A_224 : vector<256x768xf32>
      %get3A_226 = arith.constant 0 : index
      %get3A_227 = arith.constant 0 : index
      %get3A_228 = vector.load %arg8[%get3A_226, %get3A_227] : memref<256x768xf32, #tpu.memory_space<vmem>>, vector<256x768xf32>
      %add3A_229 = arith.addf %get3A_228, %add3A_225 : vector<256x768xf32>
      %reduce_sum3A = arith.constant dense<0.000000e+00> : vector<256xf32>
      %reduce_sum3A_230 = vector.multi_reduction <add>, %add3A_229, %reduce_sum3A [1] : vector<256x768xf32> to vector<256xf32>
      %broadcast_in_dim3A_231 = vector.shape_cast %reduce_sum3A_230 : vector<256xf32> to vector<256x1xf32>
      %div3A_232 = arith.constant 7.680000e+02 : f32
      %div3A_233 = vector.broadcast %div3A_232 : f32 to vector<256x1xf32>
      %div3A_234 = arith.divf %broadcast_in_dim3A_231, %div3A_233 : vector<256x1xf32>
      %sub3A_235 = vector.broadcast %div3A_234 : vector<256x1xf32> to vector<256x768xf32>
      %sub3A_236 = arith.subf %add3A_229, %sub3A_235 : vector<256x768xf32>
      %integer_pow3A = arith.mulf %sub3A_236, %sub3A_236 : vector<256x768xf32>
      %reduce_sum3A_237 = arith.constant dense<0.000000e+00> : vector<256xf32>
      %reduce_sum3A_238 = vector.multi_reduction <add>, %integer_pow3A, %reduce_sum3A_237 [1] : vector<256x768xf32> to vector<256xf32>
      %broadcast_in_dim3A_239 = vector.shape_cast %reduce_sum3A_238 : vector<256xf32> to vector<256x1xf32>
      %div3A_240 = arith.constant 7.680000e+02 : f32
      %div3A_241 = vector.broadcast %div3A_240 : f32 to vector<256x1xf32>
      %div3A_242 = arith.divf %broadcast_in_dim3A_239, %div3A_241 : vector<256x1xf32>
      %sub3A_243 = vector.broadcast %div3A_234 : vector<256x1xf32> to vector<256x768xf32>
      %sub3A_244 = arith.subf %add3A_229, %sub3A_243 : vector<256x768xf32>
      %add3A_245 = arith.constant 9.99999974E-6 : f32
      %add3A_246 = vector.broadcast %add3A_245 : f32 to vector<256x1xf32>
      %add3A_247 = arith.addf %div3A_242, %add3A_246 : vector<256x1xf32>
      %rsqrt3A = math.rsqrt %add3A_247 : vector<256x1xf32>
      %mul3A = vector.broadcast %rsqrt3A : vector<256x1xf32> to vector<256x768xf32>
      %mul3A_248 = arith.mulf %sub3A_244, %mul3A : vector<256x768xf32>
      %get3A_249 = arith.constant 0 : index
      %get3A_250 = arith.constant 0 : index
      %get3A_251 = arith.constant 0 : index
      %get3A_252 = vector.load %arg11[%get3A_249, %get3A_250, %get3A_251] : memref<1x1x768xf32, #tpu.memory_space<vmem>>, vector<1x1x768xf32>
      %get3A_253 = vector.shape_cast %get3A_252 : vector<1x1x768xf32> to vector<1x768xf32>
      %mul3A_254 = vector.broadcast %get3A_253 : vector<1x768xf32> to vector<256x768xf32>
      %mul3A_255 = arith.mulf %mul3A_248, %mul3A_254 : vector<256x768xf32>
      %get3A_256 = arith.constant 0 : index
      %get3A_257 = arith.constant 0 : index
      %get3A_258 = arith.constant 0 : index
      %get3A_259 = vector.load %arg12[%get3A_256, %get3A_257, %get3A_258] : memref<1x1x768xf32, #tpu.memory_space<vmem>>, vector<1x1x768xf32>
      %get3A_260 = vector.shape_cast %get3A_259 : vector<1x1x768xf32> to vector<1x768xf32>
      %add3A_261 = vector.broadcast %get3A_260 : vector<1x768xf32> to vector<256x768xf32>
      %add3A_262 = arith.addf %mul3A_255, %add3A_261 : vector<256x768xf32>
      %convert_element_type3A_263 = arith.truncf %add3A_262 : vector<256x768xf32> to vector<256x768xbf16>
      %get3A_264 = arith.constant 0 : index
      %get3A_265 = arith.constant 0 : index
      %get3A_266 = arith.constant 0 : index
      %get3A_267 = vector.load %arg13[%get3A_264, %get3A_265, %get3A_266] : memref<1x768x3072xbf16, #tpu.memory_space<vmem>>, vector<1x768x3072xbf16>
      %get3A_268 = vector.shape_cast %get3A_267 : vector<1x768x3072xbf16> to vector<768x3072xbf16>
      %dot_general3A_269 = arith.constant dense<0.000000e+00> : vector<256x3072xf32>
      %dot_general3A_270 = tpu.matmul %convert_element_type3A_263, %get3A_268, %dot_general3A_269 {dimension_numbers = #tpu.dot_dimension_numbers<[1], [0], [0], [1], [0, 0, 1, 1], [], []>, transpose_lhs_hint = false} : vector<256x768xbf16>, vector<768x3072xbf16>, vector<256x3072xf32> -> vector<256x3072xf32>
      %get3A_271 = arith.constant 0 : index
      %get3A_272 = arith.constant 0 : index
      %get3A_273 = arith.constant 0 : index
      %get3A_274 = vector.load %arg14[%get3A_271, %get3A_272, %get3A_273] : memref<1x1x3072xf32, #tpu.memory_space<vmem>>, vector<1x1x3072xf32>
      %get3A_275 = vector.shape_cast %get3A_274 : vector<1x1x3072xf32> to vector<1x3072xf32>
      %add3A_276 = vector.broadcast %get3A_275 : vector<1x3072xf32> to vector<256x3072xf32>
      %add3A_277 = arith.addf %dot_general3A_270, %add3A_276 : vector<256x3072xf32>
      %convert_element_type3A_278 = arith.truncf %add3A_277 : vector<256x3072xf32> to vector<256x3072xbf16>
      %mul3A_279 = arith.constant 5.000000e-01 : bf16
      %mul3A_280 = vector.broadcast %mul3A_279 : bf16 to vector<256x3072xbf16>
      %mul3A_281 = arith.mulf %convert_element_type3A_278, %mul3A_280 : vector<256x3072xbf16>
      %mul3A_282 = arith.constant 7.070310e-01 : bf16
      %mul3A_283 = vector.broadcast %mul3A_282 : bf16 to vector<256x3072xbf16>
      %mul3A_284 = arith.mulf %convert_element_type3A_278, %mul3A_283 : vector<256x3072xbf16>
      %erf3A = math.erf %mul3A_284 : vector<256x3072xbf16>
      %add3A_285 = arith.constant 1.000000e+00 : bf16
      %add3A_286 = vector.broadcast %add3A_285 : bf16 to vector<256x3072xbf16>
      %add3A_287 = arith.addf %add3A_286, %erf3A : vector<256x3072xbf16>
      %mul3A_288 = arith.mulf %mul3A_281, %add3A_287 : vector<256x3072xbf16>
      %get3A_289 = arith.constant 0 : index
      %get3A_290 = arith.constant 0 : index
      %get3A_291 = arith.constant 0 : index
      %get3A_292 = vector.load %arg15[%get3A_289, %get3A_290, %get3A_291] : memref<1x3072x768xbf16, #tpu.memory_space<vmem>>, vector<1x3072x768xbf16>
      %get3A_293 = vector.shape_cast %get3A_292 : vector<1x3072x768xbf16> to vector<3072x768xbf16>
      %dot_general3A_294 = arith.constant dense<0.000000e+00> : vector<256x768xf32>
      %dot_general3A_295 = tpu.matmul %mul3A_288, %get3A_293, %dot_general3A_294 {dimension_numbers = #tpu.dot_dimension_numbers<[1], [0], [0], [1], [0, 0, 1, 1], [], []>, transpose_lhs_hint = false} : vector<256x3072xbf16>, vector<3072x768xbf16>, vector<256x768xf32> -> vector<256x768xf32>
      %add3A_296 = arith.addf %add3A_229, %dot_general3A_295 : vector<256x768xf32>
      %get3A_297 = arith.constant 0 : index
      %get3A_298 = arith.constant 0 : index
      %get3A_299 = arith.constant 0 : index
      %get3A_300 = vector.load %arg16[%get3A_297, %get3A_298, %get3A_299] : memref<1x1x768xf32, #tpu.memory_space<vmem>>, vector<1x1x768xf32>
      %get3A_301 = vector.shape_cast %get3A_300 : vector<1x1x768xf32> to vector<1x768xf32>
      %add3A_302 = vector.broadcast %get3A_301 : vector<1x768xf32> to vector<256x768xf32>
      %add3A_303 = arith.addf %add3A_296, %add3A_302 : vector<256x768xf32>
      %swap3A = arith.constant 0 : index
      %swap3A_304 = arith.constant 0 : index
      %swap3A_305 = vector.load %arg17[%swap3A, %swap3A_304] : memref<256x768xf32, #tpu.memory_space<vmem>>, vector<256x768xf32>
      tpu.vector_store %arg17[%swap3A, %swap3A_304], %add3A_303 {strides = array<i32>} : memref<256x768xf32, #tpu.memory_space<vmem>>, vector<256x768xf32>,
    } else {
    }
    return
  }
  func.func @transform_0(%arg0: i32, %arg1: memref<33xi32, #tpu.memory_space<smem>>, %arg2: memref<16xi32, #tpu.memory_space<smem>>, %arg3: memref<16xi32, #tpu.memory_space<smem>>, %arg4: memref<16xi32, #tpu.memory_space<smem>>) -> (i32, i32) {
    %c0_i32 = arith.constant 0 : i32
    %c0_i32_0 = arith.constant 0 : i32
    return %arg0, %c0_i32 : i32, i32
  }
  func.func @transform_3(%arg0: i32, %arg1: memref<33xi32, #tpu.memory_space<smem>>, %arg2: memref<16xi32, #tpu.memory_space<smem>>, %arg3: memref<16xi32, #tpu.memory_space<smem>>, %arg4: memref<16xi32, #tpu.memory_space<smem>>) -> (i32, i32) {
    %c0_i32 = arith.constant 0 : i32
    %c0_i32_0 = arith.constant 0 : i32
    return %arg0, %c0_i32 : i32, i32
  }
  func.func @transform_4(%arg0: i32, %arg1: memref<33xi32, #tpu.memory_space<smem>>, %arg2: memref<16xi32, #tpu.memory_space<smem>>, %arg3: memref<16xi32, #tpu.memory_space<smem>>, %arg4: memref<16xi32, #tpu.memory_space<smem>>) -> (i32, i32, i32) {
    %get3A = arith.index_cast %arg0 : i32 to index
    %get3A_0 = memref.load %arg1[%get3A] : memref<33xi32, #tpu.memory_space<smem>>
    %max3A = arith.constant 0 : i32
    %max3A_1 = arith.maxsi %get3A_0, %max3A : i32
    %jit3A = arith.constant 2 : i32
    %div3A = arith.divsi %max3A_1, %jit3A : i32
    %sign3A = arith.constant 0 : i32
    %sign3A_2 = arith.cmpi sgt, %max3A_1, %sign3A : i32
    %sign3A_3 = arith.extui %sign3A_2 : i1 to i32
    %sign3A_4 = arith.constant 0 : i32
    %sign3A_5 = arith.cmpi slt, %max3A_1, %sign3A_4 : i32
    %sign3A_6 = arith.extui %sign3A_5 : i1 to i32
    %sign3A_7 = arith.subi %sign3A_3, %sign3A_6 : i32
    %sign3A_8 = arith.constant 0 : i32
    %sign3A_9 = arith.cmpi sgt, %jit3A, %sign3A_8 : i32
    %sign3A_10 = arith.extui %sign3A_9 : i1 to i32
    %sign3A_11 = arith.constant 0 : i32
    %sign3A_12 = arith.cmpi slt, %jit3A, %sign3A_11 : i32
    %sign3A_13 = arith.extui %sign3A_12 : i1 to i32
    %sign3A_14 = arith.subi %sign3A_10, %sign3A_13 : i32
    %ne3A = arith.cmpi ne, %sign3A_7, %sign3A_14 : i32
    %rem3A = arith.remsi %max3A_1, %jit3A : i32
    %ne3A_15 = arith.constant 0 : i32
    %ne3A_16 = arith.cmpi ne, %rem3A, %ne3A_15 : i32
    %and3A = arith.andi %ne3A, %ne3A_16 : i1
    %sub3A = arith.constant 1 : i32
    %sub3A_17 = arith.subi %div3A, %sub3A : i32
    %select_n3A = arith.select %and3A, %sub3A_17, %div3A : i32
    %c0_i32 = arith.constant 0 : i32
    %c0_i32_18 = arith.constant 0 : i32
    %c0_i32_19 = arith.constant 0 : i32
    return %select_n3A, %c0_i32, %c0_i32_18 : i32, i32, i32
  }
  func.func @transform_5(%arg0: i32, %arg1: memref<33xi32, #tpu.memory_space<smem>>, %arg2: memref<16xi32, #tpu.memory_space<smem>>, %arg3: memref<16xi32, #tpu.memory_space<smem>>, %arg4: memref<16xi32, #tpu.memory_space<smem>>) -> (i32, i32, i32) {
    %get3A = arith.index_cast %arg0 : i32 to index
    %get3A_0 = memref.load %arg1[%get3A] : memref<33xi32, #tpu.memory_space<smem>>
    %max3A = arith.constant 0 : i32
    %max3A_1 = arith.maxsi %get3A_0, %max3A : i32
    %jit3A = arith.constant 2 : i32
    %div3A = arith.divsi %max3A_1, %jit3A : i32
    %sign3A = arith.constant 0 : i32
    %sign3A_2 = arith.cmpi sgt, %max3A_1, %sign3A : i32
    %sign3A_3 = arith.extui %sign3A_2 : i1 to i32
    %sign3A_4 = arith.constant 0 : i32
    %sign3A_5 = arith.cmpi slt, %max3A_1, %sign3A_4 : i32
    %sign3A_6 = arith.extui %sign3A_5 : i1 to i32
    %sign3A_7 = arith.subi %sign3A_3, %sign3A_6 : i32
    %sign3A_8 = arith.constant 0 : i32
    %sign3A_9 = arith.cmpi sgt, %jit3A, %sign3A_8 : i32
    %sign3A_10 = arith.extui %sign3A_9 : i1 to i32
    %sign3A_11 = arith.constant 0 : i32
    %sign3A_12 = arith.cmpi slt, %jit3A, %sign3A_11 : i32
    %sign3A_13 = arith.extui %sign3A_12 : i1 to i32
    %sign3A_14 = arith.subi %sign3A_10, %sign3A_13 : i32
    %ne3A = arith.cmpi ne, %sign3A_7, %sign3A_14 : i32
    %rem3A = arith.remsi %max3A_1, %jit3A : i32
    %ne3A_15 = arith.constant 0 : i32
    %ne3A_16 = arith.cmpi ne, %rem3A, %ne3A_15 : i32
    %and3A = arith.andi %ne3A, %ne3A_16 : i1
    %sub3A = arith.constant 1 : i32
    %sub3A_17 = arith.subi %div3A, %sub3A : i32
    %select_n3A = arith.select %and3A, %sub3A_17, %div3A : i32
    %c0_i32 = arith.constant 0 : i32
    %c0_i32_18 = arith.constant 0 : i32
    %c0_i32_19 = arith.constant 0 : i32
    return %select_n3A, %c0_i32, %c0_i32_18 : i32, i32, i32
  }
  func.func @transform_6(%arg0: i32, %arg1: memref<33xi32, #tpu.memory_space<smem>>, %arg2: memref<16xi32, #tpu.memory_space<smem>>, %arg3: memref<16xi32, #tpu.memory_space<smem>>, %arg4: memref<16xi32, #tpu.memory_space<smem>>) -> (i32, i32, i32) {
    %get3A = arith.index_cast %arg0 : i32 to index
    %get3A_0 = memref.load %arg1[%get3A] : memref<33xi32, #tpu.memory_space<smem>>
    %max3A = arith.constant 0 : i32
    %max3A_1 = arith.maxsi %get3A_0, %max3A : i32
    %jit3A = arith.constant 2 : i32
    %div3A = arith.divsi %max3A_1, %jit3A : i32
    %sign3A = arith.constant 0 : i32
    %sign3A_2 = arith.cmpi sgt, %max3A_1, %sign3A : i32
    %sign3A_3 = arith.extui %sign3A_2 : i1 to i32
    %sign3A_4 = arith.constant 0 : i32
    %sign3A_5 = arith.cmpi slt, %max3A_1, %sign3A_4 : i32
    %sign3A_6 = arith.extui %sign3A_5 : i1 to i32
    %sign3A_7 = arith.subi %sign3A_3, %sign3A_6 : i32
    %sign3A_8 = arith.constant 0 : i32
    %sign3A_9 = arith.cmpi sgt, %jit3A, %sign3A_8 : i32
    %sign3A_10 = arith.extui %sign3A_9 : i1 to i32
    %sign3A_11 = arith.constant 0 : i32
    %sign3A_12 = arith.cmpi slt, %jit3A, %sign3A_11 : i32
    %sign3A_13 = arith.extui %sign3A_12 : i1 to i32
    %sign3A_14 = arith.subi %sign3A_10, %sign3A_13 : i32
    %ne3A = arith.cmpi ne, %sign3A_7, %sign3A_14 : i32
    %rem3A = arith.remsi %max3A_1, %jit3A : i32
    %ne3A_15 = arith.constant 0 : i32
    %ne3A_16 = arith.cmpi ne, %rem3A, %ne3A_15 : i32
    %and3A = arith.andi %ne3A, %ne3A_16 : i1
    %sub3A = arith.constant 1 : i32
    %sub3A_17 = arith.subi %div3A, %sub3A : i32
    %select_n3A = arith.select %and3A, %sub3A_17, %div3A : i32
    %c0_i32 = arith.constant 0 : i32
    %c0_i32_18 = arith.constant 0 : i32
    %c0_i32_19 = arith.constant 0 : i32
    return %select_n3A, %c0_i32, %c0_i32_18 : i32, i32, i32
  }
  func.func @transform_7(%arg0: i32, %arg1: memref<33xi32, #tpu.memory_space<smem>>, %arg2: memref<16xi32, #tpu.memory_space<smem>>, %arg3: memref<16xi32, #tpu.memory_space<smem>>, %arg4: memref<16xi32, #tpu.memory_space<smem>>) -> (i32, i32, i32) {
    %get3A = arith.index_cast %arg0 : i32 to index
    %get3A_0 = memref.load %arg1[%get3A] : memref<33xi32, #tpu.memory_space<smem>>
    %max3A = arith.constant 0 : i32
    %max3A_1 = arith.maxsi %get3A_0, %max3A : i32
    %jit3A = arith.constant 2 : i32
    %div3A = arith.divsi %max3A_1, %jit3A : i32
    %sign3A = arith.constant 0 : i32
    %sign3A_2 = arith.cmpi sgt, %max3A_1, %sign3A : i32
    %sign3A_3 = arith.extui %sign3A_2 : i1 to i32
    %sign3A_4 = arith.constant 0 : i32
    %sign3A_5 = arith.cmpi slt, %max3A_1, %sign3A_4 : i32
    %sign3A_6 = arith.extui %sign3A_5 : i1 to i32
    %sign3A_7 = arith.subi %sign3A_3, %sign3A_6 : i32
    %sign3A_8 = arith.constant 0 : i32
    %sign3A_9 = arith.cmpi sgt, %jit3A, %sign3A_8 : i32
    %sign3A_10 = arith.extui %sign3A_9 : i1 to i32
    %sign3A_11 = arith.constant 0 : i32
    %sign3A_12 = arith.cmpi slt, %jit3A, %sign3A_11 : i32
    %sign3A_13 = arith.extui %sign3A_12 : i1 to i32
    %sign3A_14 = arith.subi %sign3A_10, %sign3A_13 : i32
    %ne3A = arith.cmpi ne, %sign3A_7, %sign3A_14 : i32
    %rem3A = arith.remsi %max3A_1, %jit3A : i32
    %ne3A_15 = arith.constant 0 : i32
    %ne3A_16 = arith.cmpi ne, %rem3A, %ne3A_15 : i32
    %and3A = arith.andi %ne3A, %ne3A_16 : i1
    %sub3A = arith.constant 1 : i32
    %sub3A_17 = arith.subi %div3A, %sub3A : i32
    %select_n3A = arith.select %and3A, %sub3A_17, %div3A : i32
    %c0_i32 = arith.constant 0 : i32
    %c0_i32_18 = arith.constant 0 : i32
    %c0_i32_19 = arith.constant 0 : i32
    return %select_n3A, %c0_i32, %c0_i32_18 : i32, i32, i32
  }
  func.func @transform_8(%arg0: i32, %arg1: memref<33xi32, #tpu.memory_space<smem>>, %arg2: memref<16xi32, #tpu.memory_space<smem>>, %arg3: memref<16xi32, #tpu.memory_space<smem>>, %arg4: memref<16xi32, #tpu.memory_space<smem>>) -> (i32, i32, i32) {
    %get3A = arith.index_cast %arg0 : i32 to index
    %get3A_0 = memref.load %arg1[%get3A] : memref<33xi32, #tpu.memory_space<smem>>
    %max3A = arith.constant 0 : i32
    %max3A_1 = arith.maxsi %get3A_0, %max3A : i32
    %jit3A = arith.constant 2 : i32
    %div3A = arith.divsi %max3A_1, %jit3A : i32
    %sign3A = arith.constant 0 : i32
    %sign3A_2 = arith.cmpi sgt, %max3A_1, %sign3A : i32
    %sign3A_3 = arith.extui %sign3A_2 : i1 to i32
    %sign3A_4 = arith.constant 0 : i32
    %sign3A_5 = arith.cmpi slt, %max3A_1, %sign3A_4 : i32
    %sign3A_6 = arith.extui %sign3A_5 : i1 to i32
    %sign3A_7 = arith.subi %sign3A_3, %sign3A_6 : i32
    %sign3A_8 = arith.constant 0 : i32
    %sign3A_9 = arith.cmpi sgt, %jit3A, %sign3A_8 : i32
    %sign3A_10 = arith.extui %sign3A_9 : i1 to i32
    %sign3A_11 = arith.constant 0 : i32
    %sign3A_12 = arith.cmpi slt, %jit3A, %sign3A_11 : i32
    %sign3A_13 = arith.extui %sign3A_12 : i1 to i32
    %sign3A_14 = arith.subi %sign3A_10, %sign3A_13 : i32
    %ne3A = arith.cmpi ne, %sign3A_7, %sign3A_14 : i32
    %rem3A = arith.remsi %max3A_1, %jit3A : i32
    %ne3A_15 = arith.constant 0 : i32
    %ne3A_16 = arith.cmpi ne, %rem3A, %ne3A_15 : i32
    %and3A = arith.andi %ne3A, %ne3A_16 : i1
    %sub3A = arith.constant 1 : i32
    %sub3A_17 = arith.subi %div3A, %sub3A : i32
    %select_n3A = arith.select %and3A, %sub3A_17, %div3A : i32
    %c0_i32 = arith.constant 0 : i32
    %c0_i32_18 = arith.constant 0 : i32
    %c0_i32_19 = arith.constant 0 : i32
    return %select_n3A, %c0_i32, %c0_i32_18 : i32, i32, i32
  }
  func.func @transform_9(%arg0: i32, %arg1: memref<33xi32, #tpu.memory_space<smem>>, %arg2: memref<16xi32, #tpu.memory_space<smem>>, %arg3: memref<16xi32, #tpu.memory_space<smem>>, %arg4: memref<16xi32, #tpu.memory_space<smem>>) -> (i32, i32, i32) {
    %get3A = arith.index_cast %arg0 : i32 to index
    %get3A_0 = memref.load %arg1[%get3A] : memref<33xi32, #tpu.memory_space<smem>>
    %max3A = arith.constant 0 : i32
    %max3A_1 = arith.maxsi %get3A_0, %max3A : i32
    %jit3A = arith.constant 2 : i32
    %div3A = arith.divsi %max3A_1, %jit3A : i32
    %sign3A = arith.constant 0 : i32
    %sign3A_2 = arith.cmpi sgt, %max3A_1, %sign3A : i32
    %sign3A_3 = arith.extui %sign3A_2 : i1 to i32
    %sign3A_4 = arith.constant 0 : i32
    %sign3A_5 = arith.cmpi slt, %max3A_1, %sign3A_4 : i32
    %sign3A_6 = arith.extui %sign3A_5 : i1 to i32
    %sign3A_7 = arith.subi %sign3A_3, %sign3A_6 : i32
    %sign3A_8 = arith.constant 0 : i32
    %sign3A_9 = arith.cmpi sgt, %jit3A, %sign3A_8 : i32
    %sign3A_10 = arith.extui %sign3A_9 : i1 to i32
    %sign3A_11 = arith.constant 0 : i32
    %sign3A_12 = arith.cmpi slt, %jit3A, %sign3A_11 : i32
    %sign3A_13 = arith.extui %sign3A_12 : i1 to i32
    %sign3A_14 = arith.subi %sign3A_10, %sign3A_13 : i32
    %ne3A = arith.cmpi ne, %sign3A_7, %sign3A_14 : i32
    %rem3A = arith.remsi %max3A_1, %jit3A : i32
    %ne3A_15 = arith.constant 0 : i32
    %ne3A_16 = arith.cmpi ne, %rem3A, %ne3A_15 : i32
    %and3A = arith.andi %ne3A, %ne3A_16 : i1
    %sub3A = arith.constant 1 : i32
    %sub3A_17 = arith.subi %div3A, %sub3A : i32
    %select_n3A = arith.select %and3A, %sub3A_17, %div3A : i32
    %c0_i32 = arith.constant 0 : i32
    %c0_i32_18 = arith.constant 0 : i32
    %c0_i32_19 = arith.constant 0 : i32
    return %select_n3A, %c0_i32, %c0_i32_18 : i32, i32, i32
  }
  func.func @transform_10(%arg0: i32, %arg1: memref<33xi32, #tpu.memory_space<smem>>, %arg2: memref<16xi32, #tpu.memory_space<smem>>, %arg3: memref<16xi32, #tpu.memory_space<smem>>, %arg4: memref<16xi32, #tpu.memory_space<smem>>) -> (i32, i32, i32) {
    %get3A = arith.index_cast %arg0 : i32 to index
    %get3A_0 = memref.load %arg1[%get3A] : memref<33xi32, #tpu.memory_space<smem>>
    %max3A = arith.constant 0 : i32
    %max3A_1 = arith.maxsi %get3A_0, %max3A : i32
    %jit3A = arith.constant 2 : i32
    %div3A = arith.divsi %max3A_1, %jit3A : i32
    %sign3A = arith.constant 0 : i32
    %sign3A_2 = arith.cmpi sgt, %max3A_1, %sign3A : i32
    %sign3A_3 = arith.extui %sign3A_2 : i1 to i32
    %sign3A_4 = arith.constant 0 : i32
    %sign3A_5 = arith.cmpi slt, %max3A_1, %sign3A_4 : i32
    %sign3A_6 = arith.extui %sign3A_5 : i1 to i32
    %sign3A_7 = arith.subi %sign3A_3, %sign3A_6 : i32
    %sign3A_8 = arith.constant 0 : i32
    %sign3A_9 = arith.cmpi sgt, %jit3A, %sign3A_8 : i32
    %sign3A_10 = arith.extui %sign3A_9 : i1 to i32
    %sign3A_11 = arith.constant 0 : i32
    %sign3A_12 = arith.cmpi slt, %jit3A, %sign3A_11 : i32
    %sign3A_13 = arith.extui %sign3A_12 : i1 to i32
    %sign3A_14 = arith.subi %sign3A_10, %sign3A_13 : i32
    %ne3A = arith.cmpi ne, %sign3A_7, %sign3A_14 : i32
    %rem3A = arith.remsi %max3A_1, %jit3A : i32
    %ne3A_15 = arith.constant 0 : i32
    %ne3A_16 = arith.cmpi ne, %rem3A, %ne3A_15 : i32
    %and3A = arith.andi %ne3A, %ne3A_16 : i1
    %sub3A = arith.constant 1 : i32
    %sub3A_17 = arith.subi %div3A, %sub3A : i32
    %select_n3A = arith.select %and3A, %sub3A_17, %div3A : i32
    %c0_i32 = arith.constant 0 : i32
    %c0_i32_18 = arith.constant 0 : i32
    %c0_i32_19 = arith.constant 0 : i32
    return %select_n3A, %c0_i32, %c0_i32_18 : i32, i32, i32
  }
  func.func @transform_11(%arg0: i32, %arg1: memref<33xi32, #tpu.memory_space<smem>>, %arg2: memref<16xi32, #tpu.memory_space<smem>>, %arg3: memref<16xi32, #tpu.memory_space<smem>>, %arg4: memref<16xi32, #tpu.memory_space<smem>>) -> (i32, i32, i32) {
    %get3A = arith.index_cast %arg0 : i32 to index
    %get3A_0 = memref.load %arg1[%get3A] : memref<33xi32, #tpu.memory_space<smem>>
    %max3A = arith.constant 0 : i32
    %max3A_1 = arith.maxsi %get3A_0, %max3A : i32
    %jit3A = arith.constant 2 : i32
    %div3A = arith.divsi %max3A_1, %jit3A : i32
    %sign3A = arith.constant 0 : i32
    %sign3A_2 = arith.cmpi sgt, %max3A_1, %sign3A : i32
    %sign3A_3 = arith.extui %sign3A_2 : i1 to i32
    %sign3A_4 = arith.constant 0 : i32
    %sign3A_5 = arith.cmpi slt, %max3A_1, %sign3A_4 : i32
    %sign3A_6 = arith.extui %sign3A_5 : i1 to i32
    %sign3A_7 = arith.subi %sign3A_3, %sign3A_6 : i32
    %sign3A_8 = arith.constant 0 : i32
    %sign3A_9 = arith.cmpi sgt, %jit3A, %sign3A_8 : i32
    %sign3A_10 = arith.extui %sign3A_9 : i1 to i32
    %sign3A_11 = arith.constant 0 : i32
    %sign3A_12 = arith.cmpi slt, %jit3A, %sign3A_11 : i32
    %sign3A_13 = arith.extui %sign3A_12 : i1 to i32
    %sign3A_14 = arith.subi %sign3A_10, %sign3A_13 : i32
    %ne3A = arith.cmpi ne, %sign3A_7, %sign3A_14 : i32
    %rem3A = arith.remsi %max3A_1, %jit3A : i32
    %ne3A_15 = arith.constant 0 : i32
    %ne3A_16 = arith.cmpi ne, %rem3A, %ne3A_15 : i32
    %and3A = arith.andi %ne3A, %ne3A_16 : i1
    %sub3A = arith.constant 1 : i32
    %sub3A_17 = arith.subi %div3A, %sub3A : i32
    %select_n3A = arith.select %and3A, %sub3A_17, %div3A : i32
    %c0_i32 = arith.constant 0 : i32
    %c0_i32_18 = arith.constant 0 : i32
    %c0_i32_19 = arith.constant 0 : i32
    return %select_n3A, %c0_i32, %c0_i32_18 : i32, i32, i32
  }
  func.func @transform_12(%arg0: i32, %arg1: memref<33xi32, #tpu.memory_space<smem>>, %arg2: memref<16xi32, #tpu.memory_space<smem>>, %arg3: memref<16xi32, #tpu.memory_space<smem>>, %arg4: memref<16xi32, #tpu.memory_space<smem>>) -> (i32, i32) {
    %c0_i32 = arith.constant 0 : i32
    %c0_i32_0 = arith.constant 0 : i32
    return %arg0, %c0_i32 : i32, i32
  }
}

module attributes {stable_mosaic.version = 14 : i64} {
  func.func @_combine_kernel(%arg0: i32, %arg1: memref<1024x768xf32, #tpu.memory_space<vmem>>, %arg2: memref<1024x768xf32, #tpu.memory_space<vmem>>, %arg3: memref<1024x2xf32, #tpu.memory_space<vmem>>, %arg4: memref<1024x768xf32, #tpu.memory_space<vmem>>) attributes {dimension_semantics = [#tpu.dimension_semantics<arbitrary>], iteration_bounds = array<i64: 2>, scalar_prefetch = 0 : i64, scratch_operands = 0 : i64, tpu.core_type = #tpu.core_type<tc>, window_params = [{transform_indices = @transform_0, window_bounds = array<i64: 1024, 768>}, {transform_indices = @transform_1, window_bounds = array<i64: 1024, 768>}, {transform_indices = @transform_2, window_bounds = array<i64: 1024, 2>}, {transform_indices = @transform_3, window_bounds = array<i64: 1024, 768>}]} {
    %get3A = arith.constant 0 : index
    %get3A_0 = arith.constant 0 : index
    %get3A_1 = vector.load %arg3[%get3A, %get3A_0] : memref<1024x2xf32, #tpu.memory_space<vmem>>, vector<1024x2xf32>
    %iota3A = tpu.iota {dimensions = array<i32: 1>} : vector<1024x2xi32>
    %eq3A = arith.constant 0 : i32
    %eq3A_2 = vector.broadcast %eq3A : i32 to vector<1024x2xi32>
    %eq3A_3 = arith.cmpi eq, %iota3A, %eq3A_2 : vector<1024x2xi32>
    %jit3A = arith.constant 0.000000e+00 : f32
    %broadcast_in_dim3A = vector.broadcast %jit3A : f32 to vector<1024x2xf32>
    %select_n3A = arith.select %eq3A_3, %get3A_1, %broadcast_in_dim3A : vector<1024x2xi1>, vector<1024x2xf32>
    %reduce_sum3A = arith.constant dense<0.000000e+00> : vector<1024xf32>
    %reduce_sum3A_4 = vector.multi_reduction <add>, %select_n3A, %reduce_sum3A [1] : vector<1024x2xf32> to vector<1024xf32>
    %broadcast_in_dim3A_5 = vector.shape_cast %reduce_sum3A_4 : vector<1024xf32> to vector<1024x1xf32>
    %get3A_6 = arith.constant 0 : index
    %get3A_7 = arith.constant 0 : index
    %get3A_8 = vector.load %arg1[%get3A_6, %get3A_7] : memref<1024x768xf32, #tpu.memory_space<vmem>>, vector<1024x768xf32>
    %mul3A = vector.broadcast %broadcast_in_dim3A_5 : vector<1024x1xf32> to vector<1024x768xf32>
    %mul3A_9 = arith.mulf %mul3A, %get3A_8 : vector<1024x768xf32>
    %get3A_10 = arith.constant 0 : index
    %get3A_11 = arith.constant 0 : index
    %get3A_12 = vector.load %arg3[%get3A_10, %get3A_11] : memref<1024x2xf32, #tpu.memory_space<vmem>>, vector<1024x2xf32>
    %iota3A_13 = tpu.iota {dimensions = array<i32: 1>} : vector<1024x2xi32>
    %eq3A_14 = arith.constant 1 : i32
    %eq3A_15 = vector.broadcast %eq3A_14 : i32 to vector<1024x2xi32>
    %eq3A_16 = arith.cmpi eq, %iota3A_13, %eq3A_15 : vector<1024x2xi32>
    %jit3A_17 = arith.constant 0.000000e+00 : f32
    %broadcast_in_dim3A_18 = vector.broadcast %jit3A_17 : f32 to vector<1024x2xf32>
    %select_n3A_19 = arith.select %eq3A_16, %get3A_12, %broadcast_in_dim3A_18 : vector<1024x2xi1>, vector<1024x2xf32>
    %reduce_sum3A_20 = arith.constant dense<0.000000e+00> : vector<1024xf32>
    %reduce_sum3A_21 = vector.multi_reduction <add>, %select_n3A_19, %reduce_sum3A_20 [1] : vector<1024x2xf32> to vector<1024xf32>
    %broadcast_in_dim3A_22 = vector.shape_cast %reduce_sum3A_21 : vector<1024xf32> to vector<1024x1xf32>
    %get3A_23 = arith.constant 0 : index
    %get3A_24 = arith.constant 0 : index
    %get3A_25 = vector.load %arg2[%get3A_23, %get3A_24] : memref<1024x768xf32, #tpu.memory_space<vmem>>, vector<1024x768xf32>
    %mul3A_26 = vector.broadcast %broadcast_in_dim3A_22 : vector<1024x1xf32> to vector<1024x768xf32>
    %mul3A_27 = arith.mulf %mul3A_26, %get3A_25 : vector<1024x768xf32>
    %add3A = arith.addf %mul3A_9, %mul3A_27 : vector<1024x768xf32>
    %swap3A = arith.constant 0 : index
    %swap3A_28 = arith.constant 0 : index
    %swap3A_29 = vector.load %arg4[%swap3A, %swap3A_28] : memref<1024x768xf32, #tpu.memory_space<vmem>>, vector<1024x768xf32>
    tpu.vector_store %arg4[%swap3A, %swap3A_28], %add3A {strides = array<i32>} : memref<1024x768xf32, #tpu.memory_space<vmem>>, vector<1024x768xf32>,
    return
  }
  func.func @transform_0(%arg0: i32) -> (i32, i32) {
    %c0_i32 = arith.constant 0 : i32
    %c0_i32_0 = arith.constant 0 : i32
    return %arg0, %c0_i32 : i32, i32
  }
  func.func @transform_1(%arg0: i32) -> (i32, i32) {
    %add3A = arith.constant 2 : i32
    %add3A_0 = arith.addi %arg0, %add3A : i32
    %c0_i32 = arith.constant 0 : i32
    %c0_i32_1 = arith.constant 0 : i32
    return %add3A_0, %c0_i32 : i32, i32
  }
  func.func @transform_2(%arg0: i32) -> (i32, i32) {
    %c0_i32 = arith.constant 0 : i32
    %c0_i32_0 = arith.constant 0 : i32
    return %arg0, %c0_i32 : i32, i32
  }
  func.func @transform_3(%arg0: i32) -> (i32, i32) {
    %c0_i32 = arith.constant 0 : i32
    %c0_i32_0 = arith.constant 0 : i32
    return %arg0, %c0_i32 : i32, i32
  }
}

</mosaic_0001>

<sc_bundles>
// kernel: kernel.11.cloned.1.call-start
scs
__scs_entry_jumppad:
0x0: {  	(pc) =	sbr.rel $0x88, $3  }
0x1: {  	(tag) =	ssettag $0x0;
	lr =	simm.s32 $0x1  }
0x2: {  	[smem:$0x3F92] =	sst lr;
	_ =	strace $0xD0000000  }
0x3: {  	_ = 	snop  }
0x4: {  	_ = 	snop  }
0x5: {  	_ = 	snop  }
0x6: {  	_ = 	snop  }
0x7: {  	_ = 	snop  }
__scs_overlays_trampoline_lowered:
0x8: {  	[smem:$0x3FA1] =	sst s0  }
0x9: {  	[smem:$0x3FA2] =	sst s1  }
0xa: {  	[smem:$0x3FA3] =	sst s2  }
0xb: {  	[smem:$0x3FA4] =	sst s3  }
0xc: {  	[smem:$0x3FA5] =	sst s4  }
0xd: {  	[smem:$0x3FA6] =	sst s5  }
0xe: {  	[smem:$0x3FA7] =	sst s6  }
0xf: {  	[smem:$0x3FA8] =	sst s7  }
0x10: {  	[smem:$0x3FA9] =	sst s8  }
0x11: {  	[smem:$0x3FAA] =	sst s9;
	s0 =	simm.s32 @!p0 $0x0  }
0x12: {  	s1 =	sld [smem:$0x3F90];
	s0 =	simm.s32 @p0 $0x1  }
0x13: {  	[smem:$0x3FAB] =	sst s0;
	s0 =	simm.s32 @!p1 $0x0  }
0x14: {  	s2 =	sld [smem:$0x3F8F];
	s0 =	simm.s32 @p1 $0x1  }
0x15: {  	[smem:$0x3FAC] =	sst s0;
	s0 =	simm.s32 @!p2 $0x0  }
0x16: {  	s3 =	sld [smem:$0x3FDB];
	s0 =	simm.s32 @p2 $0x1  }
0x17: {  	s4 =	simm.s32 $0x1BF5;
	[smem:$0x3FAE] =	sst s0  }
0x18: {  	s0 =	sld [smem:$0x3F91];
	_ =	swait.ge [sflag:s4], $0x0  }
0x19: {  	s7 =	sld [smem:$0x3F92]  }
0x1a: {  	s8 =	sadd.s32 $0xFFFFE003, lr  }
0x1b: {  	s9 =	sadd.s32 $0xFFFFFEF7, lr;
	s5 =	simm.s32 $0xFFFFFFFF;
	p2 =	slt.u32 s8, $0xFFFFF086  }
0x1c: {  	p1 =	slt.u32 s9, $0xF7A;
	s5 =	simm.s32 @!p2 $0x0  }
0x1d: {  	s5 =	simm.s32 @p1 $0x1;
	p0 =	seq.s32 s7, s2  }
0x1e: {  	s7 =	smul.u32 @!p0 $0xF7A, s2;
	p2 =	seq.s32 @!p0 s5, $0x0  }
0x1f: {  	s9 =	smul.u32 $0xF7A, s1;
	s8 =	simm.s32 @!p0 $0x1BF5;
	p2 =	por !p2, p0  }
0x20: {  	[sflag:s8] =	ssyncset.s32 @!p0 $0xFFFFF086;
	s6 =	sadd.s32 @!p0 s3, s7;
	s7 =	simm.s32 @!p0 $0x108  }
0x21: {  	s3 =	sadd.s32 s3, s9;
	s6 =	sadd.s32 @!p0 $0x88, s6;
	s7 =	simm.s32 @p2 $0x1082  }
0x22: {  	[simem:s7], [sflag:s8] =	dma.local @!p0 [hbm:s6], $0xF7A  }
0x23: {  	s9 =	sor.u32 $0xD0000000, s2;
	s6 =	simm.s32 $0x108;
	_ =	swait.ge @!p0 [sflag:s8], $0x0  }
0x24: {  	s3 =	sadd.s32 $0x88, s3;
	s6 =	simm.s32 @!p1 $0x1082;
	[sflag:s4] =	ssyncset.s32 $0xFFFFF086  }
0x25: {  	[simem:s6], [sflag:s4] =	dma.local [hbm:s3], $0xF7A  }
0x26: {  	[smem:$0x3F92] =	sst s1;
	(tag) =	ssettag s2;
	_ =	strace s9  }
0x27: {  	s1 =	sld [smem:$0x3FA2]  }
0x28: {  	s2 =	sld [smem:$0x3FA3]  }
0x29: {  	s4 =	sld [smem:$0x3FA5]  }
0x2a: {  	p0 =	seq.s32 s5, $0x0;
	s5 =	sld [smem:$0x3FA6]  }
0x2b: {  	s6 =	sld [smem:$0x3FA7]  }
0x2c: {  	s7 =	sld [smem:$0x3FA8]  }
0x2d: {  	s3 =	simm.s32 $0x108;
	s8 =	sld [smem:$0x3FA9]  }
0x2e: {  	s3 =	simm.s32 @!p0 $0x1082;
	s9 =	sld [smem:$0x3FAA]  }
0x2f: {  	lr =	sadd.s32 s0, s3;
	s0 =	sld [smem:$0x3FA1]  }
0x30: {  	s3 =	sld [smem:$0x3FA4]  }
0x31: {  	[smem:$0x3FAD] =	sst s10  }
0x32: {  	s10 =	sld [smem:$0x3FAB];
	_ =	sdelay $0x3  }
0x33: {  	p0 =	seq.s32 s10, $0x1;
	s10 =	sld [smem:$0x3FAD];
	_ =	sdelay $0x3  }
0x34: {  	[smem:$0x3FAD] =	sst s10  }
0x35: {  	s10 =	sld [smem:$0x3FAC];
	_ =	sdelay $0x3  }
0x36: {  	p1 =	seq.s32 s10, $0x1;
	s10 =	sld [smem:$0x3FAD];
	_ =	sdelay $0x3  }
0x37: {  	[smem:$0x3FAD] =	sst s10  }
0x38: {  	s10 =	sld [smem:$0x3FAE]  }
0x39: {  	_ = 	snop;
	(pc) =	sbr.ind lr, $3  }
0x3a: {  	_ = 	snop  }
0x3b: {  	_ = 	snop  }
0x3c: {  	p2 =	seq.s32 s10, $0x1;
	s10 =	sld [smem:$0x3FAD]  }
0x3d: {  	_ =	shalt  }
0x3e: {  	_ =	shalt  }
0x3f: {  	_ =	shalt  }
0x40: {  	_ =	shalt  }
0x41: {  	_ =	shalt  }
0x42: {  	_ =	shalt  }
0x43: {  	_ =	shalt  }
0x44: {  	_ =	shalt  }
0x45: {  	_ =	shalt  }
0x46: {  	_ =	shalt  }
0x47: {  	_ =	shalt  }
0x48: {  	_ =	shalt  }
0x49: {  	_ =	shalt  }
0x4a: {  	_ =	shalt  }
0x4b: {  	_ =	shalt  }
0x4c: {  	_ =	shalt  }
0x4d: {  	_ =	shalt  }
0x4e: {  	_ =	shalt  }
0x4f: {  	_ =	shalt  }
0x50: {  	_ =	shalt  }
0x51: {  	_ =	shalt  }
0x52: {  	_ =	shalt  }
0x53: {  	_ =	shalt  }
0x54: {  	_ =	shalt  }
0x55: {  	_ =	shalt  }
0x56: {  	_ =	shalt  }
0x57: {  	_ =	shalt  }
0x58: {  	_ =	shalt  }
0x59: {  	_ =	shalt  }
0x5a: {  	_ =	shalt  }
0x5b: {  	_ =	shalt  }
0x5c: {  	_ =	shalt  }
0x5d: {  	_ =	shalt  }
0x5e: {  	_ =	shalt  }
0x5f: {  	_ =	shalt  }
0x60: {  	_ =	shalt  }
0x61: {  	_ =	shalt  }
0x62: {  	_ =	shalt  }
0x63: {  	_ =	shalt  }
0x64: {  	_ =	shalt  }
0x65: {  	_ =	shalt  }
0x66: {  	_ =	shalt  }
0x67: {  	_ =	shalt  }
0x68: {  	_ =	shalt  }
0x69: {  	_ =	shalt  }
0x6a: {  	_ =	shalt  }
0x6b: {  	_ =	shalt  }
0x6c: {  	_ =	shalt  }
0x6d: {  	_ =	shalt  }
0x6e: {  	_ =	shalt  }
0x6f: {  	_ =	shalt  }
0x70: {  	_ =	shalt  }
0x71: {  	_ =	shalt  }
0x72: {  	_ =	shalt  }
0x73: {  	_ =	shalt  }
0x74: {  	_ =	shalt  }
0x75: {  	_ =	shalt  }
0x76: {  	_ =	shalt  }
0x77: {  	_ =	shalt  }
0x78: {  	_ =	shalt  }
0x79: {  	_ =	shalt  }
0x7a: {  	_ =	shalt  }
0x7b: {  	_ =	shalt  }
0x7c: {  	_ =	shalt  }
0x7d: {  	_ =	shalt  }
0x7e: {  	_ =	shalt  }
0x7f: {  	_ =	shalt  }
0x80: {  	_ =	shalt  }
0x81: {  	_ =	shalt  }
0x82: {  	_ =	shalt  }
0x83: {  	_ =	shalt  }
0x84: {  	_ =	shalt  }
0x85: {  	_ =	shalt  }
0x86: {  	_ =	shalt  }
0x87: {  	_ =	shalt  }
.Lfunc_end0:
.L_simem_size_0:
called_computation.1_lowered:
.L_overlay_start_0:
0x88: {  	s2 =	sld [smem:$0x3FD9]  }
0x89: {  	s3 =	sld [smem:$0x3FFE];
	_ =	sdelay $0x1  }
0x8a: {  	s1 =	srdreg.scid  }
0x8b: {  	s0 =	sand.u32 $0x1, s1  }
0x8c: {  	s16 =	sshll.u32 s0, $0xA;
	s2 =	sadd.s32 s3, s2  }
0x8d: {  	s2 =	sadd.s32 s2, s16  }
0x8e: {  	[smem:$0x3FB9] =	sst s2  }
0x8f: {  	_ = 	snop  }
0x90: {  	(tm) =	ssettm $0x1  }
0x91: {  	s17 =	sld [smem:$0x3FFB];
	_ =	sdelay $0x3  }
0x92: {  	_ =	strace s17  }
0x93: {  	s2 =	sld [smem:$0x3FFC];
	_ =	sdelay $0x3  }
0x94: {  	_ =	strace s2  }
0x95: {  	s2 =	sld [smem:$0x3FFD];
	_ =	sdelay $0x3  }
0x96: {  	_ =	strace s2  }
0x97: {  	_ =	strace $0x8FFFFFFF  }
0x98: {  	s18 =	sld [smem:$0x3FDB];
	_ =	sdelay $0x1  }
0x99: {  	s19 =	simm.s32 $_scs_section_size  }
0x9a: {  	s4 =	simm.s32 $_size__tile_overlayer_lowered;
	s5 =	simm.s32 $_tile_overlayer_lowered  }
0x9b: {  	s22 =	simm.s32 $0x1BFF;
	s21 =	sshll.u32 s5, $0x1;
	s2 =	sadd.s32 s19, s18  }
0x9c: {  	s6 =	simm.s32 $0x0;
	s20 =	sshll.u32 s4, $0x1;
	s4 =	sadd.s32 s21, s2  }
0x9d: {  	[timem:s6], [sflag:s22] =	dma.local [hbm:s4], s20  }
0x9e: {  	_ =	swait.ge [sflag:s22], s20  }
0x9f: {  	s3 =	ssub.s32 $0x0, s20;
	[sflag:s22] =	ssyncset.done $0x0  }
0xa0: {  	[sflag:s22] =	ssyncadd.s32 s3;
	_ =	sdelay $0x1  }
0xa1: {  	s23 =	simm.s32 $0x1B8B  }
0xa2: {  	_ =	swait.ge [sflag:s23], $0x1  }
0xa3: {  	[sflag:s23] =	ssyncset.done $0x0  }
0xa4: {  	s25 =	simm.s32 $0x1B8E;
	s24 =	sld [smem:$0x3FFE];
	[sflag:s23] =	ssyncadd.s32 $0xFFFFFFFF  }
0xa5: {  	s26 =	simm.s32 $execute0_lowered;
	[smem:$0x3FD2] =	sst s25  }
0xa6: {  	s4 =	sshll.u32 s26, $0x1;
	_ =	strace $0x80000049;
	[dreg:$0x1] =	wrdreg $0xFFFFFFFF  }
0xa7: {  	s28 =	simm.s32 $_size_execute0_lowered;
	s2 =	sadd.s32 s2, s4;
	[dreg:$0x0] =	wrdreg $0x0  }
0xa8: {  	s4 =	sshll.u32 s28, $0x1;
	[dreg:$0x2] =	wrdreg s2  }
0xa9: {  	[dreg:$0x3] =	wrdreg s4  }
0xaa: {  	[dreg:$0x4] =	wrdreg $0xC0  }
0xab: {  	_ =	task [dreg:s6], $0x5FFFF  }
0xac: {  	[dreg:$0x1] =	wrdreg $0xFFFFFFFF  }
0xad: {  	[dreg:$0x0] =	wrdreg $0x60  }
0xae: {  	[dreg:$0x2] =	wrdreg s24  }
0xaf: {  	[dreg:$0x3] =	wrdreg $0x9  }
0xb0: {  	_ =	task.clear_ibuf [dreg:s6], $0x4FFFF;
	_ =	strace $0x90000049  }
0xb1: {  	s29 =	simm.s32 $0x9;
	_ =	strace $0x8000004B  }
0xb2: {  	_ =	swait.ge [sflag:s29], $0x1  }
0xb3: {  	[sflag:s29] =	ssyncadd.s32 $0xFFFFFFFF  }
0xb4: {  	_ =	strace $0x9000004B  }
0xb5: {  	_ =	sfence  }
0xb6: {  	s30 =	sld [smem:$0x0];
	_ =	sdelay $0x2  }
0xb7: {  	s31 =	sshll.u32 s1, $0xD;
	s1 =	sshrl.u32 s1, $0x2  }
0xb8: {  	s3 =	sand.u32 $0x4000, s31;
	s1 =	sadd.s32 s1, s30  }
0xb9: {  	s0 =	sor.u32 s3, s0;
	s1 =	sshll.u32 s1, $0x11  }
0xba: {  	s0 =	sor.u32 s1, s0  }
0xbb: {  	s0 =	sadd.s32 $0x8F2B, s0  }
0xbc: {  	[sflag:s0] =	ssyncadd.remote.s32 $0x1  }
0xbd: {  	_ =	sfence.sel $0xFFFF  }
0xbe: {  	[dreg:$0x0] =	wrdreg $0xFFFFFFFF;
	(pc) =	sbr.abs _section_cstart, $3  }
0xbf: {  	[dreg:$0x1] =	wrdreg $0xFFFFFFFF  }
0xc0: {  	_ =	task.clear_ibuf [dreg:s6], $0x2FFFF;
	_ =	strace $0x9FFFFFFF  }
0xc1: {  	(tm) =	ssettm $0x7FFFFFFF  }
tec
execute0_lowered:
.L_overlay_start_1:
0x0: {  	(tag) =	ssettag $0x1  }
0x1: {  	s1 =	srdreg.scid;
	s0 =	stileid.u32  }
0x2: {  	s1 =	sand.u32 $0x1, s1;
	s2 =	sshll.u32 s0, $0x1  }
0x3: {  	s5 =	rddreg [dreg:$0x0];
	s3 =	sor.u32 s1, s2;
	s2 =	simm.s32 $0x0  }
0x4: {  	s26 =	simm.s32 $0x880;
	[smem:$0x7FF] =	sst s2  }
0x5: {  	s0 =	simm.s32 $0x1080;
	_ =	strace $0x8000004A;
	[dreg:$0x4] =	wrdreg s26  }
0x6: {  	s6 =	simm.s32 $0x2080;
	[dreg:$0x5] =	wrdreg s0  }
0x7: {  	s7 =	simm.s32 $0x2880;
	[dreg:$0x7] =	wrdreg s6  }
0x8: {  	s8 =	simm.s32 $0x3080;
	[dreg:$0x8] =	wrdreg s7  }
0x9: {  	s9 =	simm.s32 $0x3880;
	[dreg:$0x9] =	wrdreg s8  }
0xa: {  	s10 =	simm.s32 $0x4080;
	[dreg:$0xa] =	wrdreg s9  }
0xb: {  	s11 =	simm.s32 $0x4880;
	[dreg:$0xb] =	wrdreg s10  }
0xc: {  	s12 =	simm.s32 $0x5080;
	[dreg:$0xc] =	wrdreg s11  }
0xd: {  	s13 =	simm.s32 $0x5880;
	[dreg:$0xd] =	wrdreg s12  }
0xe: {  	s14 =	simm.s32 $0x6080;
	[dreg:$0xe] =	wrdreg s13  }
0xf: {  	s15 =	simm.s32 $0x6880;
	[dreg:$0xf] =	wrdreg s14  }
0x10: {  	s16 =	simm.s32 $0x7080;
	s17 =	simm.s32 $0x7880;
	[dreg:$0x10] =	wrdreg s15  }
0x11: {  	s18 =	simm.s32 $0x8080;
	s19 =	simm.s32 $0x8880;
	[dreg:$0x11] =	wrdreg s16  }
0x12: {  	s20 =	simm.s32 $0x9080;
	s21 =	simm.s32 $0x9880;
	[dreg:$0x12] =	wrdreg s17  }
0x13: {  	s22 =	simm.s32 $0xA080;
	s23 =	simm.s32 $0xA880;
	[dreg:$0x13] =	wrdreg s18  }
0x14: {  	s24 =	simm.s32 $0xB880;
	s25 =	simm.s32 $0xC080;
	[dreg:$0x14] =	wrdreg s19  }
0x15: {  	s28 =	simm.s32 $0x16080;
	s29 =	simm.s32 $0x16880;
	[dreg:$0x15] =	wrdreg s20  }
0x16: {  	s30 =	simm.s32 $0x17080;
	s31 =	simm.s32 $0x17880;
	[dreg:$0x16] =	wrdreg s21  }
0x17: {  	s1 =	ssub.s32 $0x2, s1;
	s4 =	sshll.u32 s3, $0x4;
	[dreg:$0x17] =	wrdreg s22  }
0x18: {  	s3 =	smul.u32 $0x3000, s3;
	s4 =	sadd.s32 s4, s5;
	[dreg:$0x18] =	wrdreg s23  }
0x19: {  	s6 =	sshrl.u32 s1, $0x1;
	s7 =	simm.s32 $0xB080;
	[dreg:$0x1a] =	wrdreg s24  }
0x1a: {  	s8 =	simm.s32 $0x80;
	[dreg:$0x1b] =	wrdreg s25;
	s26 =	simm.s32 $0xC880  }
0x1b: {  	s10 =	simm.s32 $0xD880;
	s11 =	simm.s32 $0xE080;
	s12 =	simm.s32 $0xE880  }
0x1c: {  	s13 =	simm.s32 $0xF080;
	s14 =	simm.s32 $0xF880;
	s15 =	simm.s32 $0x10080  }
0x1d: {  	s16 =	simm.s32 $0x10880;
	s17 =	simm.s32 $0x11080;
	s18 =	simm.s32 $0x11880  }
0x1e: {  	s19 =	simm.s32 $0x12080;
	s20 =	simm.s32 $0x12880;
	s21 =	simm.s32 $0x13080  }
0x1f: {  	s22 =	simm.s32 $0x13880;
	s23 =	simm.s32 $0x14080;
	s24 =	simm.s32 $0x14880  }
0x20: {  	s25 =	simm.s32 $0x15080;
	s3 =	sadd.s32 s3, s5;
	[dreg:$0x19] =	wrdreg s7  }
0x21: {  	s4 =	sadd.s32 $0x4400, s4;
	s1 =	ssub.s32 s1, s6;
	[dreg:$0x1c] =	wrdreg s26  }
0x22: {  	s7 =	simm.s32 $0x2;
	s26 =	simm.s32 $0x15880;
	[dreg:$0x2] =	wrdreg s4  }
0x23: {  	v2 =	vlaneseq.u32;
	s3 =	sadd.s32 $0x4600, s3;
	s4 =	simm.s32 $0x1880;
	s6 =	smax.u32 s1, $0x1  }
0x24: {  	vm0 =	vmmov $0xffff;
	v1 =	vshrl.u32 v2, $0x3;
	s1 =	simm.s32 $0x1;
	[dreg:$0x3] =	wrdreg s3;
	s3 =	sadd.s32 $0x4F2A00, s5  }
0x25: {  	v0 =	vand.u32 $0x7, v2;
	v2 =	vor.u32 $0x8, v2;
	v1 =	vmul.u32 $0x8, v1;
	[dreg:$0x6] =	wrdreg s4;
	s4 =	sadd.s32 $0x4F2B00, s5;
	s5 =	sadd.s32 $0x4F2C00, s5  }
.LBB2_1:
0x26: {  	s0 =	rddreg [dreg:$0x2]  }
0x27: {  	[tilespmem:s2], [sflag:$0x2] =	stream.linear.gather [hbm4b:s0+s2], $0x80, $0x38;
	[tilespmem:$0x18080] =	vst v63  }
0x28: {  	_ =	swait.ge [sflag:s7], $0x80  }
0x29: {  	[sflag:s7] =	ssyncset.done $0x0  }
0x2a: {  	[sflag:s7] =	ssyncadd.s32 $0xFFFFFF80  }
0x2b: {  	v3 =	vld [tilespmem:$0x0];
	_ =	sdelay $0x4  }
0x2c: {  	v4 =	vshrl.u32 v3, $0x3  }
0x2d: {  	v4 =	vmul.u32 $0x30, v4  }
0x2e: {  	v3 =	vand.u32 $0x7, v3  }
0x2f: {  	v3 =	vor.u32 v3, v4  }
0x30: {  	v4 =	vperm.xlane v3, v0;
	_ =	sdelay $0x1  }
0x31: {  	v4 =	vadd.s32 v1, v4;
	_ =	sdelay $0x3  }
0x32: {  	v3 =	vperm.xlane v3, v2  }
0x33: {  	[tilespmem:s8], [sflag:$0x1] =	stream.indirect_vreg.gather [hbm4b:s3+s2], $0x80, v4, vm0, $0xb8;
	[tilespmem:$0x18080] =	vst v63  }
0x34: {  	s0 =	rddreg [dreg:$0x4];
	v3 =	vadd.s32 v1, v3  }
0x35: {  	[tilespmem:s0], [sflag:$0x1] =	stream.indirect_vreg.gather [hbm4b:s4+s2], $0x80, v4, vm0, $0xb8;
	[tilespmem:$0x18080] =	vst v63  }
0x36: {  	s9 =	rddreg [dreg:$0x5]  }
0x37: {  	[tilespmem:s9], [sflag:$0x1] =	stream.indirect_vreg.gather [hbm4b:s5+s2], $0x80, v4, vm0, $0xb8;
	[tilespmem:$0x18080] =	vst v63  }
0x38: {  	s0 =	rddreg [dreg:$0x6]  }
0x39: {  	[tilespmem:s0], [sflag:$0x1] =	stream.indirect_vreg.gather [hbm4b:s3+s2], $0x80, v3, vm0, $0xb8;
	[tilespmem:$0x18080] =	vst v63  }
0x3a: {  	s9 =	rddreg [dreg:$0x7]  }
0x3b: {  	[tilespmem:s9], [sflag:$0x1] =	stream.indirect_vreg.gather [hbm4b:s4+s2], $0x80, v3, vm0, $0xb8;
	[tilespmem:$0x18080] =	vst v63  }
0x3c: {  	s0 =	rddreg [dreg:$0x8]  }
0x3d: {  	[tilespmem:s0], [sflag:$0x1] =	stream.indirect_vreg.gather [hbm4b:s5+s2], $0x80, v3, vm0, $0xb8;
	[tilespmem:$0x18080] =	vst v63  }
0x3e: {  	v3 =	vld [tilespmem:$0x10];
	_ =	sdelay $0x4  }
0x3f: {  	v57 =	vshrl.u32 v3, $0x3  }
0x40: {  	v4 =	vmul.u32 $0x30, v57  }
0x41: {  	v3 =	vand.u32 $0x7, v3  }
0x42: {  	v3 =	vor.u32 v3, v4  }
0x43: {  	v4 =	vperm.xlane v3, v0;
	_ =	sdelay $0x1  }
0x44: {  	v4 =	vadd.s32 v1, v4;
	_ =	sdelay $0x3  }
0x45: {  	s0 =	rddreg [dreg:$0x9];
	v3 =	vperm.xlane v3, v2  }
0x46: {  	[tilespmem:s0], [sflag:$0x1] =	stream.indirect_vreg.gather [hbm4b:s3+s2], $0x80, v4, vm0, $0xb8;
	[tilespmem:$0x18080] =	vst v63  }
0x47: {  	s9 =	rddreg [dreg:$0xa];
	v3 =	vadd.s32 v1, v3  }
0x48: {  	[tilespmem:s9], [sflag:$0x1] =	stream.indirect_vreg.gather [hbm4b:s4+s2], $0x80, v4, vm0, $0xb8;
	[tilespmem:$0x18080] =	vst v63  }
0x49: {  	s0 =	rddreg [dreg:$0xb]  }
0x4a: {  	[tilespmem:s0], [sflag:$0x1] =	stream.indirect_vreg.gather [hbm4b:s5+s2], $0x80, v4, vm0, $0xb8;
	[tilespmem:$0x18080] =	vst v63  }
0x4b: {  	s9 =	rddreg [dreg:$0xc]  }
0x4c: {  	[tilespmem:s9], [sflag:$0x1] =	stream.indirect_vreg.gather [hbm4b:s3+s2], $0x80, v3, vm0, $0xb8;
	[tilespmem:$0x18080] =	vst v63  }
0x4d: {  	s0 =	rddreg [dreg:$0xd]  }
0x4e: {  	[tilespmem:s0], [sflag:$0x1] =	stream.indirect_vreg.gather [hbm4b:s4+s2], $0x80, v3, vm0, $0xb8;
	[tilespmem:$0x18080] =	vst v63  }
0x4f: {  	s9 =	rddreg [dreg:$0xe]  }
0x50: {  	[tilespmem:s9], [sflag:$0x1] =	stream.indirect_vreg.gather [hbm4b:s5+s2], $0x80, v3, vm0, $0xb8;
	[tilespmem:$0x18080] =	vst v63  }
0x51: {  	v3 =	vld [tilespmem:$0x20];
	_ =	sdelay $0x4  }
0x52: {  	v58 =	vshrl.u32 v3, $0x3  }
0x53: {  	v4 =	vmul.u32 $0x30, v58  }
0x54: {  	v3 =	vand.u32 $0x7, v3  }
0x55: {  	v3 =	vor.u32 v3, v4  }
0x56: {  	v4 =	vperm.xlane v3, v0;
	_ =	sdelay $0x1  }
0x57: {  	v4 =	vadd.s32 v1, v4;
	_ =	sdelay $0x3  }
0x58: {  	s0 =	rddreg [dreg:$0xf];
	v3 =	vperm.xlane v3, v2  }
0x59: {  	[tilespmem:s0], [sflag:$0x1] =	stream.indirect_vreg.gather [hbm4b:s3+s2], $0x80, v4, vm0, $0xb8;
	[tilespmem:$0x18080] =	vst v63  }
0x5a: {  	s9 =	rddreg [dreg:$0x10];
	v3 =	vadd.s32 v1, v3  }
0x5b: {  	[tilespmem:s9], [sflag:$0x1] =	stream.indirect_vreg.gather [hbm4b:s4+s2], $0x80, v4, vm0, $0xb8;
	[tilespmem:$0x18080] =	vst v63  }
0x5c: {  	s0 =	rddreg [dreg:$0x11]  }
0x5d: {  	[tilespmem:s0], [sflag:$0x1] =	stream.indirect_vreg.gather [hbm4b:s5+s2], $0x80, v4, vm0, $0xb8;
	[tilespmem:$0x18080] =	vst v63  }
0x5e: {  	s9 =	rddreg [dreg:$0x12]  }
0x5f: {  	[tilespmem:s9], [sflag:$0x1] =	stream.indirect_vreg.gather [hbm4b:s3+s2], $0x80, v3, vm0, $0xb8;
	[tilespmem:$0x18080] =	vst v63  }
0x60: {  	s0 =	rddreg [dreg:$0x13]  }
0x61: {  	[tilespmem:s0], [sflag:$0x1] =	stream.indirect_vreg.gather [hbm4b:s4+s2], $0x80, v3, vm0, $0xb8;
	[tilespmem:$0x18080] =	vst v63  }
0x62: {  	s9 =	rddreg [dreg:$0x14]  }
0x63: {  	[tilespmem:s9], [sflag:$0x1] =	stream.indirect_vreg.gather [hbm4b:s5+s2], $0x80, v3, vm0, $0xb8;
	[tilespmem:$0x18080] =	vst v63  }
0x64: {  	v3 =	vld [tilespmem:$0x30];
	_ =	sdelay $0x4  }
0x65: {  	v59 =	vshrl.u32 v3, $0x3  }
0x66: {  	v4 =	vmul.u32 $0x30, v59  }
0x67: {  	v3 =	vand.u32 $0x7, v3  }
0x68: {  	v3 =	vor.u32 v3, v4  }
0x69: {  	v4 =	vperm.xlane v3, v0;
	_ =	sdelay $0x1  }
0x6a: {  	v4 =	vadd.s32 v1, v4;
	_ =	sdelay $0x3  }
0x6b: {  	s0 =	rddreg [dreg:$0x15];
	v3 =	vperm.xlane v3, v2  }
0x6c: {  	[tilespmem:s0], [sflag:$0x1] =	stream.indirect_vreg.gather [hbm4b:s3+s2], $0x80, v4, vm0, $0xb8;
	[tilespmem:$0x18080] =	vst v63  }
0x6d: {  	s9 =	rddreg [dreg:$0x16];
	v3 =	vadd.s32 v1, v3  }
0x6e: {  	[tilespmem:s9], [sflag:$0x1] =	stream.indirect_vreg.gather [hbm4b:s4+s2], $0x80, v4, vm0, $0xb8;
	[tilespmem:$0x18080] =	vst v63  }
0x6f: {  	s0 =	rddreg [dreg:$0x17]  }
0x70: {  	[tilespmem:s0], [sflag:$0x1] =	stream.indirect_vreg.gather [hbm4b:s5+s2], $0x80, v4, vm0, $0xb8;
	[tilespmem:$0x18080] =	vst v63  }
0x71: {  	s9 =	rddreg [dreg:$0x18]  }
0x72: {  	[tilespmem:s9], [sflag:$0x1] =	stream.indirect_vreg.gather [hbm4b:s3+s2], $0x80, v3, vm0, $0xb8;
	[tilespmem:$0x18080] =	vst v63  }
0x73: {  	s0 =	rddreg [dreg:$0x19]  }
0x74: {  	[tilespmem:s0], [sflag:$0x1] =	stream.indirect_vreg.gather [hbm4b:s4+s2], $0x80, v3, vm0, $0xb8;
	[tilespmem:$0x18080] =	vst v63  }
0x75: {  	s9 =	rddreg [dreg:$0x1a]  }
0x76: {  	[tilespmem:s9], [sflag:$0x1] =	stream.indirect_vreg.gather [hbm4b:s5+s2], $0x80, v3, vm0, $0xb8;
	[tilespmem:$0x18080] =	vst v63  }
0x77: {  	v3 =	vld [tilespmem:$0x40];
	_ =	sdelay $0x4  }
0x78: {  	v60 =	vshrl.u32 v3, $0x3  }
0x79: {  	v4 =	vmul.u32 $0x30, v60  }
0x7a: {  	v3 =	vand.u32 $0x7, v3  }
0x7b: {  	v3 =	vor.u32 v3, v4  }
0x7c: {  	v4 =	vperm.xlane v3, v0;
	_ =	sdelay $0x1  }
0x7d: {  	v4 =	vadd.s32 v1, v4;
	_ =	sdelay $0x3  }
0x7e: {  	s0 =	rddreg [dreg:$0x1b];
	v3 =	vperm.xlane v3, v2  }
0x7f: {  	[tilespmem:s0], [sflag:$0x1] =	stream.indirect_vreg.gather [hbm4b:s3+s2], $0x80, v4, vm0, $0xb8;
	[tilespmem:$0x18080] =	vst v63  }
0x80: {  	s9 =	rddreg [dreg:$0x1c];
	v3 =	vadd.s32 v1, v3  }
0x81: {  	[tilespmem:s9], [sflag:$0x1] =	stream.indirect_vreg.gather [hbm4b:s4+s2], $0x80, v4, vm0, $0xb8;
	[tilespmem:$0x18080] =	vst v63  }
0x82: {  	s9 =	simm.s32 $0xD080  }
0x83: {  	[tilespmem:s9], [sflag:$0x1] =	stream.indirect_vreg.gather [hbm4b:s5+s2], $0x80, v4, vm0, $0xb8;
	[tilespmem:$0x18080] =	vst v63  }
0x84: {  	_ = 	snop  }
0x85: {  	[tilespmem:s10], [sflag:$0x1] =	stream.indirect_vreg.gather [hbm4b:s3+s2], $0x80, v3, vm0, $0xb8;
	[tilespmem:$0x18080] =	vst v63  }
0x86: {  	_ = 	snop  }
0x87: {  	[tilespmem:s11], [sflag:$0x1] =	stream.indirect_vreg.gather [hbm4b:s4+s2], $0x80, v3, vm0, $0xb8;
	[tilespmem:$0x18080] =	vst v63  }
0x88: {  	_ = 	snop  }
0x89: {  	[tilespmem:s12], [sflag:$0x1] =	stream.indirect_vreg.gather [hbm4b:s5+s2], $0x80, v3, vm0, $0xb8;
	[tilespmem:$0x18080] =	vst v63  }
0x8a: {  	v3 =	vld [tilespmem:$0x50];
	_ =	sdelay $0x4  }
0x8b: {  	v61 =	vshrl.u32 v3, $0x3  }
0x8c: {  	v4 =	vmul.u32 $0x30, v61  }
0x8d: {  	v3 =	vand.u32 $0x7, v3  }
0x8e: {  	v3 =	vor.u32 v3, v4  }
0x8f: {  	v4 =	vperm.xlane v3, v0;
	_ =	sdelay $0x1  }
0x90: {  	v4 =	vadd.s32 v1, v4;
	_ =	sdelay $0x3  }
0x91: {  	v3 =	vperm.xlane v3, v2  }
0x92: {  	[tilespmem:s13], [sflag:$0x1] =	stream.indirect_vreg.gather [hbm4b:s3+s2], $0x80, v4, vm0, $0xb8;
	[tilespmem:$0x18080] =	vst v63  }
0x93: {  	v3 =	vadd.s32 v1, v3  }
0x94: {  	[tilespmem:s14], [sflag:$0x1] =	stream.indirect_vreg.gather [hbm4b:s4+s2], $0x80, v4, vm0, $0xb8;
	[tilespmem:$0x18080] =	vst v63  }
0x95: {  	_ = 	snop  }
0x96: {  	[tilespmem:s15], [sflag:$0x1] =	stream.indirect_vreg.gather [hbm4b:s5+s2], $0x80, v4, vm0, $0xb8;
	[tilespmem:$0x18080] =	vst v63  }
0x97: {  	_ = 	snop  }
0x98: {  	[tilespmem:s16], [sflag:$0x1] =	stream.indirect_vreg.gather [hbm4b:s3+s2], $0x80, v3, vm0, $0xb8;
	[tilespmem:$0x18080] =	vst v63  }
0x99: {  	_ = 	snop  }
0x9a: {  	[tilespmem:s17], [sflag:$0x1] =	stream.indirect_vreg.gather [hbm4b:s4+s2], $0x80, v3, vm0, $0xb8;
	[tilespmem:$0x18080] =	vst v63  }
0x9b: {  	_ = 	snop  }
0x9c: {  	[tilespmem:s18], [sflag:$0x1] =	stream.indirect_vreg.gather [hbm4b:s5+s2], $0x80, v3, vm0, $0xb8;
	[tilespmem:$0x18080] =	vst v63  }
0x9d: {  	v3 =	vld [tilespmem:$0x60];
	_ =	sdelay $0x4  }
0x9e: {  	v62 =	vshrl.u32 v3, $0x3  }
0x9f: {  	v4 =	vmul.u32 $0x30, v62  }
0xa0: {  	v3 =	vand.u32 $0x7, v3  }
0xa1: {  	v3 =	vor.u32 v3, v4  }
0xa2: {  	v4 =	vperm.xlane v3, v0;
	_ =	sdelay $0x1  }
0xa3: {  	v4 =	vadd.s32 v1, v4;
	_ =	sdelay $0x3  }
0xa4: {  	v3 =	vperm.xlane v3, v2  }
0xa5: {  	[tilespmem:s19], [sflag:$0x1] =	stream.indirect_vreg.gather [hbm4b:s3+s2], $0x80, v4, vm0, $0xb8;
	[tilespmem:$0x18080] =	vst v63  }
0xa6: {  	v3 =	vadd.s32 v1, v3  }
0xa7: {  	[tilespmem:s20], [sflag:$0x1] =	stream.indirect_vreg.gather [hbm4b:s4+s2], $0x80, v4, vm0, $0xb8;
	[tilespmem:$0x18080] =	vst v63  }
0xa8: {  	_ = 	snop  }
0xa9: {  	[tilespmem:s21], [sflag:$0x1] =	stream.indirect_vreg.gather [hbm4b:s5+s2], $0x80, v4, vm0, $0xb8;
	[tilespmem:$0x18080] =	vst v63  }
0xaa: {  	_ = 	snop  }
0xab: {  	[tilespmem:s22], [sflag:$0x1] =	stream.indirect_vreg.gather [hbm4b:s3+s2], $0x80, v3, vm0, $0xb8;
	[tilespmem:$0x18080] =	vst v63  }
0xac: {  	_ = 	snop  }
0xad: {  	[tilespmem:s23], [sflag:$0x1] =	stream.indirect_vreg.gather [hbm4b:s4+s2], $0x80, v3, vm0, $0xb8;
	[tilespmem:$0x18080] =	vst v63  }
0xae: {  	_ = 	snop  }
0xaf: {  	[tilespmem:s24], [sflag:$0x1] =	stream.indirect_vreg.gather [hbm4b:s5+s2], $0x80, v3, vm0, $0xb8;
	[tilespmem:$0x18080] =	vst v63  }
0xb0: {  	v3 =	vld [tilespmem:$0x70];
	_ =	sdelay $0x4  }
0xb1: {  	v63 =	vshrl.u32 v3, $0x3  }
0xb2: {  	v4 =	vmul.u32 $0x30, v63  }
0xb3: {  	v3 =	vand.u32 $0x7, v3  }
0xb4: {  	v3 =	vor.u32 v3, v4  }
0xb5: {  	v4 =	vperm.xlane v3, v0;
	_ =	sdelay $0x1  }
0xb6: {  	v4 =	vadd.s32 v1, v4;
	_ =	sdelay $0x3  }
0xb7: {  	v3 =	vperm.xlane v3, v2  }
0xb8: {  	[tilespmem:s25], [sflag:$0x1] =	stream.indirect_vreg.gather [hbm4b:s3+s2], $0x80, v4, vm0, $0xb8;
	[tilespmem:$0x18080] =	vst v63  }
0xb9: {  	v3 =	vadd.s32 v1, v3  }
0xba: {  	[tilespmem:s26], [sflag:$0x1] =	stream.indirect_vreg.gather [hbm4b:s4+s2], $0x80, v4, vm0, $0xb8;
	[tilespmem:$0x18080] =	vst v63  }
0xbb: {  	_ = 	snop  }
0xbc: {  	[tilespmem:s28], [sflag:$0x1] =	stream.indirect_vreg.gather [hbm4b:s5+s2], $0x80, v4, vm0, $0xb8;
	[tilespmem:$0x18080] =	vst v63  }
0xbd: {  	_ = 	snop  }
0xbe: {  	[tilespmem:s29], [sflag:$0x1] =	stream.indirect_vreg.gather [hbm4b:s3+s2], $0x80, v3, vm0, $0xb8;
	[tilespmem:$0x18080] =	vst v63  }
0xbf: {  	_ = 	snop  }
0xc0: {  	[tilespmem:s30], [sflag:$0x1] =	stream.indirect_vreg.gather [hbm4b:s4+s2], $0x80, v3, vm0, $0xb8;
	[tilespmem:$0x18080] =	vst v63  }
0xc1: {  	_ = 	snop  }
0xc2: {  	[tilespmem:s31], [sflag:$0x1] =	stream.indirect_vreg.gather [hbm4b:s5+s2], $0x80, v3, vm0, $0xb8;
	[tilespmem:$0x18080] =	vst v63  }
0xc3: {  	_ =	swait.ge [sflag:s1], $0x18000  }
0xc4: {  	p0 =	sne.s32 s6, $0x1;
	[sflag:s1] =	ssyncset.done $0x0  }
.Ltmp0:
0xc5: {  	s9 =	rddreg [dreg:$0x3];
	[sflag:s1] =	ssyncadd.s32 $0xFFFE8000;
	(pc) =	sbr.rel @p0 .LBB2_1-.Ltmp0, $4  }
0xc6: {  	[hbm4b:s9+s2] =	stream.linear.scatter [tilespmem:s8], [sflag:$0x2], $0x18000, $0x38;
	[tilespmem:$0x18080] =	vst v63  }
0xc7: {  	_ =	swait.ge [sflag:s7], $0x18000  }
0xc8: {  	[sflag:s7] =	ssyncset.done $0x0  }
0xc9: {  	s6 =	sadd.s32 $0xFFFFFFFF, s6;
	[sflag:s7] =	ssyncadd.s32 $0xFFFE8000  }
0xca: {  	_ =	sfence.sel $0x180000  }
0xcb: {  	[bflag:$0x0] =	sbarrier.arrive $0xFFFF  }
0xcc: {  	_ =	strace $0x9000004A  }
0xcd: {  	s0 =	stileid.u32;
	[bflag:$0x2] =	sbarrier.arrive $0xFFFF  }
0xce: {  	p0 =	sne.s32 s0, $0x0;
	s0 =	rddreg [dreg:$0x1]  }
0xcf: {  	s0 =	sadd.s32 @!p0 $0x100000, s0  }
0xd0: {  	[sflag:s0] =	ssyncadd.tile.s32 @!p0 $0x1;
	_ =	shalt  }
.Lfunc_end2:
_tile_overlayer_lowered:
.L_overlay_start_2:
0xd1: {  	(tag) =	ssettag $0x2  }
0xd2: {  	s0 =	rddreg [dreg:$0x0];
	s2 =	stileid.u32  }
0xd3: {  	s1 =	rddreg [dreg:$0x1];
	p0 =	sne.s32 s2, $0x0  }
0xd4: {  	s3 =	rddreg [dreg:$0x2];
	[bflag:$0x3] =	sbarrier.arrive $0xFFFF;
	s2 =	simm.s32 @!p0 $0x1C02  }
0xd5: {  	[timem:s3], [sflag:s2] =	dma.local @!p0 [hbm:s0], s1  }
0xd6: {  	s0 =	simm.s32 @!p0 $0x2  }
0xd7: {  	_ =	swait.ge @!p0 [sflag:s0], s1  }
0xd8: {  	s1 =	ssub.s32 @!p0 $0x0, s1;
	[sflag:s0] =	ssyncset.done @!p0 $0x0  }
0xd9: {  	[sflag:s0] =	ssyncadd.s32 @!p0 s1  }
0xda: {  	[bflag:$0x3] =	sbarrier.arrive $0xFFFF  }
0xdb: {  	_ =	shalt  }

// kernel: kernel.8.cloned.1.call-start
scs
__scs_entry_jumppad:
0x0: {  	(pc) =	sbr.rel $0x88, $3  }
0x1: {  	(tag) =	ssettag $0x0;
	lr =	simm.s32 $0x1  }
0x2: {  	[smem:$0x3F92] =	sst lr;
	_ =	strace $0xD0000000  }
0x3: {  	_ = 	snop  }
0x4: {  	_ = 	snop  }
0x5: {  	_ = 	snop  }
0x6: {  	_ = 	snop  }
0x7: {  	_ = 	snop  }
__scs_overlays_trampoline_lowered:
0x8: {  	[smem:$0x3FA1] =	sst s0  }
0x9: {  	[smem:$0x3FA2] =	sst s1  }
0xa: {  	[smem:$0x3FA3] =	sst s2  }
0xb: {  	[smem:$0x3FA4] =	sst s3  }
0xc: {  	[smem:$0x3FA5] =	sst s4  }
0xd: {  	[smem:$0x3FA6] =	sst s5  }
0xe: {  	[smem:$0x3FA7] =	sst s6  }
0xf: {  	[smem:$0x3FA8] =	sst s7  }
0x10: {  	[smem:$0x3FA9] =	sst s8  }
0x11: {  	[smem:$0x3FAA] =	sst s9;
	s0 =	simm.s32 @!p0 $0x0  }
0x12: {  	s1 =	sld [smem:$0x3F90];
	s0 =	simm.s32 @p0 $0x1  }
0x13: {  	[smem:$0x3FAB] =	sst s0;
	s0 =	simm.s32 @!p1 $0x0  }
0x14: {  	s2 =	sld [smem:$0x3F8F];
	s0 =	simm.s32 @p1 $0x1  }
0x15: {  	[smem:$0x3FAC] =	sst s0;
	s0 =	simm.s32 @!p2 $0x0  }
0x16: {  	s3 =	sld [smem:$0x3FDB];
	s0 =	simm.s32 @p2 $0x1  }
0x17: {  	s4 =	simm.s32 $0x1BF5;
	[smem:$0x3FAE] =	sst s0  }
0x18: {  	s0 =	sld [smem:$0x3F91];
	_ =	swait.ge [sflag:s4], $0x0  }
0x19: {  	s7 =	sld [smem:$0x3F92]  }
0x1a: {  	s8 =	sadd.s32 $0xFFFFE003, lr  }
0x1b: {  	s9 =	sadd.s32 $0xFFFFFEF7, lr;
	s5 =	simm.s32 $0xFFFFFFFF;
	p2 =	slt.u32 s8, $0xFFFFF086  }
0x1c: {  	p1 =	slt.u32 s9, $0xF7A;
	s5 =	simm.s32 @!p2 $0x0  }
0x1d: {  	s5 =	simm.s32 @p1 $0x1;
	p0 =	seq.s32 s7, s2  }
0x1e: {  	s7 =	smul.u32 @!p0 $0xF7A, s2;
	p2 =	seq.s32 @!p0 s5, $0x0  }
0x1f: {  	s9 =	smul.u32 $0xF7A, s1;
	s8 =	simm.s32 @!p0 $0x1BF5;
	p2 =	por !p2, p0  }
0x20: {  	[sflag:s8] =	ssyncset.s32 @!p0 $0xFFFFF086;
	s6 =	sadd.s32 @!p0 s3, s7;
	s7 =	simm.s32 @!p0 $0x108  }
0x21: {  	s3 =	sadd.s32 s3, s9;
	s6 =	sadd.s32 @!p0 $0x88, s6;
	s7 =	simm.s32 @p2 $0x1082  }
0x22: {  	[simem:s7], [sflag:s8] =	dma.local @!p0 [hbm:s6], $0xF7A  }
0x23: {  	s9 =	sor.u32 $0xD0000000, s2;
	s6 =	simm.s32 $0x108;
	_ =	swait.ge @!p0 [sflag:s8], $0x0  }
0x24: {  	s3 =	sadd.s32 $0x88, s3;
	s6 =	simm.s32 @!p1 $0x1082;
	[sflag:s4] =	ssyncset.s32 $0xFFFFF086  }
0x25: {  	[simem:s6], [sflag:s4] =	dma.local [hbm:s3], $0xF7A  }
0x26: {  	[smem:$0x3F92] =	sst s1;
	(tag) =	ssettag s2;
	_ =	strace s9  }
0x27: {  	s1 =	sld [smem:$0x3FA2]  }
0x28: {  	s2 =	sld [smem:$0x3FA3]  }
0x29: {  	s4 =	sld [smem:$0x3FA5]  }
0x2a: {  	p0 =	seq.s32 s5, $0x0;
	s5 =	sld [smem:$0x3FA6]  }
0x2b: {  	s6 =	sld [smem:$0x3FA7]  }
0x2c: {  	s7 =	sld [smem:$0x3FA8]  }
0x2d: {  	s3 =	simm.s32 $0x108;
	s8 =	sld [smem:$0x3FA9]  }
0x2e: {  	s3 =	simm.s32 @!p0 $0x1082;
	s9 =	sld [smem:$0x3FAA]  }
0x2f: {  	lr =	sadd.s32 s0, s3;
	s0 =	sld [smem:$0x3FA1]  }
0x30: {  	s3 =	sld [smem:$0x3FA4]  }
0x31: {  	[smem:$0x3FAD] =	sst s10  }
0x32: {  	s10 =	sld [smem:$0x3FAB];
	_ =	sdelay $0x3  }
0x33: {  	p0 =	seq.s32 s10, $0x1;
	s10 =	sld [smem:$0x3FAD];
	_ =	sdelay $0x3  }
0x34: {  	[smem:$0x3FAD] =	sst s10  }
0x35: {  	s10 =	sld [smem:$0x3FAC];
	_ =	sdelay $0x3  }
0x36: {  	p1 =	seq.s32 s10, $0x1;
	s10 =	sld [smem:$0x3FAD];
	_ =	sdelay $0x3  }
0x37: {  	[smem:$0x3FAD] =	sst s10  }
0x38: {  	s10 =	sld [smem:$0x3FAE]  }
0x39: {  	_ = 	snop;
	(pc) =	sbr.ind lr, $3  }
0x3a: {  	_ = 	snop  }
0x3b: {  	_ = 	snop  }
0x3c: {  	p2 =	seq.s32 s10, $0x1;
	s10 =	sld [smem:$0x3FAD]  }
0x3d: {  	_ =	shalt  }
0x3e: {  	_ =	shalt  }
0x3f: {  	_ =	shalt  }
0x40: {  	_ =	shalt  }
0x41: {  	_ =	shalt  }
0x42: {  	_ =	shalt  }
0x43: {  	_ =	shalt  }
0x44: {  	_ =	shalt  }
0x45: {  	_ =	shalt  }
0x46: {  	_ =	shalt  }
0x47: {  	_ =	shalt  }
0x48: {  	_ =	shalt  }
0x49: {  	_ =	shalt  }
0x4a: {  	_ =	shalt  }
0x4b: {  	_ =	shalt  }
0x4c: {  	_ =	shalt  }
0x4d: {  	_ =	shalt  }
0x4e: {  	_ =	shalt  }
0x4f: {  	_ =	shalt  }
0x50: {  	_ =	shalt  }
0x51: {  	_ =	shalt  }
0x52: {  	_ =	shalt  }
0x53: {  	_ =	shalt  }
0x54: {  	_ =	shalt  }
0x55: {  	_ =	shalt  }
0x56: {  	_ =	shalt  }
0x57: {  	_ =	shalt  }
0x58: {  	_ =	shalt  }
0x59: {  	_ =	shalt  }
0x5a: {  	_ =	shalt  }
0x5b: {  	_ =	shalt  }
0x5c: {  	_ =	shalt  }
0x5d: {  	_ =	shalt  }
0x5e: {  	_ =	shalt  }
0x5f: {  	_ =	shalt  }
0x60: {  	_ =	shalt  }
0x61: {  	_ =	shalt  }
0x62: {  	_ =	shalt  }
0x63: {  	_ =	shalt  }
0x64: {  	_ =	shalt  }
0x65: {  	_ =	shalt  }
0x66: {  	_ =	shalt  }
0x67: {  	_ =	shalt  }
0x68: {  	_ =	shalt  }
0x69: {  	_ =	shalt  }
0x6a: {  	_ =	shalt  }
0x6b: {  	_ =	shalt  }
0x6c: {  	_ =	shalt  }
0x6d: {  	_ =	shalt  }
0x6e: {  	_ =	shalt  }
0x6f: {  	_ =	shalt  }
0x70: {  	_ =	shalt  }
0x71: {  	_ =	shalt  }
0x72: {  	_ =	shalt  }
0x73: {  	_ =	shalt  }
0x74: {  	_ =	shalt  }
0x75: {  	_ =	shalt  }
0x76: {  	_ =	shalt  }
0x77: {  	_ =	shalt  }
0x78: {  	_ =	shalt  }
0x79: {  	_ =	shalt  }
0x7a: {  	_ =	shalt  }
0x7b: {  	_ =	shalt  }
0x7c: {  	_ =	shalt  }
0x7d: {  	_ =	shalt  }
0x7e: {  	_ =	shalt  }
0x7f: {  	_ =	shalt  }
0x80: {  	_ =	shalt  }
0x81: {  	_ =	shalt  }
0x82: {  	_ =	shalt  }
0x83: {  	_ =	shalt  }
0x84: {  	_ =	shalt  }
0x85: {  	_ =	shalt  }
0x86: {  	_ =	shalt  }
0x87: {  	_ =	shalt  }
.Lfunc_end0:
.L_simem_size_0:
called_computation_lowered:
.L_overlay_start_0:
0x88: {  	s2 =	sld [smem:$0x3FD9]  }
0x89: {  	s3 =	sld [smem:$0x3FFE];
	_ =	sdelay $0x1  }
0x8a: {  	s1 =	srdreg.scid  }
0x8b: {  	s0 =	sand.u32 $0x1, s1  }
0x8c: {  	s17 =	sshll.u32 s0, $0xA;
	s2 =	sadd.s32 s3, s2  }
0x8d: {  	s2 =	sadd.s32 s2, s17  }
0x8e: {  	[smem:$0x3FB9] =	sst s2  }
0x8f: {  	_ = 	snop  }
0x90: {  	s2 =	sld [smem:$0x3FC9];
	(tm) =	ssettm $0x1  }
0x91: {  	s18 =	sld [smem:$0x3FFB];
	_ =	sdelay $0x3  }
0x92: {  	_ =	strace s18  }
0x93: {  	s3 =	sld [smem:$0x3FFC];
	_ =	sdelay $0x3  }
0x94: {  	_ =	strace s3  }
0x95: {  	s3 =	sld [smem:$0x3FFD];
	_ =	sdelay $0x3  }
0x96: {  	_ =	strace s3  }
0x97: {  	_ =	strace $0x8FFFFFFF  }
0x98: {  	s19 =	sld [smem:$0x3FDB];
	_ =	sdelay $0x1  }
0x99: {  	s4 =	simm.s32 $_scs_section_size  }
0x9a: {  	s5 =	simm.s32 $_size__tile_overlayer_lowered;
	s6 =	simm.s32 $_tile_overlayer_lowered  }
0x9b: {  	s22 =	simm.s32 $0x1BFF;
	s21 =	sshll.u32 s6, $0x1;
	s3 =	sadd.s32 s4, s19  }
0x9c: {  	s7 =	simm.s32 $0x0;
	s20 =	sshll.u32 s5, $0x1;
	s5 =	sadd.s32 s21, s3  }
0x9d: {  	[timem:s7], [sflag:s22] =	dma.local [hbm:s5], s20  }
0x9e: {  	_ =	swait.ge [sflag:s22], s20  }
0x9f: {  	s4 =	ssub.s32 $0x0, s20;
	[sflag:s22] =	ssyncset.done $0x0  }
0xa0: {  	[sflag:s22] =	ssyncadd.s32 s4;
	_ =	sdelay $0x1  }
0xa1: {  	s23 =	simm.s32 $0x1B8B  }
0xa2: {  	_ =	swait.ge [sflag:s23], $0x1  }
0xa3: {  	[sflag:s23] =	ssyncset.done $0x0  }
0xa4: {  	s25 =	simm.s32 $0x1B8E;
	s24 =	sld [smem:$0x3FFE];
	[sflag:s23] =	ssyncadd.s32 $0xFFFFFFFF  }
0xa5: {  	s26 =	simm.s32 $execute0_lowered;
	[smem:$0x3FD2] =	sst s25  }
0xa6: {  	s5 =	sshll.u32 s26, $0x1;
	_ =	strace $0x80000046;
	[dreg:$0x1] =	wrdreg $0xFFFFFFFF  }
0xa7: {  	s28 =	simm.s32 $_size_execute0_lowered;
	s3 =	sadd.s32 s3, s5;
	[dreg:$0x0] =	wrdreg $0x0  }
0xa8: {  	s5 =	sshll.u32 s28, $0x1;
	[dreg:$0x2] =	wrdreg s3  }
0xa9: {  	[dreg:$0x3] =	wrdreg s5  }
0xaa: {  	[dreg:$0x4] =	wrdreg $0xC0  }
0xab: {  	_ =	task [dreg:s7], $0x5FFFF  }
0xac: {  	[dreg:$0x1] =	wrdreg $0xFFFFFFFF  }
0xad: {  	[dreg:$0x0] =	wrdreg $0x60  }
0xae: {  	[dreg:$0x2] =	wrdreg s2  }
0xaf: {  	[dreg:$0x3] =	wrdreg s24  }
0xb0: {  	[dreg:$0x4] =	wrdreg $0x9  }
0xb1: {  	_ =	task.clear_ibuf [dreg:s7], $0x5FFFF;
	_ =	strace $0x90000046  }
0xb2: {  	s29 =	simm.s32 $0x9;
	_ =	strace $0x80000048  }
0xb3: {  	_ =	swait.ge [sflag:s29], $0x1  }
0xb4: {  	[sflag:s29] =	ssyncadd.s32 $0xFFFFFFFF  }
0xb5: {  	_ =	strace $0x90000048  }
0xb6: {  	_ =	sfence  }
0xb7: {  	s30 =	sld [smem:$0x0];
	_ =	sdelay $0x2  }
0xb8: {  	s31 =	sshll.u32 s1, $0xD;
	s1 =	sshrl.u32 s1, $0x2  }
0xb9: {  	s3 =	sand.u32 $0x4000, s31;
	s1 =	sadd.s32 s1, s30  }
0xba: {  	s0 =	sor.u32 s3, s0;
	s1 =	sshll.u32 s1, $0x11  }
0xbb: {  	s0 =	sor.u32 s1, s0  }
0xbc: {  	s0 =	sadd.s32 $0x8F2B, s0  }
0xbd: {  	[sflag:s0] =	ssyncadd.remote.s32 $0x1  }
0xbe: {  	_ =	sfence.sel $0xFFFF  }
0xbf: {  	[dreg:$0x0] =	wrdreg $0xFFFFFFFF;
	(pc) =	sbr.abs _section_cstart, $3  }
0xc0: {  	[dreg:$0x1] =	wrdreg $0xFFFFFFFF  }
0xc1: {  	_ =	task.clear_ibuf [dreg:s7], $0x2FFFF;
	_ =	strace $0x9FFFFFFF  }
0xc2: {  	(tm) =	ssettm $0x7FFFFFFF  }
0xc3: {  	_ =	shalt  }
tec
execute0_lowered:
.L_overlay_start_1:
0x0: {  	(tag) =	ssettag $0x1  }
0x1: {  	s1 =	srdreg.scid  }
0x2: {  	s0 =	stileid.u32;
	s1 =	sand.u32 $0x1, s1  }
0x3: {  	s3 =	rddreg [dreg:$0x0];
	s2 =	sshll.u32 s0, $0x5;
	s4 =	sshll.u32 s1, $0x4  }
0x4: {  	s5 =	rddreg [dreg:$0x1];
	s4 =	sor.u32 s4, s2;
	s2 =	simm.s32 $0x0  }
0x5: {  	s25 =	simm.s32 $0x880;
	[smem:$0x7FF] =	sst s2  }
0x6: {  	s26 =	simm.s32 $0x1080;
	_ =	strace $0x80000047;
	[dreg:$0x5] =	wrdreg s25  }
0x7: {  	s0 =	simm.s32 $0x1880;
	[dreg:$0x6] =	wrdreg s26  }
0x8: {  	s7 =	simm.s32 $0x3080;
	[dreg:$0x7] =	wrdreg s0  }
0x9: {  	s8 =	simm.s32 $0x3880;
	[dreg:$0xa] =	wrdreg s7  }
0xa: {  	s9 =	simm.s32 $0x4080;
	[dreg:$0xb] =	wrdreg s8  }
0xb: {  	s10 =	simm.s32 $0x4880;
	[dreg:$0xc] =	wrdreg s9  }
0xc: {  	s11 =	simm.s32 $0x5080;
	s12 =	simm.s32 $0x5880;
	[dreg:$0xd] =	wrdreg s10  }
0xd: {  	s13 =	simm.s32 $0x6080;
	s14 =	simm.s32 $0x6880;
	[dreg:$0xe] =	wrdreg s11  }
0xe: {  	s15 =	simm.s32 $0x7080;
	s16 =	simm.s32 $0x7880;
	[dreg:$0xf] =	wrdreg s12  }
0xf: {  	s17 =	simm.s32 $0x8080;
	s18 =	simm.s32 $0x8880;
	[dreg:$0x10] =	wrdreg s13  }
0x10: {  	s19 =	simm.s32 $0x9080;
	s21 =	simm.s32 $0x9880;
	[dreg:$0x11] =	wrdreg s14  }
0x11: {  	s22 =	simm.s32 $0xA080;
	s23 =	simm.s32 $0xA880;
	[dreg:$0x12] =	wrdreg s15  }
0x12: {  	s24 =	simm.s32 $0xB880;
	s28 =	simm.s32 $0x16080;
	[dreg:$0x13] =	wrdreg s16  }
0x13: {  	s29 =	simm.s32 $0x16880;
	s30 =	simm.s32 $0x17080;
	[dreg:$0x14] =	wrdreg s17  }
0x14: {  	s31 =	simm.s32 $0x17880;
	s1 =	ssub.s32 $0x2, s1;
	[dreg:$0x15] =	wrdreg s18  }
0x15: {  	s20 =	sshrl.u32 s1, $0x1;
	s6 =	sand.u32 $0xF0, s4;
	[dreg:$0x16] =	wrdreg s19  }
0x16: {  	s4 =	sadd.s32 s4, s5;
	s1 =	ssub.s32 s1, s20;
	[dreg:$0x17] =	wrdreg s21  }
0x17: {  	s20 =	simm.s32 $0x12880;
	s6 =	smul.u32 $0x300, s6;
	[dreg:$0x18] =	wrdreg s22  }
0x18: {  	s4 =	sadd.s32 $0x4400, s4;
	[dreg:$0x19] =	wrdreg s23;
	s7 =	simm.s32 $0xB080  }
0x19: {  	[dreg:$0x1b] =	wrdreg s24;
	s25 =	simm.s32 $0xC080;
	s8 =	simm.s32 $0x80  }
0x1a: {  	s26 =	simm.s32 $0xC880;
	s10 =	simm.s32 $0xD880;
	s11 =	simm.s32 $0xE080  }
0x1b: {  	s12 =	simm.s32 $0xE880;
	s13 =	simm.s32 $0xF080;
	s14 =	simm.s32 $0xF880  }
0x1c: {  	s15 =	simm.s32 $0x10080;
	s16 =	simm.s32 $0x10880;
	s17 =	simm.s32 $0x11080  }
0x1d: {  	s18 =	simm.s32 $0x11880;
	s19 =	simm.s32 $0x12080;
	[dreg:$0x3] =	wrdreg s4  }
0x1e: {  	s21 =	simm.s32 $0x13080;
	s22 =	simm.s32 $0x13880;
	[dreg:$0x1a] =	wrdreg s7  }
0x1f: {  	s23 =	simm.s32 $0x14080;
	s24 =	simm.s32 $0x14880;
	[dreg:$0x1c] =	wrdreg s25  }
0x20: {  	s4 =	simm.s32 $0x2080;
	s7 =	simm.s32 $0x2;
	[dreg:$0x1d] =	wrdreg s26  }
0x21: {  	s25 =	simm.s32 $0x15080;
	s3 =	sadd.s32 s3, s6;
	[dreg:$0x8] =	wrdreg s4  }
0x22: {  	v2 =	vlaneseq.u32;
	s26 =	simm.s32 $0x15880;
	s6 =	simm.s32 $0x2880;
	[dreg:$0x4] =	wrdreg s3  }
0x23: {  	vm0 =	vmmov $0xffff;
	v1 =	vshrl.u32 v2, $0x3;
	s4 =	sadd.s32 $0x4F00, s5;
	[dreg:$0x9] =	wrdreg s6;
	s3 =	sadd.s32 $0x4E00, s5  }
0x24: {  	v0 =	vand.u32 $0x7, v2;
	v2 =	vor.u32 $0x8, v2;
	v1 =	vmul.u32 $0x8, v1;
	s5 =	sadd.s32 $0x5000, s5;
	s6 =	smax.u32 s1, $0x1;
	s1 =	simm.s32 $0x1  }
.LBB2_1:
0x25: {  	s0 =	rddreg [dreg:$0x3]  }
0x26: {  	[tilespmem:s2], [sflag:$0x2] =	stream.linear.gather [hbm4b:s0+s2], $0x80, $0x38;
	[tilespmem:$0x18080] =	vst v63  }
0x27: {  	_ =	swait.ge [sflag:s7], $0x80  }
0x28: {  	[sflag:s7] =	ssyncset.done $0x0  }
0x29: {  	s9 =	rddreg [dreg:$0x4];
	[sflag:s7] =	ssyncadd.s32 $0xFFFFFF80  }
0x2a: {  	[tilespmem:s8], [sflag:$0x2] =	stream.linear.gather [hbm4b:s9+s2], $0x18000, $0x38;
	[tilespmem:$0x18080] =	vst v63  }
0x2b: {  	_ =	swait.ge [sflag:s7], $0x18000  }
0x2c: {  	[sflag:s7] =	ssyncset.done $0x0  }
0x2d: {  	[sflag:s7] =	ssyncadd.s32 $0xFFFE8000  }
0x2e: {  	v3 =	vld [tilespmem:$0x0];
	_ =	sdelay $0x4  }
0x2f: {  	v4 =	vshrl.u32 v3, $0x3  }
0x30: {  	v4 =	vmul.u32 $0x30, v4  }
0x31: {  	v3 =	vand.u32 $0x7, v3  }
0x32: {  	v3 =	vor.u32 v3, v4  }
0x33: {  	v4 =	vperm.xlane v3, v0;
	_ =	sdelay $0x1  }
0x34: {  	v4 =	vadd.s32 v1, v4;
	_ =	sdelay $0x3  }
0x35: {  	v3 =	vperm.xlane v3, v2  }
0x36: {  	[hbm4b:s3+s2] =	stream.indirect_vreg.scatter [tilespmem:s8], [sflag:$0x1], $0x80, v4, vm0, $0xb8;
	[tilespmem:$0x18080] =	vst v63  }
0x37: {  	s0 =	rddreg [dreg:$0x5];
	v3 =	vadd.s32 v1, v3  }
0x38: {  	[hbm4b:s4+s2] =	stream.indirect_vreg.scatter [tilespmem:s0], [sflag:$0x1], $0x80, v4, vm0, $0xb8;
	[tilespmem:$0x18080] =	vst v63  }
0x39: {  	s9 =	rddreg [dreg:$0x6]  }
0x3a: {  	[hbm4b:s5+s2] =	stream.indirect_vreg.scatter [tilespmem:s9], [sflag:$0x1], $0x80, v4, vm0, $0xb8;
	[tilespmem:$0x18080] =	vst v63  }
0x3b: {  	s0 =	rddreg [dreg:$0x7]  }
0x3c: {  	[hbm4b:s3+s2] =	stream.indirect_vreg.scatter [tilespmem:s0], [sflag:$0x1], $0x80, v3, vm0, $0xb8;
	[tilespmem:$0x18080] =	vst v63  }
0x3d: {  	s9 =	rddreg [dreg:$0x8]  }
0x3e: {  	[hbm4b:s4+s2] =	stream.indirect_vreg.scatter [tilespmem:s9], [sflag:$0x1], $0x80, v3, vm0, $0xb8;
	[tilespmem:$0x18080] =	vst v63  }
0x3f: {  	s0 =	rddreg [dreg:$0x9]  }
0x40: {  	[hbm4b:s5+s2] =	stream.indirect_vreg.scatter [tilespmem:s0], [sflag:$0x1], $0x80, v3, vm0, $0xb8;
	[tilespmem:$0x18080] =	vst v63  }
0x41: {  	v3 =	vld [tilespmem:$0x10];
	_ =	sdelay $0x4  }
0x42: {  	v57 =	vshrl.u32 v3, $0x3  }
0x43: {  	v4 =	vmul.u32 $0x30, v57  }
0x44: {  	v3 =	vand.u32 $0x7, v3  }
0x45: {  	v3 =	vor.u32 v3, v4  }
0x46: {  	v4 =	vperm.xlane v3, v0;
	_ =	sdelay $0x1  }
0x47: {  	v4 =	vadd.s32 v1, v4;
	_ =	sdelay $0x3  }
0x48: {  	s0 =	rddreg [dreg:$0xa];
	v3 =	vperm.xlane v3, v2  }
0x49: {  	[hbm4b:s3+s2] =	stream.indirect_vreg.scatter [tilespmem:s0], [sflag:$0x1], $0x80, v4, vm0, $0xb8;
	[tilespmem:$0x18080] =	vst v63  }
0x4a: {  	s9 =	rddreg [dreg:$0xb];
	v3 =	vadd.s32 v1, v3  }
0x4b: {  	[hbm4b:s4+s2] =	stream.indirect_vreg.scatter [tilespmem:s9], [sflag:$0x1], $0x80, v4, vm0, $0xb8;
	[tilespmem:$0x18080] =	vst v63  }
0x4c: {  	s0 =	rddreg [dreg:$0xc]  }
0x4d: {  	[hbm4b:s5+s2] =	stream.indirect_vreg.scatter [tilespmem:s0], [sflag:$0x1], $0x80, v4, vm0, $0xb8;
	[tilespmem:$0x18080] =	vst v63  }
0x4e: {  	s9 =	rddreg [dreg:$0xd]  }
0x4f: {  	[hbm4b:s3+s2] =	stream.indirect_vreg.scatter [tilespmem:s9], [sflag:$0x1], $0x80, v3, vm0, $0xb8;
	[tilespmem:$0x18080] =	vst v63  }
0x50: {  	s0 =	rddreg [dreg:$0xe]  }
0x51: {  	[hbm4b:s4+s2] =	stream.indirect_vreg.scatter [tilespmem:s0], [sflag:$0x1], $0x80, v3, vm0, $0xb8;
	[tilespmem:$0x18080] =	vst v63  }
0x52: {  	s9 =	rddreg [dreg:$0xf]  }
0x53: {  	[hbm4b:s5+s2] =	stream.indirect_vreg.scatter [tilespmem:s9], [sflag:$0x1], $0x80, v3, vm0, $0xb8;
	[tilespmem:$0x18080] =	vst v63  }
0x54: {  	v3 =	vld [tilespmem:$0x20];
	_ =	sdelay $0x4  }
0x55: {  	v58 =	vshrl.u32 v3, $0x3  }
0x56: {  	v4 =	vmul.u32 $0x30, v58  }
0x57: {  	v3 =	vand.u32 $0x7, v3  }
0x58: {  	v3 =	vor.u32 v3, v4  }
0x59: {  	v4 =	vperm.xlane v3, v0;
	_ =	sdelay $0x1  }
0x5a: {  	v4 =	vadd.s32 v1, v4;
	_ =	sdelay $0x3  }
0x5b: {  	s0 =	rddreg [dreg:$0x10];
	v3 =	vperm.xlane v3, v2  }
0x5c: {  	[hbm4b:s3+s2] =	stream.indirect_vreg.scatter [tilespmem:s0], [sflag:$0x1], $0x80, v4, vm0, $0xb8;
	[tilespmem:$0x18080] =	vst v63  }
0x5d: {  	s9 =	rddreg [dreg:$0x11];
	v3 =	vadd.s32 v1, v3  }
0x5e: {  	[hbm4b:s4+s2] =	stream.indirect_vreg.scatter [tilespmem:s9], [sflag:$0x1], $0x80, v4, vm0, $0xb8;
	[tilespmem:$0x18080] =	vst v63  }
0x5f: {  	s0 =	rddreg [dreg:$0x12]  }
0x60: {  	[hbm4b:s5+s2] =	stream.indirect_vreg.scatter [tilespmem:s0], [sflag:$0x1], $0x80, v4, vm0, $0xb8;
	[tilespmem:$0x18080] =	vst v63  }
0x61: {  	s9 =	rddreg [dreg:$0x13]  }
0x62: {  	[hbm4b:s3+s2] =	stream.indirect_vreg.scatter [tilespmem:s9], [sflag:$0x1], $0x80, v3, vm0, $0xb8;
	[tilespmem:$0x18080] =	vst v63  }
0x63: {  	s0 =	rddreg [dreg:$0x14]  }
0x64: {  	[hbm4b:s4+s2] =	stream.indirect_vreg.scatter [tilespmem:s0], [sflag:$0x1], $0x80, v3, vm0, $0xb8;
	[tilespmem:$0x18080] =	vst v63  }
0x65: {  	s9 =	rddreg [dreg:$0x15]  }
0x66: {  	[hbm4b:s5+s2] =	stream.indirect_vreg.scatter [tilespmem:s9], [sflag:$0x1], $0x80, v3, vm0, $0xb8;
	[tilespmem:$0x18080] =	vst v63  }
0x67: {  	v3 =	vld [tilespmem:$0x30];
	_ =	sdelay $0x4  }
0x68: {  	v59 =	vshrl.u32 v3, $0x3  }
0x69: {  	v4 =	vmul.u32 $0x30, v59  }
0x6a: {  	v3 =	vand.u32 $0x7, v3  }
0x6b: {  	v3 =	vor.u32 v3, v4  }
0x6c: {  	v4 =	vperm.xlane v3, v0;
	_ =	sdelay $0x1  }
0x6d: {  	v4 =	vadd.s32 v1, v4;
	_ =	sdelay $0x3  }
0x6e: {  	s0 =	rddreg [dreg:$0x16];
	v3 =	vperm.xlane v3, v2  }
0x6f: {  	[hbm4b:s3+s2] =	stream.indirect_vreg.scatter [tilespmem:s0], [sflag:$0x1], $0x80, v4, vm0, $0xb8;
	[tilespmem:$0x18080] =	vst v63  }
0x70: {  	s9 =	rddreg [dreg:$0x17];
	v3 =	vadd.s32 v1, v3  }
0x71: {  	[hbm4b:s4+s2] =	stream.indirect_vreg.scatter [tilespmem:s9], [sflag:$0x1], $0x80, v4, vm0, $0xb8;
	[tilespmem:$0x18080] =	vst v63  }
0x72: {  	s0 =	rddreg [dreg:$0x18]  }
0x73: {  	[hbm4b:s5+s2] =	stream.indirect_vreg.scatter [tilespmem:s0], [sflag:$0x1], $0x80, v4, vm0, $0xb8;
	[tilespmem:$0x18080] =	vst v63  }
0x74: {  	s9 =	rddreg [dreg:$0x19]  }
0x75: {  	[hbm4b:s3+s2] =	stream.indirect_vreg.scatter [tilespmem:s9], [sflag:$0x1], $0x80, v3, vm0, $0xb8;
	[tilespmem:$0x18080] =	vst v63  }
0x76: {  	s0 =	rddreg [dreg:$0x1a]  }
0x77: {  	[hbm4b:s4+s2] =	stream.indirect_vreg.scatter [tilespmem:s0], [sflag:$0x1], $0x80, v3, vm0, $0xb8;
	[tilespmem:$0x18080] =	vst v63  }
0x78: {  	s9 =	rddreg [dreg:$0x1b]  }
0x79: {  	[hbm4b:s5+s2] =	stream.indirect_vreg.scatter [tilespmem:s9], [sflag:$0x1], $0x80, v3, vm0, $0xb8;
	[tilespmem:$0x18080] =	vst v63  }
0x7a: {  	v3 =	vld [tilespmem:$0x40];
	_ =	sdelay $0x4  }
0x7b: {  	v60 =	vshrl.u32 v3, $0x3  }
0x7c: {  	v4 =	vmul.u32 $0x30, v60  }
0x7d: {  	v3 =	vand.u32 $0x7, v3  }
0x7e: {  	v3 =	vor.u32 v3, v4  }
0x7f: {  	v4 =	vperm.xlane v3, v0;
	_ =	sdelay $0x1  }
0x80: {  	v4 =	vadd.s32 v1, v4;
	_ =	sdelay $0x3  }
0x81: {  	s0 =	rddreg [dreg:$0x1c];
	v3 =	vperm.xlane v3, v2  }
0x82: {  	[hbm4b:s3+s2] =	stream.indirect_vreg.scatter [tilespmem:s0], [sflag:$0x1], $0x80, v4, vm0, $0xb8;
	[tilespmem:$0x18080] =	vst v63  }
0x83: {  	s9 =	rddreg [dreg:$0x1d];
	v3 =	vadd.s32 v1, v3  }
0x84: {  	[hbm4b:s4+s2] =	stream.indirect_vreg.scatter [tilespmem:s9], [sflag:$0x1], $0x80, v4, vm0, $0xb8;
	[tilespmem:$0x18080] =	vst v63  }
0x85: {  	s9 =	simm.s32 $0xD080  }
0x86: {  	[hbm4b:s5+s2] =	stream.indirect_vreg.scatter [tilespmem:s9], [sflag:$0x1], $0x80, v4, vm0, $0xb8;
	[tilespmem:$0x18080] =	vst v63  }
0x87: {  	_ = 	snop  }
0x88: {  	[hbm4b:s3+s2] =	stream.indirect_vreg.scatter [tilespmem:s10], [sflag:$0x1], $0x80, v3, vm0, $0xb8;
	[tilespmem:$0x18080] =	vst v63  }
0x89: {  	_ = 	snop  }
0x8a: {  	[hbm4b:s4+s2] =	stream.indirect_vreg.scatter [tilespmem:s11], [sflag:$0x1], $0x80, v3, vm0, $0xb8;
	[tilespmem:$0x18080] =	vst v63  }
0x8b: {  	_ = 	snop  }
0x8c: {  	[hbm4b:s5+s2] =	stream.indirect_vreg.scatter [tilespmem:s12], [sflag:$0x1], $0x80, v3, vm0, $0xb8;
	[tilespmem:$0x18080] =	vst v63  }
0x8d: {  	v3 =	vld [tilespmem:$0x50];
	_ =	sdelay $0x4  }
0x8e: {  	v61 =	vshrl.u32 v3, $0x3  }
0x8f: {  	v4 =	vmul.u32 $0x30, v61  }
0x90: {  	v3 =	vand.u32 $0x7, v3  }
0x91: {  	v3 =	vor.u32 v3, v4  }
0x92: {  	v4 =	vperm.xlane v3, v0;
	_ =	sdelay $0x1  }
0x93: {  	v4 =	vadd.s32 v1, v4;
	_ =	sdelay $0x3  }
0x94: {  	v3 =	vperm.xlane v3, v2  }
0x95: {  	[hbm4b:s3+s2] =	stream.indirect_vreg.scatter [tilespmem:s13], [sflag:$0x1], $0x80, v4, vm0, $0xb8;
	[tilespmem:$0x18080] =	vst v63  }
0x96: {  	v3 =	vadd.s32 v1, v3  }
0x97: {  	[hbm4b:s4+s2] =	stream.indirect_vreg.scatter [tilespmem:s14], [sflag:$0x1], $0x80, v4, vm0, $0xb8;
	[tilespmem:$0x18080] =	vst v63  }
0x98: {  	_ = 	snop  }
0x99: {  	[hbm4b:s5+s2] =	stream.indirect_vreg.scatter [tilespmem:s15], [sflag:$0x1], $0x80, v4, vm0, $0xb8;
	[tilespmem:$0x18080] =	vst v63  }
0x9a: {  	_ = 	snop  }
0x9b: {  	[hbm4b:s3+s2] =	stream.indirect_vreg.scatter [tilespmem:s16], [sflag:$0x1], $0x80, v3, vm0, $0xb8;
	[tilespmem:$0x18080] =	vst v63  }
0x9c: {  	_ = 	snop  }
0x9d: {  	[hbm4b:s4+s2] =	stream.indirect_vreg.scatter [tilespmem:s17], [sflag:$0x1], $0x80, v3, vm0, $0xb8;
	[tilespmem:$0x18080] =	vst v63  }
0x9e: {  	_ = 	snop  }
0x9f: {  	[hbm4b:s5+s2] =	stream.indirect_vreg.scatter [tilespmem:s18], [sflag:$0x1], $0x80, v3, vm0, $0xb8;
	[tilespmem:$0x18080] =	vst v63  }
0xa0: {  	v3 =	vld [tilespmem:$0x60];
	_ =	sdelay $0x4  }
0xa1: {  	v62 =	vshrl.u32 v3, $0x3  }
0xa2: {  	v4 =	vmul.u32 $0x30, v62  }
0xa3: {  	v3 =	vand.u32 $0x7, v3  }
0xa4: {  	v3 =	vor.u32 v3, v4  }
0xa5: {  	v4 =	vperm.xlane v3, v0;
	_ =	sdelay $0x1  }
0xa6: {  	v4 =	vadd.s32 v1, v4;
	_ =	sdelay $0x3  }
0xa7: {  	v3 =	vperm.xlane v3, v2  }
0xa8: {  	[hbm4b:s3+s2] =	stream.indirect_vreg.scatter [tilespmem:s19], [sflag:$0x1], $0x80, v4, vm0, $0xb8;
	[tilespmem:$0x18080] =	vst v63  }
0xa9: {  	v3 =	vadd.s32 v1, v3  }
0xaa: {  	[hbm4b:s4+s2] =	stream.indirect_vreg.scatter [tilespmem:s20], [sflag:$0x1], $0x80, v4, vm0, $0xb8;
	[tilespmem:$0x18080] =	vst v63  }
0xab: {  	_ = 	snop  }
0xac: {  	[hbm4b:s5+s2] =	stream.indirect_vreg.scatter [tilespmem:s21], [sflag:$0x1], $0x80, v4, vm0, $0xb8;
	[tilespmem:$0x18080] =	vst v63  }
0xad: {  	_ = 	snop  }
0xae: {  	[hbm4b:s3+s2] =	stream.indirect_vreg.scatter [tilespmem:s22], [sflag:$0x1], $0x80, v3, vm0, $0xb8;
	[tilespmem:$0x18080] =	vst v63  }
0xaf: {  	_ = 	snop  }
0xb0: {  	[hbm4b:s4+s2] =	stream.indirect_vreg.scatter [tilespmem:s23], [sflag:$0x1], $0x80, v3, vm0, $0xb8;
	[tilespmem:$0x18080] =	vst v63  }
0xb1: {  	_ = 	snop  }
0xb2: {  	[hbm4b:s5+s2] =	stream.indirect_vreg.scatter [tilespmem:s24], [sflag:$0x1], $0x80, v3, vm0, $0xb8;
	[tilespmem:$0x18080] =	vst v63  }
0xb3: {  	v3 =	vld [tilespmem:$0x70];
	_ =	sdelay $0x4  }
0xb4: {  	v63 =	vshrl.u32 v3, $0x3  }
0xb5: {  	v4 =	vmul.u32 $0x30, v63  }
0xb6: {  	v3 =	vand.u32 $0x7, v3  }
0xb7: {  	v3 =	vor.u32 v3, v4  }
0xb8: {  	v4 =	vperm.xlane v3, v0;
	_ =	sdelay $0x1  }
0xb9: {  	v4 =	vadd.s32 v1, v4;
	_ =	sdelay $0x3  }
0xba: {  	v3 =	vperm.xlane v3, v2  }
0xbb: {  	[hbm4b:s3+s2] =	stream.indirect_vreg.scatter [tilespmem:s25], [sflag:$0x1], $0x80, v4, vm0, $0xb8;
	[tilespmem:$0x18080] =	vst v63  }
0xbc: {  	v3 =	vadd.s32 v1, v3  }
0xbd: {  	[hbm4b:s4+s2] =	stream.indirect_vreg.scatter [tilespmem:s26], [sflag:$0x1], $0x80, v4, vm0, $0xb8;
	[tilespmem:$0x18080] =	vst v63  }
0xbe: {  	_ = 	snop  }
0xbf: {  	[hbm4b:s5+s2] =	stream.indirect_vreg.scatter [tilespmem:s28], [sflag:$0x1], $0x80, v4, vm0, $0xb8;
	[tilespmem:$0x18080] =	vst v63  }
0xc0: {  	_ = 	snop  }
0xc1: {  	[hbm4b:s3+s2] =	stream.indirect_vreg.scatter [tilespmem:s29], [sflag:$0x1], $0x80, v3, vm0, $0xb8;
	[tilespmem:$0x18080] =	vst v63  }
0xc2: {  	p0 =	sne.s32 s6, $0x1  }
0xc3: {  	[hbm4b:s4+s2] =	stream.indirect_vreg.scatter [tilespmem:s30], [sflag:$0x1], $0x80, v3, vm0, $0xb8;
	[tilespmem:$0x18080] =	vst v63  }
.Ltmp0:
0xc4: {  	_ = 	snop;
	(pc) =	sbr.rel @p0 .LBB2_1-.Ltmp0, $4  }
0xc5: {  	[hbm4b:s5+s2] =	stream.indirect_vreg.scatter [tilespmem:s31], [sflag:$0x1], $0x80, v3, vm0, $0xb8;
	[tilespmem:$0x18080] =	vst v63  }
0xc6: {  	_ =	swait.ge [sflag:s1], $0x18000  }
0xc7: {  	[sflag:s1] =	ssyncset.done $0x0  }
0xc8: {  	s6 =	sadd.s32 $0xFFFFFFFF, s6;
	[sflag:s1] =	ssyncadd.s32 $0xFFFE8000  }
0xc9: {  	_ =	sfence.sel $0x180000  }
0xca: {  	[bflag:$0x0] =	sbarrier.arrive $0xFFFF  }
0xcb: {  	_ =	strace $0x90000047  }
0xcc: {  	s0 =	stileid.u32;
	[bflag:$0x2] =	sbarrier.arrive $0xFFFF  }
0xcd: {  	p0 =	sne.s32 s0, $0x0;
	s0 =	rddreg [dreg:$0x2]  }
0xce: {  	s0 =	sadd.s32 @!p0 $0x100000, s0  }
0xcf: {  	[sflag:s0] =	ssyncadd.tile.s32 @!p0 $0x1;
	_ =	shalt  }
.Lfunc_end2:
_tile_overlayer_lowered:
.L_overlay_start_2:
0xd0: {  	(tag) =	ssettag $0x2  }
0xd1: {  	s0 =	rddreg [dreg:$0x0];
	s2 =	stileid.u32  }
0xd2: {  	s1 =	rddreg [dreg:$0x1];
	p0 =	sne.s32 s2, $0x0  }
0xd3: {  	s3 =	rddreg [dreg:$0x2];
	[bflag:$0x3] =	sbarrier.arrive $0xFFFF;
	s2 =	simm.s32 @!p0 $0x1C02  }
0xd4: {  	[timem:s3], [sflag:s2] =	dma.local @!p0 [hbm:s0], s1  }
0xd5: {  	s0 =	simm.s32 @!p0 $0x2  }
0xd6: {  	_ =	swait.ge @!p0 [sflag:s0], s1  }
0xd7: {  	s1 =	ssub.s32 @!p0 $0x0, s1;
	[sflag:s0] =	ssyncset.done @!p0 $0x0  }
0xd8: {  	[sflag:s0] =	ssyncadd.s32 @!p0 s1  }
0xd9: {  	[bflag:$0x3] =	sbarrier.arrive $0xFFFF  }
0xda: {  	_ =	shalt  }

</sc_bundles>
